<compile_context>
chip_gen: v7x
topology: tpu7x:2x2x1
jax: 0.10.2.dev20260603
libtpu: 0.0.44.dev20260713+nightly
codegen_flags: <defaults>
</compile_context>

<pallas_src>
import functools

import jax
import jax.numpy as jnp
from jax import lax
from jax.experimental import pallas as pl
from jax.experimental.pallas import tpu as pltpu
from jax.experimental.pallas import tpu_sc as plsc

_B, _C, _N, _K = 32, 384, 256, 16
_C_OUT = 768
_L = 16
_CW = _C // 2
_JW = _CW // _L
_STRIDE = _CW + 1
_NCHUNK = 128
_CCHUNK = 64


def _sc_raw_body(x_hbm, idx_hbm, out_hbm, table_v, out_v, idx_v, stage_v):
    cid = lax.axis_index("c")
    sid = lax.axis_index("s")
    wid = sid * 2 + cid

    pltpu.sync_copy(idx_hbm.at[0, wid], idx_v)

    lanes = lax.iota(jnp.int32, _L)

    def stage_chunk(sc, _):
        c0 = sc * _CCHUNK
        pltpu.sync_copy(x_hbm.at[wid, pl.ds(c0, _CCHUNK)], stage_v)

        def group_body(g, _):
            rowbase = (g * _L + lanes) * _STRIDE + (c0 // 2)
            for j2 in range(_CCHUNK // 2):
                a = stage_v[2 * j2, pl.ds(g * _L, _L)]
                b = stage_v[2 * j2 + 1, pl.ds(g * _L, _L)]
                w = plsc.bitcast(
                    plsc.pack(a, b, format=plsc.PackFormat.INTERLEAVED),
                    jnp.int32)
                plsc.store_scatter(table_v, [rowbase + j2], w)
            return ()

        lax.fori_loop(0, _N // _L, group_body, ())
        return ()

    lax.fori_loop(0, _C // _CCHUNK, stage_chunk, ())

    def chunk_body(ch, _):
        node0 = ch * _NCHUNK

        def node_body(i, _):
            ioff = (node0 + i) * _K
            acc = [None] * _JW
            for r in range(_K):
                rid = plsc.load_gather(
                    idx_v, [jnp.full((_L,), 0, jnp.int32) + (ioff + r)])
                base = rid * _STRIDE + lanes
                for j in range(_JW):
                    w = plsc.load_gather(table_v, [base + j * _L])
                    v = plsc.bitcast(w, jnp.bfloat16)
                    acc[j] = v if r == 0 else jnp.maximum(acc[j], v)
            for j in range(_JW):
                out_v[i, pl.ds(j * 2 * _L, 2 * _L)] = acc[j]
            return ()

        lax.fori_loop(0, _NCHUNK, node_body, ())
        pltpu.sync_copy(out_v, out_hbm.at[pl.ds(wid * _N + node0, _NCHUNK)])
        return ()

    lax.fori_loop(0, _N // _NCHUNK, chunk_body, ())


@functools.cache
def _sc_gather_max():
    mesh = plsc.VectorSubcoreMesh(
        core_axis_name="c", subcore_axis_name="s",
        num_cores=2, num_subcores=16)
    return functools.partial(
        pl.kernel,
        out_type=jax.ShapeDtypeStruct((_B * _N, _C), jnp.bfloat16),
        mesh=mesh,
        scratch_types=[
            pltpu.VMEM((_N * _STRIDE,), jnp.int32),
            pltpu.VMEM((_NCHUNK, _C), jnp.bfloat16),
            pltpu.VMEM((_N * _K,), jnp.int32),
            pltpu.VMEM((_CCHUNK, _N), jnp.float32),
        ],
        compiler_params=pltpu.CompilerParams(
            use_tc_tiling_on_sc=False, needs_layout_passes=False,
            disable_bounds_checks=True),
    )(_sc_raw_body)


def _tc_body(x_ref, xjm_ref, w1_ref, b1_ref, w2_ref, b2_ref, out_ref):
    x = x_ref[0]
    h = jnp.maximum(
        lax.dot_general(w1_ref[...], x, (((0,), (0,)), ((), ())),
                        preferred_element_type=jnp.float32) + b1_ref[...],
        0.0)
    xjm = xjm_ref[0]
    w2a = w2_ref[pl.ds(0, _C), :]
    w2b = w2_ref[pl.ds(_C, _C), :].astype(jnp.bfloat16)
    pre = (
        lax.dot_general(w2a, h, (((0,), (0,)), ((), ())),
                        preferred_element_type=jnp.float32)
        + lax.dot_general(w2b, xjm, (((0,), (1,)), ((), ())),
                          preferred_element_type=jnp.float32)
        + b2_ref[...])
    out_ref[0] = jax.nn.sigmoid(jnp.maximum(pre, 0.0))


_tc_dense = pl.pallas_call(
    _tc_body,
    grid=(_B,),
    in_specs=[
        pl.BlockSpec((1, _C, _N), lambda b: (b, 0, 0)),
        pl.BlockSpec((1, _N, _C), lambda b: (b, 0, 0)),
        pl.BlockSpec((_C, _C), lambda b: (0, 0)),
        pl.BlockSpec((_C, 1), lambda b: (0, 0)),
        pl.BlockSpec((2 * _C, _C_OUT), lambda b: (0, 0)),
        pl.BlockSpec((_C_OUT, 1), lambda b: (0, 0)),
    ],
    out_specs=pl.BlockSpec((1, _C_OUT, _N), lambda b: (b, 0, 0)),
    out_shape=jax.ShapeDtypeStruct((_B, _C_OUT, _N), jnp.float32),
)


def kernel(x, edge_index, W1, b1, W2, b2):
    x_sq = x.reshape(_B, _C, _N)
    idx = edge_index.astype(jnp.int32).reshape(2, _B, _N * _K)
    xjm = _sc_gather_max()(x_sq, idx)
    out = _tc_dense(x_sq, xjm.reshape(_B, _N, _C), W1,
                    b1.reshape(_C, 1), W2,
                    b2.reshape(_C_OUT, 1))
    return out[:, :, :, None]

# --- scband reference (transcript-rebuilt; emitter-appended) ---
"""Pipeline reference for scband-graph-conv2d-85753317032404 (READ-ONLY COPY).

The authoritative reference and input builder live on the scoring server;
editing this copy changes nothing except your own understanding.
"""

import jax, jax.numpy as jnp
import numpy as np

B, C, N, K = 32, 384, 256, 16
C_OUT = 768

def setup_inputs(seed: int = 0) -> dict:
    key = jax.random.key(seed)
    k1, k2, k3, k4, k5, k6 = jax.random.split(key, 6)
    x = jax.random.normal(k1, (B, C, N, 1), dtype=jnp.float32)
    edge_index = jax.random.randint(k2, (2, B, N, K), 0, N, dtype=jnp.int64)
    # GraphConvLayer nn1: 1x1 conv C -> C
    W1 = jax.random.normal(k3, (C, C), dtype=jnp.float32) * 0.05
    b1 = jax.random.normal(k4, (C,), dtype=jnp.float32) * 0.01
    # GraphConvLayer nn2: 1x1 conv 2C -> C_OUT
    W2 = jax.random.normal(k5, (2 * C, C_OUT), dtype=jnp.float32) * 0.05
    b2 = jax.random.normal(k6, (C_OUT,), dtype=jnp.float32) * 0.01
    return {"x": x, "edge_index": edge_index, "W1": W1, "b1": b1, "W2": W2, "b2": b2}

def _conv1x1(x, W, b):
    # x: [B, Cin, N, Kdim], W: [Cin, Cout], b: [Cout]
    return jnp.einsum('bcnk,co->bonk', x, W) + b[None, :, None, None]

def reference(x, edge_index, W1, b1, W2, b2):
    # GraphConv2d(conv='sage') -> GraphSAGE forward
    Bb, Cc, Nn, _ = x.shape
    idx = edge_index[0]                      # [B, N, K]
    Kk = idx.shape[-1]
    x_sq = x[:, :, :, 0]                     # [B, C, N]
    # batched_index_select: gather neighbor features along node dim
    x_j = jnp.take_along_axis(x_sq, idx.reshape(Bb, 1, Nn * Kk), axis=2)
    x_j = x_j.reshape(Bb, Cc, Nn, Kk)        # [B, C, N, K]
    # nn1(x): conv1x1 + relu
    h = jax.nn.relu(_conv1x1(x, W1, b1))     # [B, C, N, 1]
    # max aggregation over neighbors, keepdim
    x_j_max = jnp.max(x_j, axis=-1, keepdims=True)  # [B, C, N, 1]
    cat = jnp.concatenate([h, x_j_max], axis=1)     # [B, 2C, N, 1]
    # nn2(cat): conv1x1 + relu
    x_k = jax.nn.relu(_conv1x1(cat, W2, b2))        # [B, C_OUT, N, 1]
    return jax.nn.sigmoid(x_k)

if __name__ == "__main__":
    import jax
    _d = setup_inputs()
    print(jax.jit(kernel)(*tuple(_d.values())))

</pallas_src>

<mosaic_0001>
#map = affine_map<(d0, d1) -> (0, 0, 0)>
#map1 = affine_map<(d0, d1) -> (0, 0)>
module attributes {stable_mosaic.version = 14 : i64} {
  func.func @_sc_raw_body(%arg0: i32, %arg1: i32, %arg2: memref<32x384x256xf32, #tpu.memory_space<hbm>>, %arg3: memref<2x32x4096xi32, #tpu.memory_space<hbm>>, %arg4: memref<8192x384xbf16, #tpu.memory_space<hbm>>, %arg5: memref<49408xi32, #tpu.memory_space<vmem>>, %arg6: memref<128x384xbf16, #tpu.memory_space<vmem>>, %arg7: memref<4096xi32, #tpu.memory_space<vmem>>, %arg8: memref<64x256xf32, #tpu.memory_space<vmem>>) attributes {dimension_semantics = [#tpu.dimension_semantics<core_parallel>, #tpu.dimension_semantics<subcore_parallel>], iteration_bounds = array<i64: 2, 16>, scalar_prefetch = 0 : i64, scratch_operands = 4 : i64, tpu.core_type = #tpu.core_type<sc_vector_subcore>, window_params = [{transform_indices = #map}, {transform_indices = #map}, {transform_indices = #map1}]} {
    %mul3A = arith.constant 2 : i32
    %mul3A_0 = arith.muli %arg1, %mul3A : i32
    %add3A = arith.addi %mul3A_0, %arg0 : i32
    %run_scoped3A = arith.constant 0 : i32
    "tpu.region"() ({
      %run_scoped3A_10 = tpu.sem_alloc : memref<!tpu.dma_semaphore, #tpu.memory_space<semaphore_mem>>
      %dma_start3A = arith.constant 0 : i32
      %dma_start3A_11 = tpu.memref_slice %arg3[%run_scoped3A, %add3A, %dma_start3A] : memref<2x32x4096xi32, #tpu.memory_space<hbm>> -> memref<1x1x4096xi32, #tpu.memory_space<hbm>>
      %dma_start3A_12 = tpu.memref_squeeze %dma_start3A_11 : memref<1x1x4096xi32, #tpu.memory_space<hbm>> -> memref<4096xi32, #tpu.memory_space<hbm>>
      %dma_start3A_13 = arith.constant 0 : i32
      %dma_start3A_14 = tpu.memref_slice %arg3[%run_scoped3A, %add3A, %dma_start3A_13] : memref<2x32x4096xi32, #tpu.memory_space<hbm>> -> memref<1x1x4096xi32, #tpu.memory_space<hbm>>
      %dma_start3A_15 = tpu.memref_squeeze %dma_start3A_14 : memref<1x1x4096xi32, #tpu.memory_space<hbm>> -> memref<4096xi32, #tpu.memory_space<hbm>>
      tpu.enqueue_dma source(%dma_start3A_15 : memref<4096xi32, #tpu.memory_space<hbm>>) target(%arg7 : memref<4096xi32, #tpu.memory_space<vmem>>) target_semaphore(%run_scoped3A_10 : memref<!tpu.dma_semaphore, #tpu.memory_space<semaphore_mem>>)
      %dma_wait3A = arith.constant 0 : i32
      %dma_wait3A_16 = tpu.memref_slice %arg3[%run_scoped3A, %add3A, %dma_wait3A] : memref<2x32x4096xi32, #tpu.memory_space<hbm>> -> memref<1x1x4096xi32, #tpu.memory_space<hbm>>
      %dma_wait3A_17 = tpu.memref_squeeze %dma_wait3A_16 : memref<1x1x4096xi32, #tpu.memory_space<hbm>> -> memref<4096xi32, #tpu.memory_space<hbm>>
      %dma_wait3A_18 = arith.constant 0 : i32
      %dma_wait3A_19 = tpu.memref_slice %arg3[%run_scoped3A, %add3A, %dma_wait3A_18] : memref<2x32x4096xi32, #tpu.memory_space<hbm>> -> memref<1x1x4096xi32, #tpu.memory_space<hbm>>
      %dma_wait3A_20 = tpu.memref_squeeze %dma_wait3A_19 : memref<1x1x4096xi32, #tpu.memory_space<hbm>> -> memref<4096xi32, #tpu.memory_space<hbm>>
      tpu.wait_dma2 semaphore(%run_scoped3A_10 : memref<!tpu.dma_semaphore, #tpu.memory_space<semaphore_mem>>) src(%dma_wait3A_20 : memref<4096xi32, #tpu.memory_space<hbm>>) dst(%arg7 : memref<4096xi32, #tpu.memory_space<vmem>>)
      tpu.yield
    }) : () -> ()
    %iota3A = tpu.iota {dimensions = array<i32: 0>} : vector<16xi32>
    %scan3A = arith.constant 0 : i32
    %scan3A_1 = arith.constant 6 : i32
    %scan3A_2 = arith.addi %scan3A, %scan3A_1 : i32
    %scan3A_3 = arith.constant 1 : i32
    scf.for %scan3A_10 = %scan3A to %scan3A_2 step %scan3A_3  : i32 {
      %mul3A_11 = arith.constant 64 : i32
      %mul3A_12 = arith.muli %scan3A_10, %mul3A_11 : i32
      "tpu.region"() ({
        %run_scoped3A_18 = tpu.sem_alloc : memref<!tpu.dma_semaphore, #tpu.memory_space<semaphore_mem>>
        %dma_start3A = arith.constant 0 : i32
        %dma_start3A_19 = tpu.memref_slice %arg2[%add3A, %mul3A_12, %dma_start3A] : memref<32x384x256xf32, #tpu.memory_space<hbm>> -> memref<1x64x256xf32, #tpu.memory_space<hbm>>
        %dma_start3A_20 = tpu.memref_squeeze %dma_start3A_19 : memref<1x64x256xf32, #tpu.memory_space<hbm>> -> memref<64x256xf32, #tpu.memory_space<hbm>>
        %dma_start3A_21 = arith.constant 0 : i32
        %dma_start3A_22 = tpu.memref_slice %arg2[%add3A, %mul3A_12, %dma_start3A_21] : memref<32x384x256xf32, #tpu.memory_space<hbm>> -> memref<1x64x256xf32, #tpu.memory_space<hbm>>
        %dma_start3A_23 = tpu.memref_squeeze %dma_start3A_22 : memref<1x64x256xf32, #tpu.memory_space<hbm>> -> memref<64x256xf32, #tpu.memory_space<hbm>>
        tpu.enqueue_dma source(%dma_start3A_23 : memref<64x256xf32, #tpu.memory_space<hbm>>) target(%arg8 : memref<64x256xf32, #tpu.memory_space<vmem>>) target_semaphore(%run_scoped3A_18 : memref<!tpu.dma_semaphore, #tpu.memory_space<semaphore_mem>>)
        %dma_wait3A = arith.constant 0 : i32
        %dma_wait3A_24 = tpu.memref_slice %arg2[%add3A, %mul3A_12, %dma_wait3A] : memref<32x384x256xf32, #tpu.memory_space<hbm>> -> memref<1x64x256xf32, #tpu.memory_space<hbm>>
        %dma_wait3A_25 = tpu.memref_squeeze %dma_wait3A_24 : memref<1x64x256xf32, #tpu.memory_space<hbm>> -> memref<64x256xf32, #tpu.memory_space<hbm>>
        %dma_wait3A_26 = arith.constant 0 : i32
        %dma_wait3A_27 = tpu.memref_slice %arg2[%add3A, %mul3A_12, %dma_wait3A_26] : memref<32x384x256xf32, #tpu.memory_space<hbm>> -> memref<1x64x256xf32, #tpu.memory_space<hbm>>
        %dma_wait3A_28 = tpu.memref_squeeze %dma_wait3A_27 : memref<1x64x256xf32, #tpu.memory_space<hbm>> -> memref<64x256xf32, #tpu.memory_space<hbm>>
        tpu.wait_dma2 semaphore(%run_scoped3A_18 : memref<!tpu.dma_semaphore, #tpu.memory_space<semaphore_mem>>) src(%dma_wait3A_28 : memref<64x256xf32, #tpu.memory_space<hbm>>) dst(%arg8 : memref<64x256xf32, #tpu.memory_space<vmem>>)
        tpu.yield
      }) : () -> ()
      %scan3A_13 = arith.constant 0 : i32
      %scan3A_14 = arith.constant 16 : i32
      %scan3A_15 = arith.addi %scan3A_13, %scan3A_14 : i32
      %scan3A_16 = arith.constant 1 : i32
      scf.for %scan3A_18 = %scan3A_13 to %scan3A_15 step %scan3A_16  : i32 {
        %mul3A_19 = arith.constant 16 : i32
        %mul3A_20 = arith.muli %scan3A_18, %mul3A_19 : i32
        %add3A_21 = vector.broadcast %mul3A_20 : i32 to vector<16xi32>
        %add3A_22 = arith.addi %add3A_21, %iota3A : vector<16xi32>
        %mul3A_23 = arith.constant 193 : i32
        %mul3A_24 = vector.broadcast %mul3A_23 : i32 to vector<16xi32>
        %mul3A_25 = arith.muli %add3A_22, %mul3A_24 : vector<16xi32>
        %jit3A = arith.constant 2 : i32
        %div3A = arith.divsi %mul3A_12, %jit3A : i32
        %sign3A = arith.constant 0 : i32
        %sign3A_26 = arith.cmpi sgt, %mul3A_12, %sign3A : i32
        %sign3A_27 = arith.extui %sign3A_26 : i1 to i32
        %sign3A_28 = arith.constant 0 : i32
        %sign3A_29 = arith.cmpi slt, %mul3A_12, %sign3A_28 : i32
        %sign3A_30 = arith.extui %sign3A_29 : i1 to i32
        %sign3A_31 = arith.subi %sign3A_27, %sign3A_30 : i32
        %sign3A_32 = arith.constant 0 : i32
        %sign3A_33 = arith.cmpi sgt, %jit3A, %sign3A_32 : i32
        %sign3A_34 = arith.extui %sign3A_33 : i1 to i32
        %sign3A_35 = arith.constant 0 : i32
        %sign3A_36 = arith.cmpi slt, %jit3A, %sign3A_35 : i32
        %sign3A_37 = arith.extui %sign3A_36 : i1 to i32
        %sign3A_38 = arith.subi %sign3A_34, %sign3A_37 : i32
        %ne3A = arith.cmpi ne, %sign3A_31, %sign3A_38 : i32
        %rem3A = arith.remsi %mul3A_12, %jit3A : i32
        %ne3A_39 = arith.constant 0 : i32
        %ne3A_40 = arith.cmpi ne, %rem3A, %ne3A_39 : i32
        %and3A = arith.andi %ne3A, %ne3A_40 : i1
        %sub3A = arith.constant 1 : i32
        %sub3A_41 = arith.subi %div3A, %sub3A : i32
        %select_n3A = arith.select %and3A, %sub3A_41, %div3A : i32
        %add3A_42 = vector.broadcast %select_n3A : i32 to vector<16xi32>
        %add3A_43 = arith.addi %mul3A_25, %add3A_42 : vector<16xi32>
        %mul3A_44 = arith.constant 16 : i32
        %mul3A_45 = arith.muli %scan3A_18, %mul3A_44 : i32
        %get3A = arith.constant 0 : i32
        %get3A_46 = arith.index_cast %get3A : i32 to index
        %get3A_47 = arith.index_cast %mul3A_45 : i32 to index
        %get3A_48 = tpu.vector_load %arg8[%get3A_46, %get3A_47] {strides = array<i32>} : memref<64x256xf32, #tpu.memory_space<vmem>>, vector<16xf32>,
        %mul3A_49 = arith.constant 16 : i32
        %mul3A_50 = arith.muli %scan3A_18, %mul3A_49 : i32
        %get3A_51 = arith.constant 1 : i32
        %get3A_52 = arith.index_cast %get3A_51 : i32 to index
        %get3A_53 = arith.index_cast %mul3A_50 : i32 to index
        %get3A_54 = tpu.vector_load %arg8[%get3A_52, %get3A_53] {strides = array<i32>} : memref<64x256xf32, #tpu.memory_space<vmem>>, vector<16xf32>,
        %pack3A = tpu.pack_subelements %get3A_48, %get3A_54 {pack_format = #tpu.pack_format<interleaved>, positions = array<i32: 0, 1>} : vector<16xf32>, vector<16xf32> -> vector<32xbf16>
        %bitcast3A = vector.bitcast %pack3A : vector<32xbf16> to vector<16xi32>
        %add3A_55 = arith.constant 0 : i32
        %add3A_56 = vector.broadcast %add3A_55 : i32 to vector<16xi32>
        %add3A_57 = arith.addi %add3A_43, %add3A_56 : vector<16xi32>
        tpu.vector_store_idx %arg5[%add3A_57], %bitcast3A : memref<49408xi32, #tpu.memory_space<vmem>>[vector<16xi32>], vector<16xi32>,
        %mul3A_58 = arith.constant 16 : i32
        %mul3A_59 = arith.muli %scan3A_18, %mul3A_58 : i32
        %get3A_60 = arith.constant 2 : i32
        %get3A_61 = arith.index_cast %get3A_60 : i32 to index
        %get3A_62 = arith.index_cast %mul3A_59 : i32 to index
        %get3A_63 = tpu.vector_load %arg8[%get3A_61, %get3A_62] {strides = array<i32>} : memref<64x256xf32, #tpu.memory_space<vmem>>, vector<16xf32>,
        %mul3A_64 = arith.constant 16 : i32
        %mul3A_65 = arith.muli %scan3A_18, %mul3A_64 : i32
        %get3A_66 = arith.constant 3 : i32
        %get3A_67 = arith.index_cast %get3A_66 : i32 to index
        %get3A_68 = arith.index_cast %mul3A_65 : i32 to index
        %get3A_69 = tpu.vector_load %arg8[%get3A_67, %get3A_68] {strides = array<i32>} : memref<64x256xf32, #tpu.memory_space<vmem>>, vector<16xf32>,
        %pack3A_70 = tpu.pack_subelements %get3A_63, %get3A_69 {pack_format = #tpu.pack_format<interleaved>, positions = array<i32: 0, 1>} : vector<16xf32>, vector<16xf32> -> vector<32xbf16>
        %bitcast3A_71 = vector.bitcast %pack3A_70 : vector<32xbf16> to vector<16xi32>
        %add3A_72 = arith.constant 1 : i32
        %add3A_73 = vector.broadcast %add3A_72 : i32 to vector<16xi32>
        %add3A_74 = arith.addi %add3A_43, %add3A_73 : vector<16xi32>
        tpu.vector_store_idx %arg5[%add3A_74], %bitcast3A_71 : memref<49408xi32, #tpu.memory_space<vmem>>[vector<16xi32>], vector<16xi32>,
        %mul3A_75 = arith.constant 16 : i32
        %mul3A_76 = arith.muli %scan3A_18, %mul3A_75 : i32
        %get3A_77 = arith.constant 4 : i32
        %get3A_78 = arith.index_cast %get3A_77 : i32 to index
        %get3A_79 = arith.index_cast %mul3A_76 : i32 to index
        %get3A_80 = tpu.vector_load %arg8[%get3A_78, %get3A_79] {strides = array<i32>} : memref<64x256xf32, #tpu.memory_space<vmem>>, vector<16xf32>,
        %mul3A_81 = arith.constant 16 : i32
        %mul3A_82 = arith.muli %scan3A_18, %mul3A_81 : i32
        %get3A_83 = arith.constant 5 : i32
        %get3A_84 = arith.index_cast %get3A_83 : i32 to index
        %get3A_85 = arith.index_cast %mul3A_82 : i32 to index
        %get3A_86 = tpu.vector_load %arg8[%get3A_84, %get3A_85] {strides = array<i32>} : memref<64x256xf32, #tpu.memory_space<vmem>>, vector<16xf32>,
        %pack3A_87 = tpu.pack_subelements %get3A_80, %get3A_86 {pack_format = #tpu.pack_format<interleaved>, positions = array<i32: 0, 1>} : vector<16xf32>, vector<16xf32> -> vector<32xbf16>
        %bitcast3A_88 = vector.bitcast %pack3A_87 : vector<32xbf16> to vector<16xi32>
        %add3A_89 = arith.constant 2 : i32
        %add3A_90 = vector.broadcast %add3A_89 : i32 to vector<16xi32>
        %add3A_91 = arith.addi %add3A_43, %add3A_90 : vector<16xi32>
        tpu.vector_store_idx %arg5[%add3A_91], %bitcast3A_88 : memref<49408xi32, #tpu.memory_space<vmem>>[vector<16xi32>], vector<16xi32>,
        %mul3A_92 = arith.constant 16 : i32
        %mul3A_93 = arith.muli %scan3A_18, %mul3A_92 : i32
        %get3A_94 = arith.constant 6 : i32
        %get3A_95 = arith.index_cast %get3A_94 : i32 to index
        %get3A_96 = arith.index_cast %mul3A_93 : i32 to index
        %get3A_97 = tpu.vector_load %arg8[%get3A_95, %get3A_96] {strides = array<i32>} : memref<64x256xf32, #tpu.memory_space<vmem>>, vector<16xf32>,
        %mul3A_98 = arith.constant 16 : i32
        %mul3A_99 = arith.muli %scan3A_18, %mul3A_98 : i32
        %get3A_100 = arith.constant 7 : i32
        %get3A_101 = arith.index_cast %get3A_100 : i32 to index
        %get3A_102 = arith.index_cast %mul3A_99 : i32 to index
        %get3A_103 = tpu.vector_load %arg8[%get3A_101, %get3A_102] {strides = array<i32>} : memref<64x256xf32, #tpu.memory_space<vmem>>, vector<16xf32>,
        %pack3A_104 = tpu.pack_subelements %get3A_97, %get3A_103 {pack_format = #tpu.pack_format<interleaved>, positions = array<i32: 0, 1>} : vector<16xf32>, vector<16xf32> -> vector<32xbf16>
        %bitcast3A_105 = vector.bitcast %pack3A_104 : vector<32xbf16> to vector<16xi32>
        %add3A_106 = arith.constant 3 : i32
        %add3A_107 = vector.broadcast %add3A_106 : i32 to vector<16xi32>
        %add3A_108 = arith.addi %add3A_43, %add3A_107 : vector<16xi32>
        tpu.vector_store_idx %arg5[%add3A_108], %bitcast3A_105 : memref<49408xi32, #tpu.memory_space<vmem>>[vector<16xi32>], vector<16xi32>,
        %mul3A_109 = arith.constant 16 : i32
        %mul3A_110 = arith.muli %scan3A_18, %mul3A_109 : i32
        %get3A_111 = arith.constant 8 : i32
        %get3A_112 = arith.index_cast %get3A_111 : i32 to index
        %get3A_113 = arith.index_cast %mul3A_110 : i32 to index
        %get3A_114 = tpu.vector_load %arg8[%get3A_112, %get3A_113] {strides = array<i32>} : memref<64x256xf32, #tpu.memory_space<vmem>>, vector<16xf32>,
        %mul3A_115 = arith.constant 16 : i32
        %mul3A_116 = arith.muli %scan3A_18, %mul3A_115 : i32
        %get3A_117 = arith.constant 9 : i32
        %get3A_118 = arith.index_cast %get3A_117 : i32 to index
        %get3A_119 = arith.index_cast %mul3A_116 : i32 to index
        %get3A_120 = tpu.vector_load %arg8[%get3A_118, %get3A_119] {strides = array<i32>} : memref<64x256xf32, #tpu.memory_space<vmem>>, vector<16xf32>,
        %pack3A_121 = tpu.pack_subelements %get3A_114, %get3A_120 {pack_format = #tpu.pack_format<interleaved>, positions = array<i32: 0, 1>} : vector<16xf32>, vector<16xf32> -> vector<32xbf16>
        %bitcast3A_122 = vector.bitcast %pack3A_121 : vector<32xbf16> to vector<16xi32>
        %add3A_123 = arith.constant 4 : i32
        %add3A_124 = vector.broadcast %add3A_123 : i32 to vector<16xi32>
        %add3A_125 = arith.addi %add3A_43, %add3A_124 : vector<16xi32>
        tpu.vector_store_idx %arg5[%add3A_125], %bitcast3A_122 : memref<49408xi32, #tpu.memory_space<vmem>>[vector<16xi32>], vector<16xi32>,
        %mul3A_126 = arith.constant 16 : i32
        %mul3A_127 = arith.muli %scan3A_18, %mul3A_126 : i32
        %get3A_128 = arith.constant 10 : i32
        %get3A_129 = arith.index_cast %get3A_128 : i32 to index
        %get3A_130 = arith.index_cast %mul3A_127 : i32 to index
        %get3A_131 = tpu.vector_load %arg8[%get3A_129, %get3A_130] {strides = array<i32>} : memref<64x256xf32, #tpu.memory_space<vmem>>, vector<16xf32>,
        %mul3A_132 = arith.constant 16 : i32
        %mul3A_133 = arith.muli %scan3A_18, %mul3A_132 : i32
        %get3A_134 = arith.constant 11 : i32
        %get3A_135 = arith.index_cast %get3A_134 : i32 to index
        %get3A_136 = arith.index_cast %mul3A_133 : i32 to index
        %get3A_137 = tpu.vector_load %arg8[%get3A_135, %get3A_136] {strides = array<i32>} : memref<64x256xf32, #tpu.memory_space<vmem>>, vector<16xf32>,
        %pack3A_138 = tpu.pack_subelements %get3A_131, %get3A_137 {pack_format = #tpu.pack_format<interleaved>, positions = array<i32: 0, 1>} : vector<16xf32>, vector<16xf32> -> vector<32xbf16>
        %bitcast3A_139 = vector.bitcast %pack3A_138 : vector<32xbf16> to vector<16xi32>
        %add3A_140 = arith.constant 5 : i32
        %add3A_141 = vector.broadcast %add3A_140 : i32 to vector<16xi32>
        %add3A_142 = arith.addi %add3A_43, %add3A_141 : vector<16xi32>
        tpu.vector_store_idx %arg5[%add3A_142], %bitcast3A_139 : memref<49408xi32, #tpu.memory_space<vmem>>[vector<16xi32>], vector<16xi32>,
        %mul3A_143 = arith.constant 16 : i32
        %mul3A_144 = arith.muli %scan3A_18, %mul3A_143 : i32
        %get3A_145 = arith.constant 12 : i32
        %get3A_146 = arith.index_cast %get3A_145 : i32 to index
        %get3A_147 = arith.index_cast %mul3A_144 : i32 to index
        %get3A_148 = tpu.vector_load %arg8[%get3A_146, %get3A_147] {strides = array<i32>} : memref<64x256xf32, #tpu.memory_space<vmem>>, vector<16xf32>,
        %mul3A_149 = arith.constant 16 : i32
        %mul3A_150 = arith.muli %scan3A_18, %mul3A_149 : i32
        %get3A_151 = arith.constant 13 : i32
        %get3A_152 = arith.index_cast %get3A_151 : i32 to index
        %get3A_153 = arith.index_cast %mul3A_150 : i32 to index
        %get3A_154 = tpu.vector_load %arg8[%get3A_152, %get3A_153] {strides = array<i32>} : memref<64x256xf32, #tpu.memory_space<vmem>>, vector<16xf32>,
        %pack3A_155 = tpu.pack_subelements %get3A_148, %get3A_154 {pack_format = #tpu.pack_format<interleaved>, positions = array<i32: 0, 1>} : vector<16xf32>, vector<16xf32> -> vector<32xbf16>
        %bitcast3A_156 = vector.bitcast %pack3A_155 : vector<32xbf16> to vector<16xi32>
        %add3A_157 = arith.constant 6 : i32
        %add3A_158 = vector.broadcast %add3A_157 : i32 to vector<16xi32>
        %add3A_159 = arith.addi %add3A_43, %add3A_158 : vector<16xi32>
        tpu.vector_store_idx %arg5[%add3A_159], %bitcast3A_156 : memref<49408xi32, #tpu.memory_space<vmem>>[vector<16xi32>], vector<16xi32>,
        %mul3A_160 = arith.constant 16 : i32
        %mul3A_161 = arith.muli %scan3A_18, %mul3A_160 : i32
        %get3A_162 = arith.constant 14 : i32
        %get3A_163 = arith.index_cast %get3A_162 : i32 to index
        %get3A_164 = arith.index_cast %mul3A_161 : i32 to index
        %get3A_165 = tpu.vector_load %arg8[%get3A_163, %get3A_164] {strides = array<i32>} : memref<64x256xf32, #tpu.memory_space<vmem>>, vector<16xf32>,
        %mul3A_166 = arith.constant 16 : i32
        %mul3A_167 = arith.muli %scan3A_18, %mul3A_166 : i32
        %get3A_168 = arith.constant 15 : i32
        %get3A_169 = arith.index_cast %get3A_168 : i32 to index
        %get3A_170 = arith.index_cast %mul3A_167 : i32 to index
        %get3A_171 = tpu.vector_load %arg8[%get3A_169, %get3A_170] {strides = array<i32>} : memref<64x256xf32, #tpu.memory_space<vmem>>, vector<16xf32>,
        %pack3A_172 = tpu.pack_subelements %get3A_165, %get3A_171 {pack_format = #tpu.pack_format<interleaved>, positions = array<i32: 0, 1>} : vector<16xf32>, vector<16xf32> -> vector<32xbf16>
        %bitcast3A_173 = vector.bitcast %pack3A_172 : vector<32xbf16> to vector<16xi32>
        %add3A_174 = arith.constant 7 : i32
        %add3A_175 = vector.broadcast %add3A_174 : i32 to vector<16xi32>
        %add3A_176 = arith.addi %add3A_43, %add3A_175 : vector<16xi32>
        tpu.vector_store_idx %arg5[%add3A_176], %bitcast3A_173 : memref<49408xi32, #tpu.memory_space<vmem>>[vector<16xi32>], vector<16xi32>,
        %mul3A_177 = arith.constant 16 : i32
        %mul3A_178 = arith.muli %scan3A_18, %mul3A_177 : i32
        %get3A_179 = arith.constant 16 : i32
        %get3A_180 = arith.index_cast %get3A_179 : i32 to index
        %get3A_181 = arith.index_cast %mul3A_178 : i32 to index
        %get3A_182 = tpu.vector_load %arg8[%get3A_180, %get3A_181] {strides = array<i32>} : memref<64x256xf32, #tpu.memory_space<vmem>>, vector<16xf32>,
        %mul3A_183 = arith.constant 16 : i32
        %mul3A_184 = arith.muli %scan3A_18, %mul3A_183 : i32
        %get3A_185 = arith.constant 17 : i32
        %get3A_186 = arith.index_cast %get3A_185 : i32 to index
        %get3A_187 = arith.index_cast %mul3A_184 : i32 to index
        %get3A_188 = tpu.vector_load %arg8[%get3A_186, %get3A_187] {strides = array<i32>} : memref<64x256xf32, #tpu.memory_space<vmem>>, vector<16xf32>,
        %pack3A_189 = tpu.pack_subelements %get3A_182, %get3A_188 {pack_format = #tpu.pack_format<interleaved>, positions = array<i32: 0, 1>} : vector<16xf32>, vector<16xf32> -> vector<32xbf16>
        %bitcast3A_190 = vector.bitcast %pack3A_189 : vector<32xbf16> to vector<16xi32>
        %add3A_191 = arith.constant 8 : i32
        %add3A_192 = vector.broadcast %add3A_191 : i32 to vector<16xi32>
        %add3A_193 = arith.addi %add3A_43, %add3A_192 : vector<16xi32>
        tpu.vector_store_idx %arg5[%add3A_193], %bitcast3A_190 : memref<49408xi32, #tpu.memory_space<vmem>>[vector<16xi32>], vector<16xi32>,
        %mul3A_194 = arith.constant 16 : i32
        %mul3A_195 = arith.muli %scan3A_18, %mul3A_194 : i32
        %get3A_196 = arith.constant 18 : i32
        %get3A_197 = arith.index_cast %get3A_196 : i32 to index
        %get3A_198 = arith.index_cast %mul3A_195 : i32 to index
        %get3A_199 = tpu.vector_load %arg8[%get3A_197, %get3A_198] {strides = array<i32>} : memref<64x256xf32, #tpu.memory_space<vmem>>, vector<16xf32>,
        %mul3A_200 = arith.constant 16 : i32
        %mul3A_201 = arith.muli %scan3A_18, %mul3A_200 : i32
        %get3A_202 = arith.constant 19 : i32
        %get3A_203 = arith.index_cast %get3A_202 : i32 to index
        %get3A_204 = arith.index_cast %mul3A_201 : i32 to index
        %get3A_205 = tpu.vector_load %arg8[%get3A_203, %get3A_204] {strides = array<i32>} : memref<64x256xf32, #tpu.memory_space<vmem>>, vector<16xf32>,
        %pack3A_206 = tpu.pack_subelements %get3A_199, %get3A_205 {pack_format = #tpu.pack_format<interleaved>, positions = array<i32: 0, 1>} : vector<16xf32>, vector<16xf32> -> vector<32xbf16>
        %bitcast3A_207 = vector.bitcast %pack3A_206 : vector<32xbf16> to vector<16xi32>
        %add3A_208 = arith.constant 9 : i32
        %add3A_209 = vector.broadcast %add3A_208 : i32 to vector<16xi32>
        %add3A_210 = arith.addi %add3A_43, %add3A_209 : vector<16xi32>
        tpu.vector_store_idx %arg5[%add3A_210], %bitcast3A_207 : memref<49408xi32, #tpu.memory_space<vmem>>[vector<16xi32>], vector<16xi32>,
        %mul3A_211 = arith.constant 16 : i32
        %mul3A_212 = arith.muli %scan3A_18, %mul3A_211 : i32
        %get3A_213 = arith.constant 20 : i32
        %get3A_214 = arith.index_cast %get3A_213 : i32 to index
        %get3A_215 = arith.index_cast %mul3A_212 : i32 to index
        %get3A_216 = tpu.vector_load %arg8[%get3A_214, %get3A_215] {strides = array<i32>} : memref<64x256xf32, #tpu.memory_space<vmem>>, vector<16xf32>,
        %mul3A_217 = arith.constant 16 : i32
        %mul3A_218 = arith.muli %scan3A_18, %mul3A_217 : i32
        %get3A_219 = arith.constant 21 : i32
        %get3A_220 = arith.index_cast %get3A_219 : i32 to index
        %get3A_221 = arith.index_cast %mul3A_218 : i32 to index
        %get3A_222 = tpu.vector_load %arg8[%get3A_220, %get3A_221] {strides = array<i32>} : memref<64x256xf32, #tpu.memory_space<vmem>>, vector<16xf32>,
        %pack3A_223 = tpu.pack_subelements %get3A_216, %get3A_222 {pack_format = #tpu.pack_format<interleaved>, positions = array<i32: 0, 1>} : vector<16xf32>, vector<16xf32> -> vector<32xbf16>
        %bitcast3A_224 = vector.bitcast %pack3A_223 : vector<32xbf16> to vector<16xi32>
        %add3A_225 = arith.constant 10 : i32
        %add3A_226 = vector.broadcast %add3A_225 : i32 to vector<16xi32>
        %add3A_227 = arith.addi %add3A_43, %add3A_226 : vector<16xi32>
        tpu.vector_store_idx %arg5[%add3A_227], %bitcast3A_224 : memref<49408xi32, #tpu.memory_space<vmem>>[vector<16xi32>], vector<16xi32>,
        %mul3A_228 = arith.constant 16 : i32
        %mul3A_229 = arith.muli %scan3A_18, %mul3A_228 : i32
        %get3A_230 = arith.constant 22 : i32
        %get3A_231 = arith.index_cast %get3A_230 : i32 to index
        %get3A_232 = arith.index_cast %mul3A_229 : i32 to index
        %get3A_233 = tpu.vector_load %arg8[%get3A_231, %get3A_232] {strides = array<i32>} : memref<64x256xf32, #tpu.memory_space<vmem>>, vector<16xf32>,
        %mul3A_234 = arith.constant 16 : i32
        %mul3A_235 = arith.muli %scan3A_18, %mul3A_234 : i32
        %get3A_236 = arith.constant 23 : i32
        %get3A_237 = arith.index_cast %get3A_236 : i32 to index
        %get3A_238 = arith.index_cast %mul3A_235 : i32 to index
        %get3A_239 = tpu.vector_load %arg8[%get3A_237, %get3A_238] {strides = array<i32>} : memref<64x256xf32, #tpu.memory_space<vmem>>, vector<16xf32>,
        %pack3A_240 = tpu.pack_subelements %get3A_233, %get3A_239 {pack_format = #tpu.pack_format<interleaved>, positions = array<i32: 0, 1>} : vector<16xf32>, vector<16xf32> -> vector<32xbf16>
        %bitcast3A_241 = vector.bitcast %pack3A_240 : vector<32xbf16> to vector<16xi32>
        %add3A_242 = arith.constant 11 : i32
        %add3A_243 = vector.broadcast %add3A_242 : i32 to vector<16xi32>
        %add3A_244 = arith.addi %add3A_43, %add3A_243 : vector<16xi32>
        tpu.vector_store_idx %arg5[%add3A_244], %bitcast3A_241 : memref<49408xi32, #tpu.memory_space<vmem>>[vector<16xi32>], vector<16xi32>,
        %mul3A_245 = arith.constant 16 : i32
        %mul3A_246 = arith.muli %scan3A_18, %mul3A_245 : i32
        %get3A_247 = arith.constant 24 : i32
        %get3A_248 = arith.index_cast %get3A_247 : i32 to index
        %get3A_249 = arith.index_cast %mul3A_246 : i32 to index
        %get3A_250 = tpu.vector_load %arg8[%get3A_248, %get3A_249] {strides = array<i32>} : memref<64x256xf32, #tpu.memory_space<vmem>>, vector<16xf32>,
        %mul3A_251 = arith.constant 16 : i32
        %mul3A_252 = arith.muli %scan3A_18, %mul3A_251 : i32
        %get3A_253 = arith.constant 25 : i32
        %get3A_254 = arith.index_cast %get3A_253 : i32 to index
        %get3A_255 = arith.index_cast %mul3A_252 : i32 to index
        %get3A_256 = tpu.vector_load %arg8[%get3A_254, %get3A_255] {strides = array<i32>} : memref<64x256xf32, #tpu.memory_space<vmem>>, vector<16xf32>,
        %pack3A_257 = tpu.pack_subelements %get3A_250, %get3A_256 {pack_format = #tpu.pack_format<interleaved>, positions = array<i32: 0, 1>} : vector<16xf32>, vector<16xf32> -> vector<32xbf16>
        %bitcast3A_258 = vector.bitcast %pack3A_257 : vector<32xbf16> to vector<16xi32>
        %add3A_259 = arith.constant 12 : i32
        %add3A_260 = vector.broadcast %add3A_259 : i32 to vector<16xi32>
        %add3A_261 = arith.addi %add3A_43, %add3A_260 : vector<16xi32>
        tpu.vector_store_idx %arg5[%add3A_261], %bitcast3A_258 : memref<49408xi32, #tpu.memory_space<vmem>>[vector<16xi32>], vector<16xi32>,
        %mul3A_262 = arith.constant 16 : i32
        %mul3A_263 = arith.muli %scan3A_18, %mul3A_262 : i32
        %get3A_264 = arith.constant 26 : i32
        %get3A_265 = arith.index_cast %get3A_264 : i32 to index
        %get3A_266 = arith.index_cast %mul3A_263 : i32 to index
        %get3A_267 = tpu.vector_load %arg8[%get3A_265, %get3A_266] {strides = array<i32>} : memref<64x256xf32, #tpu.memory_space<vmem>>, vector<16xf32>,
        %mul3A_268 = arith.constant 16 : i32
        %mul3A_269 = arith.muli %scan3A_18, %mul3A_268 : i32
        %get3A_270 = arith.constant 27 : i32
        %get3A_271 = arith.index_cast %get3A_270 : i32 to index
        %get3A_272 = arith.index_cast %mul3A_269 : i32 to index
        %get3A_273 = tpu.vector_load %arg8[%get3A_271, %get3A_272] {strides = array<i32>} : memref<64x256xf32, #tpu.memory_space<vmem>>, vector<16xf32>,
        %pack3A_274 = tpu.pack_subelements %get3A_267, %get3A_273 {pack_format = #tpu.pack_format<interleaved>, positions = array<i32: 0, 1>} : vector<16xf32>, vector<16xf32> -> vector<32xbf16>
        %bitcast3A_275 = vector.bitcast %pack3A_274 : vector<32xbf16> to vector<16xi32>
        %add3A_276 = arith.constant 13 : i32
        %add3A_277 = vector.broadcast %add3A_276 : i32 to vector<16xi32>
        %add3A_278 = arith.addi %add3A_43, %add3A_277 : vector<16xi32>
        tpu.vector_store_idx %arg5[%add3A_278], %bitcast3A_275 : memref<49408xi32, #tpu.memory_space<vmem>>[vector<16xi32>], vector<16xi32>,
        %mul3A_279 = arith.constant 16 : i32
        %mul3A_280 = arith.muli %scan3A_18, %mul3A_279 : i32
        %get3A_281 = arith.constant 28 : i32
        %get3A_282 = arith.index_cast %get3A_281 : i32 to index
        %get3A_283 = arith.index_cast %mul3A_280 : i32 to index
        %get3A_284 = tpu.vector_load %arg8[%get3A_282, %get3A_283] {strides = array<i32>} : memref<64x256xf32, #tpu.memory_space<vmem>>, vector<16xf32>,
        %mul3A_285 = arith.constant 16 : i32
        %mul3A_286 = arith.muli %scan3A_18, %mul3A_285 : i32
        %get3A_287 = arith.constant 29 : i32
        %get3A_288 = arith.index_cast %get3A_287 : i32 to index
        %get3A_289 = arith.index_cast %mul3A_286 : i32 to index
        %get3A_290 = tpu.vector_load %arg8[%get3A_288, %get3A_289] {strides = array<i32>} : memref<64x256xf32, #tpu.memory_space<vmem>>, vector<16xf32>,
        %pack3A_291 = tpu.pack_subelements %get3A_284, %get3A_290 {pack_format = #tpu.pack_format<interleaved>, positions = array<i32: 0, 1>} : vector<16xf32>, vector<16xf32> -> vector<32xbf16>
        %bitcast3A_292 = vector.bitcast %pack3A_291 : vector<32xbf16> to vector<16xi32>
        %add3A_293 = arith.constant 14 : i32
        %add3A_294 = vector.broadcast %add3A_293 : i32 to vector<16xi32>
        %add3A_295 = arith.addi %add3A_43, %add3A_294 : vector<16xi32>
        tpu.vector_store_idx %arg5[%add3A_295], %bitcast3A_292 : memref<49408xi32, #tpu.memory_space<vmem>>[vector<16xi32>], vector<16xi32>,
        %mul3A_296 = arith.constant 16 : i32
        %mul3A_297 = arith.muli %scan3A_18, %mul3A_296 : i32
        %get3A_298 = arith.constant 30 : i32
        %get3A_299 = arith.index_cast %get3A_298 : i32 to index
        %get3A_300 = arith.index_cast %mul3A_297 : i32 to index
        %get3A_301 = tpu.vector_load %arg8[%get3A_299, %get3A_300] {strides = array<i32>} : memref<64x256xf32, #tpu.memory_space<vmem>>, vector<16xf32>,
        %mul3A_302 = arith.constant 16 : i32
        %mul3A_303 = arith.muli %scan3A_18, %mul3A_302 : i32
        %get3A_304 = arith.constant 31 : i32
        %get3A_305 = arith.index_cast %get3A_304 : i32 to index
        %get3A_306 = arith.index_cast %mul3A_303 : i32 to index
        %get3A_307 = tpu.vector_load %arg8[%get3A_305, %get3A_306] {strides = array<i32>} : memref<64x256xf32, #tpu.memory_space<vmem>>, vector<16xf32>,
        %pack3A_308 = tpu.pack_subelements %get3A_301, %get3A_307 {pack_format = #tpu.pack_format<interleaved>, positions = array<i32: 0, 1>} : vector<16xf32>, vector<16xf32> -> vector<32xbf16>
        %bitcast3A_309 = vector.bitcast %pack3A_308 : vector<32xbf16> to vector<16xi32>
        %add3A_310 = arith.constant 15 : i32
        %add3A_311 = vector.broadcast %add3A_310 : i32 to vector<16xi32>
        %add3A_312 = arith.addi %add3A_43, %add3A_311 : vector<16xi32>
        tpu.vector_store_idx %arg5[%add3A_312], %bitcast3A_309 : memref<49408xi32, #tpu.memory_space<vmem>>[vector<16xi32>], vector<16xi32>,
        %mul3A_313 = arith.constant 16 : i32
        %mul3A_314 = arith.muli %scan3A_18, %mul3A_313 : i32
        %get3A_315 = arith.constant 32 : i32
        %get3A_316 = arith.index_cast %get3A_315 : i32 to index
        %get3A_317 = arith.index_cast %mul3A_314 : i32 to index
        %get3A_318 = tpu.vector_load %arg8[%get3A_316, %get3A_317] {strides = array<i32>} : memref<64x256xf32, #tpu.memory_space<vmem>>, vector<16xf32>,
        %mul3A_319 = arith.constant 16 : i32
        %mul3A_320 = arith.muli %scan3A_18, %mul3A_319 : i32
        %get3A_321 = arith.constant 33 : i32
        %get3A_322 = arith.index_cast %get3A_321 : i32 to index
        %get3A_323 = arith.index_cast %mul3A_320 : i32 to index
        %get3A_324 = tpu.vector_load %arg8[%get3A_322, %get3A_323] {strides = array<i32>} : memref<64x256xf32, #tpu.memory_space<vmem>>, vector<16xf32>,
        %pack3A_325 = tpu.pack_subelements %get3A_318, %get3A_324 {pack_format = #tpu.pack_format<interleaved>, positions = array<i32: 0, 1>} : vector<16xf32>, vector<16xf32> -> vector<32xbf16>
        %bitcast3A_326 = vector.bitcast %pack3A_325 : vector<32xbf16> to vector<16xi32>
        %add3A_327 = arith.constant 16 : i32
        %add3A_328 = vector.broadcast %add3A_327 : i32 to vector<16xi32>
        %add3A_329 = arith.addi %add3A_43, %add3A_328 : vector<16xi32>
        tpu.vector_store_idx %arg5[%add3A_329], %bitcast3A_326 : memref<49408xi32, #tpu.memory_space<vmem>>[vector<16xi32>], vector<16xi32>,
        %mul3A_330 = arith.constant 16 : i32
        %mul3A_331 = arith.muli %scan3A_18, %mul3A_330 : i32
        %get3A_332 = arith.constant 34 : i32
        %get3A_333 = arith.index_cast %get3A_332 : i32 to index
        %get3A_334 = arith.index_cast %mul3A_331 : i32 to index
        %get3A_335 = tpu.vector_load %arg8[%get3A_333, %get3A_334] {strides = array<i32>} : memref<64x256xf32, #tpu.memory_space<vmem>>, vector<16xf32>,
        %mul3A_336 = arith.constant 16 : i32
        %mul3A_337 = arith.muli %scan3A_18, %mul3A_336 : i32
        %get3A_338 = arith.constant 35 : i32
        %get3A_339 = arith.index_cast %get3A_338 : i32 to index
        %get3A_340 = arith.index_cast %mul3A_337 : i32 to index
        %get3A_341 = tpu.vector_load %arg8[%get3A_339, %get3A_340] {strides = array<i32>} : memref<64x256xf32, #tpu.memory_space<vmem>>, vector<16xf32>,
        %pack3A_342 = tpu.pack_subelements %get3A_335, %get3A_341 {pack_format = #tpu.pack_format<interleaved>, positions = array<i32: 0, 1>} : vector<16xf32>, vector<16xf32> -> vector<32xbf16>
        %bitcast3A_343 = vector.bitcast %pack3A_342 : vector<32xbf16> to vector<16xi32>
        %add3A_344 = arith.constant 17 : i32
        %add3A_345 = vector.broadcast %add3A_344 : i32 to vector<16xi32>
        %add3A_346 = arith.addi %add3A_43, %add3A_345 : vector<16xi32>
        tpu.vector_store_idx %arg5[%add3A_346], %bitcast3A_343 : memref<49408xi32, #tpu.memory_space<vmem>>[vector<16xi32>], vector<16xi32>,
        %mul3A_347 = arith.constant 16 : i32
        %mul3A_348 = arith.muli %scan3A_18, %mul3A_347 : i32
        %get3A_349 = arith.constant 36 : i32
        %get3A_350 = arith.index_cast %get3A_349 : i32 to index
        %get3A_351 = arith.index_cast %mul3A_348 : i32 to index
        %get3A_352 = tpu.vector_load %arg8[%get3A_350, %get3A_351] {strides = array<i32>} : memref<64x256xf32, #tpu.memory_space<vmem>>, vector<16xf32>,
        %mul3A_353 = arith.constant 16 : i32
        %mul3A_354 = arith.muli %scan3A_18, %mul3A_353 : i32
        %get3A_355 = arith.constant 37 : i32
        %get3A_356 = arith.index_cast %get3A_355 : i32 to index
        %get3A_357 = arith.index_cast %mul3A_354 : i32 to index
        %get3A_358 = tpu.vector_load %arg8[%get3A_356, %get3A_357] {strides = array<i32>} : memref<64x256xf32, #tpu.memory_space<vmem>>, vector<16xf32>,
        %pack3A_359 = tpu.pack_subelements %get3A_352, %get3A_358 {pack_format = #tpu.pack_format<interleaved>, positions = array<i32: 0, 1>} : vector<16xf32>, vector<16xf32> -> vector<32xbf16>
        %bitcast3A_360 = vector.bitcast %pack3A_359 : vector<32xbf16> to vector<16xi32>
        %add3A_361 = arith.constant 18 : i32
        %add3A_362 = vector.broadcast %add3A_361 : i32 to vector<16xi32>
        %add3A_363 = arith.addi %add3A_43, %add3A_362 : vector<16xi32>
        tpu.vector_store_idx %arg5[%add3A_363], %bitcast3A_360 : memref<49408xi32, #tpu.memory_space<vmem>>[vector<16xi32>], vector<16xi32>,
        %mul3A_364 = arith.constant 16 : i32
        %mul3A_365 = arith.muli %scan3A_18, %mul3A_364 : i32
        %get3A_366 = arith.constant 38 : i32
        %get3A_367 = arith.index_cast %get3A_366 : i32 to index
        %get3A_368 = arith.index_cast %mul3A_365 : i32 to index
        %get3A_369 = tpu.vector_load %arg8[%get3A_367, %get3A_368] {strides = array<i32>} : memref<64x256xf32, #tpu.memory_space<vmem>>, vector<16xf32>,
        %mul3A_370 = arith.constant 16 : i32
        %mul3A_371 = arith.muli %scan3A_18, %mul3A_370 : i32
        %get3A_372 = arith.constant 39 : i32
        %get3A_373 = arith.index_cast %get3A_372 : i32 to index
        %get3A_374 = arith.index_cast %mul3A_371 : i32 to index
        %get3A_375 = tpu.vector_load %arg8[%get3A_373, %get3A_374] {strides = array<i32>} : memref<64x256xf32, #tpu.memory_space<vmem>>, vector<16xf32>,
        %pack3A_376 = tpu.pack_subelements %get3A_369, %get3A_375 {pack_format = #tpu.pack_format<interleaved>, positions = array<i32: 0, 1>} : vector<16xf32>, vector<16xf32> -> vector<32xbf16>
        %bitcast3A_377 = vector.bitcast %pack3A_376 : vector<32xbf16> to vector<16xi32>
        %add3A_378 = arith.constant 19 : i32
        %add3A_379 = vector.broadcast %add3A_378 : i32 to vector<16xi32>
        %add3A_380 = arith.addi %add3A_43, %add3A_379 : vector<16xi32>
        tpu.vector_store_idx %arg5[%add3A_380], %bitcast3A_377 : memref<49408xi32, #tpu.memory_space<vmem>>[vector<16xi32>], vector<16xi32>,
        %mul3A_381 = arith.constant 16 : i32
        %mul3A_382 = arith.muli %scan3A_18, %mul3A_381 : i32
        %get3A_383 = arith.constant 40 : i32
        %get3A_384 = arith.index_cast %get3A_383 : i32 to index
        %get3A_385 = arith.index_cast %mul3A_382 : i32 to index
        %get3A_386 = tpu.vector_load %arg8[%get3A_384, %get3A_385] {strides = array<i32>} : memref<64x256xf32, #tpu.memory_space<vmem>>, vector<16xf32>,
        %mul3A_387 = arith.constant 16 : i32
        %mul3A_388 = arith.muli %scan3A_18, %mul3A_387 : i32
        %get3A_389 = arith.constant 41 : i32
        %get3A_390 = arith.index_cast %get3A_389 : i32 to index
        %get3A_391 = arith.index_cast %mul3A_388 : i32 to index
        %get3A_392 = tpu.vector_load %arg8[%get3A_390, %get3A_391] {strides = array<i32>} : memref<64x256xf32, #tpu.memory_space<vmem>>, vector<16xf32>,
        %pack3A_393 = tpu.pack_subelements %get3A_386, %get3A_392 {pack_format = #tpu.pack_format<interleaved>, positions = array<i32: 0, 1>} : vector<16xf32>, vector<16xf32> -> vector<32xbf16>
        %bitcast3A_394 = vector.bitcast %pack3A_393 : vector<32xbf16> to vector<16xi32>
        %add3A_395 = arith.constant 20 : i32
        %add3A_396 = vector.broadcast %add3A_395 : i32 to vector<16xi32>
        %add3A_397 = arith.addi %add3A_43, %add3A_396 : vector<16xi32>
        tpu.vector_store_idx %arg5[%add3A_397], %bitcast3A_394 : memref<49408xi32, #tpu.memory_space<vmem>>[vector<16xi32>], vector<16xi32>,
        %mul3A_398 = arith.constant 16 : i32
        %mul3A_399 = arith.muli %scan3A_18, %mul3A_398 : i32
        %get3A_400 = arith.constant 42 : i32
        %get3A_401 = arith.index_cast %get3A_400 : i32 to index
        %get3A_402 = arith.index_cast %mul3A_399 : i32 to index
        %get3A_403 = tpu.vector_load %arg8[%get3A_401, %get3A_402] {strides = array<i32>} : memref<64x256xf32, #tpu.memory_space<vmem>>, vector<16xf32>,
        %mul3A_404 = arith.constant 16 : i32
        %mul3A_405 = arith.muli %scan3A_18, %mul3A_404 : i32
        %get3A_406 = arith.constant 43 : i32
        %get3A_407 = arith.index_cast %get3A_406 : i32 to index
        %get3A_408 = arith.index_cast %mul3A_405 : i32 to index
        %get3A_409 = tpu.vector_load %arg8[%get3A_407, %get3A_408] {strides = array<i32>} : memref<64x256xf32, #tpu.memory_space<vmem>>, vector<16xf32>,
        %pack3A_410 = tpu.pack_subelements %get3A_403, %get3A_409 {pack_format = #tpu.pack_format<interleaved>, positions = array<i32: 0, 1>} : vector<16xf32>, vector<16xf32> -> vector<32xbf16>
        %bitcast3A_411 = vector.bitcast %pack3A_410 : vector<32xbf16> to vector<16xi32>
        %add3A_412 = arith.constant 21 : i32
        %add3A_413 = vector.broadcast %add3A_412 : i32 to vector<16xi32>
        %add3A_414 = arith.addi %add3A_43, %add3A_413 : vector<16xi32>
        tpu.vector_store_idx %arg5[%add3A_414], %bitcast3A_411 : memref<49408xi32, #tpu.memory_space<vmem>>[vector<16xi32>], vector<16xi32>,
        %mul3A_415 = arith.constant 16 : i32
        %mul3A_416 = arith.muli %scan3A_18, %mul3A_415 : i32
        %get3A_417 = arith.constant 44 : i32
        %get3A_418 = arith.index_cast %get3A_417 : i32 to index
        %get3A_419 = arith.index_cast %mul3A_416 : i32 to index
        %get3A_420 = tpu.vector_load %arg8[%get3A_418, %get3A_419] {strides = array<i32>} : memref<64x256xf32, #tpu.memory_space<vmem>>, vector<16xf32>,
        %mul3A_421 = arith.constant 16 : i32
        %mul3A_422 = arith.muli %scan3A_18, %mul3A_421 : i32
        %get3A_423 = arith.constant 45 : i32
        %get3A_424 = arith.index_cast %get3A_423 : i32 to index
        %get3A_425 = arith.index_cast %mul3A_422 : i32 to index
        %get3A_426 = tpu.vector_load %arg8[%get3A_424, %get3A_425] {strides = array<i32>} : memref<64x256xf32, #tpu.memory_space<vmem>>, vector<16xf32>,
        %pack3A_427 = tpu.pack_subelements %get3A_420, %get3A_426 {pack_format = #tpu.pack_format<interleaved>, positions = array<i32: 0, 1>} : vector<16xf32>, vector<16xf32> -> vector<32xbf16>
        %bitcast3A_428 = vector.bitcast %pack3A_427 : vector<32xbf16> to vector<16xi32>
        %add3A_429 = arith.constant 22 : i32
        %add3A_430 = vector.broadcast %add3A_429 : i32 to vector<16xi32>
        %add3A_431 = arith.addi %add3A_43, %add3A_430 : vector<16xi32>
        tpu.vector_store_idx %arg5[%add3A_431], %bitcast3A_428 : memref<49408xi32, #tpu.memory_space<vmem>>[vector<16xi32>], vector<16xi32>,
        %mul3A_432 = arith.constant 16 : i32
        %mul3A_433 = arith.muli %scan3A_18, %mul3A_432 : i32
        %get3A_434 = arith.constant 46 : i32
        %get3A_435 = arith.index_cast %get3A_434 : i32 to index
        %get3A_436 = arith.index_cast %mul3A_433 : i32 to index
        %get3A_437 = tpu.vector_load %arg8[%get3A_435, %get3A_436] {strides = array<i32>} : memref<64x256xf32, #tpu.memory_space<vmem>>, vector<16xf32>,
        %mul3A_438 = arith.constant 16 : i32
        %mul3A_439 = arith.muli %scan3A_18, %mul3A_438 : i32
        %get3A_440 = arith.constant 47 : i32
        %get3A_441 = arith.index_cast %get3A_440 : i32 to index
        %get3A_442 = arith.index_cast %mul3A_439 : i32 to index
        %get3A_443 = tpu.vector_load %arg8[%get3A_441, %get3A_442] {strides = array<i32>} : memref<64x256xf32, #tpu.memory_space<vmem>>, vector<16xf32>,
        %pack3A_444 = tpu.pack_subelements %get3A_437, %get3A_443 {pack_format = #tpu.pack_format<interleaved>, positions = array<i32: 0, 1>} : vector<16xf32>, vector<16xf32> -> vector<32xbf16>
        %bitcast3A_445 = vector.bitcast %pack3A_444 : vector<32xbf16> to vector<16xi32>
        %add3A_446 = arith.constant 23 : i32
        %add3A_447 = vector.broadcast %add3A_446 : i32 to vector<16xi32>
        %add3A_448 = arith.addi %add3A_43, %add3A_447 : vector<16xi32>
        tpu.vector_store_idx %arg5[%add3A_448], %bitcast3A_445 : memref<49408xi32, #tpu.memory_space<vmem>>[vector<16xi32>], vector<16xi32>,
        %mul3A_449 = arith.constant 16 : i32
        %mul3A_450 = arith.muli %scan3A_18, %mul3A_449 : i32
        %get3A_451 = arith.constant 48 : i32
        %get3A_452 = arith.index_cast %get3A_451 : i32 to index
        %get3A_453 = arith.index_cast %mul3A_450 : i32 to index
        %get3A_454 = tpu.vector_load %arg8[%get3A_452, %get3A_453] {strides = array<i32>} : memref<64x256xf32, #tpu.memory_space<vmem>>, vector<16xf32>,
        %mul3A_455 = arith.constant 16 : i32
        %mul3A_456 = arith.muli %scan3A_18, %mul3A_455 : i32
        %get3A_457 = arith.constant 49 : i32
        %get3A_458 = arith.index_cast %get3A_457 : i32 to index
        %get3A_459 = arith.index_cast %mul3A_456 : i32 to index
        %get3A_460 = tpu.vector_load %arg8[%get3A_458, %get3A_459] {strides = array<i32>} : memref<64x256xf32, #tpu.memory_space<vmem>>, vector<16xf32>,
        %pack3A_461 = tpu.pack_subelements %get3A_454, %get3A_460 {pack_format = #tpu.pack_format<interleaved>, positions = array<i32: 0, 1>} : vector<16xf32>, vector<16xf32> -> vector<32xbf16>
        %bitcast3A_462 = vector.bitcast %pack3A_461 : vector<32xbf16> to vector<16xi32>
        %add3A_463 = arith.constant 24 : i32
        %add3A_464 = vector.broadcast %add3A_463 : i32 to vector<16xi32>
        %add3A_465 = arith.addi %add3A_43, %add3A_464 : vector<16xi32>
        tpu.vector_store_idx %arg5[%add3A_465], %bitcast3A_462 : memref<49408xi32, #tpu.memory_space<vmem>>[vector<16xi32>], vector<16xi32>,
        %mul3A_466 = arith.constant 16 : i32
        %mul3A_467 = arith.muli %scan3A_18, %mul3A_466 : i32
        %get3A_468 = arith.constant 50 : i32
        %get3A_469 = arith.index_cast %get3A_468 : i32 to index
        %get3A_470 = arith.index_cast %mul3A_467 : i32 to index
        %get3A_471 = tpu.vector_load %arg8[%get3A_469, %get3A_470] {strides = array<i32>} : memref<64x256xf32, #tpu.memory_space<vmem>>, vector<16xf32>,
        %mul3A_472 = arith.constant 16 : i32
        %mul3A_473 = arith.muli %scan3A_18, %mul3A_472 : i32
        %get3A_474 = arith.constant 51 : i32
        %get3A_475 = arith.index_cast %get3A_474 : i32 to index
        %get3A_476 = arith.index_cast %mul3A_473 : i32 to index
        %get3A_477 = tpu.vector_load %arg8[%get3A_475, %get3A_476] {strides = array<i32>} : memref<64x256xf32, #tpu.memory_space<vmem>>, vector<16xf32>,
        %pack3A_478 = tpu.pack_subelements %get3A_471, %get3A_477 {pack_format = #tpu.pack_format<interleaved>, positions = array<i32: 0, 1>} : vector<16xf32>, vector<16xf32> -> vector<32xbf16>
        %bitcast3A_479 = vector.bitcast %pack3A_478 : vector<32xbf16> to vector<16xi32>
        %add3A_480 = arith.constant 25 : i32
        %add3A_481 = vector.broadcast %add3A_480 : i32 to vector<16xi32>
        %add3A_482 = arith.addi %add3A_43, %add3A_481 : vector<16xi32>
        tpu.vector_store_idx %arg5[%add3A_482], %bitcast3A_479 : memref<49408xi32, #tpu.memory_space<vmem>>[vector<16xi32>], vector<16xi32>,
        %mul3A_483 = arith.constant 16 : i32
        %mul3A_484 = arith.muli %scan3A_18, %mul3A_483 : i32
        %get3A_485 = arith.constant 52 : i32
        %get3A_486 = arith.index_cast %get3A_485 : i32 to index
        %get3A_487 = arith.index_cast %mul3A_484 : i32 to index
        %get3A_488 = tpu.vector_load %arg8[%get3A_486, %get3A_487] {strides = array<i32>} : memref<64x256xf32, #tpu.memory_space<vmem>>, vector<16xf32>,
        %mul3A_489 = arith.constant 16 : i32
        %mul3A_490 = arith.muli %scan3A_18, %mul3A_489 : i32
        %get3A_491 = arith.constant 53 : i32
        %get3A_492 = arith.index_cast %get3A_491 : i32 to index
        %get3A_493 = arith.index_cast %mul3A_490 : i32 to index
        %get3A_494 = tpu.vector_load %arg8[%get3A_492, %get3A_493] {strides = array<i32>} : memref<64x256xf32, #tpu.memory_space<vmem>>, vector<16xf32>,
        %pack3A_495 = tpu.pack_subelements %get3A_488, %get3A_494 {pack_format = #tpu.pack_format<interleaved>, positions = array<i32: 0, 1>} : vector<16xf32>, vector<16xf32> -> vector<32xbf16>
        %bitcast3A_496 = vector.bitcast %pack3A_495 : vector<32xbf16> to vector<16xi32>
        %add3A_497 = arith.constant 26 : i32
        %add3A_498 = vector.broadcast %add3A_497 : i32 to vector<16xi32>
        %add3A_499 = arith.addi %add3A_43, %add3A_498 : vector<16xi32>
        tpu.vector_store_idx %arg5[%add3A_499], %bitcast3A_496 : memref<49408xi32, #tpu.memory_space<vmem>>[vector<16xi32>], vector<16xi32>,
        %mul3A_500 = arith.constant 16 : i32
        %mul3A_501 = arith.muli %scan3A_18, %mul3A_500 : i32
        %get3A_502 = arith.constant 54 : i32
        %get3A_503 = arith.index_cast %get3A_502 : i32 to index
        %get3A_504 = arith.index_cast %mul3A_501 : i32 to index
        %get3A_505 = tpu.vector_load %arg8[%get3A_503, %get3A_504] {strides = array<i32>} : memref<64x256xf32, #tpu.memory_space<vmem>>, vector<16xf32>,
        %mul3A_506 = arith.constant 16 : i32
        %mul3A_507 = arith.muli %scan3A_18, %mul3A_506 : i32
        %get3A_508 = arith.constant 55 : i32
        %get3A_509 = arith.index_cast %get3A_508 : i32 to index
        %get3A_510 = arith.index_cast %mul3A_507 : i32 to index
        %get3A_511 = tpu.vector_load %arg8[%get3A_509, %get3A_510] {strides = array<i32>} : memref<64x256xf32, #tpu.memory_space<vmem>>, vector<16xf32>,
        %pack3A_512 = tpu.pack_subelements %get3A_505, %get3A_511 {pack_format = #tpu.pack_format<interleaved>, positions = array<i32: 0, 1>} : vector<16xf32>, vector<16xf32> -> vector<32xbf16>
        %bitcast3A_513 = vector.bitcast %pack3A_512 : vector<32xbf16> to vector<16xi32>
        %add3A_514 = arith.constant 27 : i32
        %add3A_515 = vector.broadcast %add3A_514 : i32 to vector<16xi32>
        %add3A_516 = arith.addi %add3A_43, %add3A_515 : vector<16xi32>
        tpu.vector_store_idx %arg5[%add3A_516], %bitcast3A_513 : memref<49408xi32, #tpu.memory_space<vmem>>[vector<16xi32>], vector<16xi32>,
        %mul3A_517 = arith.constant 16 : i32
        %mul3A_518 = arith.muli %scan3A_18, %mul3A_517 : i32
        %get3A_519 = arith.constant 56 : i32
        %get3A_520 = arith.index_cast %get3A_519 : i32 to index
        %get3A_521 = arith.index_cast %mul3A_518 : i32 to index
        %get3A_522 = tpu.vector_load %arg8[%get3A_520, %get3A_521] {strides = array<i32>} : memref<64x256xf32, #tpu.memory_space<vmem>>, vector<16xf32>,
        %mul3A_523 = arith.constant 16 : i32
        %mul3A_524 = arith.muli %scan3A_18, %mul3A_523 : i32
        %get3A_525 = arith.constant 57 : i32
        %get3A_526 = arith.index_cast %get3A_525 : i32 to index
        %get3A_527 = arith.index_cast %mul3A_524 : i32 to index
        %get3A_528 = tpu.vector_load %arg8[%get3A_526, %get3A_527] {strides = array<i32>} : memref<64x256xf32, #tpu.memory_space<vmem>>, vector<16xf32>,
        %pack3A_529 = tpu.pack_subelements %get3A_522, %get3A_528 {pack_format = #tpu.pack_format<interleaved>, positions = array<i32: 0, 1>} : vector<16xf32>, vector<16xf32> -> vector<32xbf16>
        %bitcast3A_530 = vector.bitcast %pack3A_529 : vector<32xbf16> to vector<16xi32>
        %add3A_531 = arith.constant 28 : i32
        %add3A_532 = vector.broadcast %add3A_531 : i32 to vector<16xi32>
        %add3A_533 = arith.addi %add3A_43, %add3A_532 : vector<16xi32>
        tpu.vector_store_idx %arg5[%add3A_533], %bitcast3A_530 : memref<49408xi32, #tpu.memory_space<vmem>>[vector<16xi32>], vector<16xi32>,
        %mul3A_534 = arith.constant 16 : i32
        %mul3A_535 = arith.muli %scan3A_18, %mul3A_534 : i32
        %get3A_536 = arith.constant 58 : i32
        %get3A_537 = arith.index_cast %get3A_536 : i32 to index
        %get3A_538 = arith.index_cast %mul3A_535 : i32 to index
        %get3A_539 = tpu.vector_load %arg8[%get3A_537, %get3A_538] {strides = array<i32>} : memref<64x256xf32, #tpu.memory_space<vmem>>, vector<16xf32>,
        %mul3A_540 = arith.constant 16 : i32
        %mul3A_541 = arith.muli %scan3A_18, %mul3A_540 : i32
        %get3A_542 = arith.constant 59 : i32
        %get3A_543 = arith.index_cast %get3A_542 : i32 to index
        %get3A_544 = arith.index_cast %mul3A_541 : i32 to index
        %get3A_545 = tpu.vector_load %arg8[%get3A_543, %get3A_544] {strides = array<i32>} : memref<64x256xf32, #tpu.memory_space<vmem>>, vector<16xf32>,
        %pack3A_546 = tpu.pack_subelements %get3A_539, %get3A_545 {pack_format = #tpu.pack_format<interleaved>, positions = array<i32: 0, 1>} : vector<16xf32>, vector<16xf32> -> vector<32xbf16>
        %bitcast3A_547 = vector.bitcast %pack3A_546 : vector<32xbf16> to vector<16xi32>
        %add3A_548 = arith.constant 29 : i32
        %add3A_549 = vector.broadcast %add3A_548 : i32 to vector<16xi32>
        %add3A_550 = arith.addi %add3A_43, %add3A_549 : vector<16xi32>
        tpu.vector_store_idx %arg5[%add3A_550], %bitcast3A_547 : memref<49408xi32, #tpu.memory_space<vmem>>[vector<16xi32>], vector<16xi32>,
        %mul3A_551 = arith.constant 16 : i32
        %mul3A_552 = arith.muli %scan3A_18, %mul3A_551 : i32
        %get3A_553 = arith.constant 60 : i32
        %get3A_554 = arith.index_cast %get3A_553 : i32 to index
        %get3A_555 = arith.index_cast %mul3A_552 : i32 to index
        %get3A_556 = tpu.vector_load %arg8[%get3A_554, %get3A_555] {strides = array<i32>} : memref<64x256xf32, #tpu.memory_space<vmem>>, vector<16xf32>,
        %mul3A_557 = arith.constant 16 : i32
        %mul3A_558 = arith.muli %scan3A_18, %mul3A_557 : i32
        %get3A_559 = arith.constant 61 : i32
        %get3A_560 = arith.index_cast %get3A_559 : i32 to index
        %get3A_561 = arith.index_cast %mul3A_558 : i32 to index
        %get3A_562 = tpu.vector_load %arg8[%get3A_560, %get3A_561] {strides = array<i32>} : memref<64x256xf32, #tpu.memory_space<vmem>>, vector<16xf32>,
        %pack3A_563 = tpu.pack_subelements %get3A_556, %get3A_562 {pack_format = #tpu.pack_format<interleaved>, positions = array<i32: 0, 1>} : vector<16xf32>, vector<16xf32> -> vector<32xbf16>
        %bitcast3A_564 = vector.bitcast %pack3A_563 : vector<32xbf16> to vector<16xi32>
        %add3A_565 = arith.constant 30 : i32
        %add3A_566 = vector.broadcast %add3A_565 : i32 to vector<16xi32>
        %add3A_567 = arith.addi %add3A_43, %add3A_566 : vector<16xi32>
        tpu.vector_store_idx %arg5[%add3A_567], %bitcast3A_564 : memref<49408xi32, #tpu.memory_space<vmem>>[vector<16xi32>], vector<16xi32>,
        %mul3A_568 = arith.constant 16 : i32
        %mul3A_569 = arith.muli %scan3A_18, %mul3A_568 : i32
        %get3A_570 = arith.constant 62 : i32
        %get3A_571 = arith.index_cast %get3A_570 : i32 to index
        %get3A_572 = arith.index_cast %mul3A_569 : i32 to index
        %get3A_573 = tpu.vector_load %arg8[%get3A_571, %get3A_572] {strides = array<i32>} : memref<64x256xf32, #tpu.memory_space<vmem>>, vector<16xf32>,
        %mul3A_574 = arith.constant 16 : i32
        %mul3A_575 = arith.muli %scan3A_18, %mul3A_574 : i32
        %get3A_576 = arith.constant 63 : i32
        %get3A_577 = arith.index_cast %get3A_576 : i32 to index
        %get3A_578 = arith.index_cast %mul3A_575 : i32 to index
        %get3A_579 = tpu.vector_load %arg8[%get3A_577, %get3A_578] {strides = array<i32>} : memref<64x256xf32, #tpu.memory_space<vmem>>, vector<16xf32>,
        %pack3A_580 = tpu.pack_subelements %get3A_573, %get3A_579 {pack_format = #tpu.pack_format<interleaved>, positions = array<i32: 0, 1>} : vector<16xf32>, vector<16xf32> -> vector<32xbf16>
        %bitcast3A_581 = vector.bitcast %pack3A_580 : vector<32xbf16> to vector<16xi32>
        %add3A_582 = arith.constant 31 : i32
        %add3A_583 = vector.broadcast %add3A_582 : i32 to vector<16xi32>
        %add3A_584 = arith.addi %add3A_43, %add3A_583 : vector<16xi32>
        tpu.vector_store_idx %arg5[%add3A_584], %bitcast3A_581 : memref<49408xi32, #tpu.memory_space<vmem>>[vector<16xi32>], vector<16xi32>,
      }
      %scan3A_17 = arith.constant 16 : i32
    }
    %scan3A_4 = arith.constant 6 : i32
    %scan3A_5 = arith.constant 0 : i32
    %scan3A_6 = arith.constant 2 : i32
    %scan3A_7 = arith.addi %scan3A_5, %scan3A_6 : i32
    %scan3A_8 = arith.constant 1 : i32
    scf.for %scan3A_10 = %scan3A_5 to %scan3A_7 step %scan3A_8  : i32 {
      %mul3A_11 = arith.constant 128 : i32
      %mul3A_12 = arith.muli %scan3A_10, %mul3A_11 : i32
      %scan3A_13 = arith.constant 0 : i32
      %scan3A_14 = arith.constant 128 : i32
      %scan3A_15 = arith.addi %scan3A_13, %scan3A_14 : i32
      %scan3A_16 = arith.constant 1 : i32
      scf.for %scan3A_21 = %scan3A_13 to %scan3A_15 step %scan3A_16  : i32 {
        %add3A_22 = arith.addi %mul3A_12, %scan3A_21 : i32
        %mul3A_23 = arith.constant 16 : i32
        %mul3A_24 = arith.muli %add3A_22, %mul3A_23 : i32
        %broadcast_in_dim3A = arith.constant 0 : i32
        %broadcast_in_dim3A_25 = vector.broadcast %broadcast_in_dim3A : i32 to vector<16xi32>
        %add3A_26 = arith.constant 0 : i32
        %add3A_27 = arith.addi %mul3A_24, %add3A_26 : i32
        %add3A_28 = vector.broadcast %add3A_27 : i32 to vector<16xi32>
        %add3A_29 = arith.addi %broadcast_in_dim3A_25, %add3A_28 : vector<16xi32>
        %gather3A = tpu.vector_load_idx %arg7[%add3A_29] : memref<4096xi32, #tpu.memory_space<vmem>>[vector<16xi32>], vector<16xi32>,
        %mul3A_30 = arith.constant 193 : i32
        %mul3A_31 = vector.broadcast %mul3A_30 : i32 to vector<16xi32>
        %mul3A_32 = arith.muli %gather3A, %mul3A_31 : vector<16xi32>
        %add3A_33 = arith.addi %mul3A_32, %iota3A : vector<16xi32>
        %add3A_34 = arith.constant 0 : i32
        %add3A_35 = vector.broadcast %add3A_34 : i32 to vector<16xi32>
        %add3A_36 = arith.addi %add3A_33, %add3A_35 : vector<16xi32>
        %gather3A_37 = tpu.vector_load_idx %arg5[%add3A_36] : memref<49408xi32, #tpu.memory_space<vmem>>[vector<16xi32>], vector<16xi32>,
        %bitcast3A = vector.bitcast %gather3A_37 : vector<16xi32> to vector<32xbf16>
        %add3A_38 = arith.constant 16 : i32
        %add3A_39 = vector.broadcast %add3A_38 : i32 to vector<16xi32>
        %add3A_40 = arith.addi %add3A_33, %add3A_39 : vector<16xi32>
        %gather3A_41 = tpu.vector_load_idx %arg5[%add3A_40] : memref<49408xi32, #tpu.memory_space<vmem>>[vector<16xi32>], vector<16xi32>,
        %bitcast3A_42 = vector.bitcast %gather3A_41 : vector<16xi32> to vector<32xbf16>
        %add3A_43 = arith.constant 32 : i32
        %add3A_44 = vector.broadcast %add3A_43 : i32 to vector<16xi32>
        %add3A_45 = arith.addi %add3A_33, %add3A_44 : vector<16xi32>
        %gather3A_46 = tpu.vector_load_idx %arg5[%add3A_45] : memref<49408xi32, #tpu.memory_space<vmem>>[vector<16xi32>], vector<16xi32>,
        %bitcast3A_47 = vector.bitcast %gather3A_46 : vector<16xi32> to vector<32xbf16>
        %add3A_48 = arith.constant 48 : i32
        %add3A_49 = vector.broadcast %add3A_48 : i32 to vector<16xi32>
        %add3A_50 = arith.addi %add3A_33, %add3A_49 : vector<16xi32>
        %gather3A_51 = tpu.vector_load_idx %arg5[%add3A_50] : memref<49408xi32, #tpu.memory_space<vmem>>[vector<16xi32>], vector<16xi32>,
        %bitcast3A_52 = vector.bitcast %gather3A_51 : vector<16xi32> to vector<32xbf16>
        %add3A_53 = arith.constant 64 : i32
        %add3A_54 = vector.broadcast %add3A_53 : i32 to vector<16xi32>
        %add3A_55 = arith.addi %add3A_33, %add3A_54 : vector<16xi32>
        %gather3A_56 = tpu.vector_load_idx %arg5[%add3A_55] : memref<49408xi32, #tpu.memory_space<vmem>>[vector<16xi32>], vector<16xi32>,
        %bitcast3A_57 = vector.bitcast %gather3A_56 : vector<16xi32> to vector<32xbf16>
        %add3A_58 = arith.constant 80 : i32
        %add3A_59 = vector.broadcast %add3A_58 : i32 to vector<16xi32>
        %add3A_60 = arith.addi %add3A_33, %add3A_59 : vector<16xi32>
        %gather3A_61 = tpu.vector_load_idx %arg5[%add3A_60] : memref<49408xi32, #tpu.memory_space<vmem>>[vector<16xi32>], vector<16xi32>,
        %bitcast3A_62 = vector.bitcast %gather3A_61 : vector<16xi32> to vector<32xbf16>
        %add3A_63 = arith.constant 96 : i32
        %add3A_64 = vector.broadcast %add3A_63 : i32 to vector<16xi32>
        %add3A_65 = arith.addi %add3A_33, %add3A_64 : vector<16xi32>
        %gather3A_66 = tpu.vector_load_idx %arg5[%add3A_65] : memref<49408xi32, #tpu.memory_space<vmem>>[vector<16xi32>], vector<16xi32>,
        %bitcast3A_67 = vector.bitcast %gather3A_66 : vector<16xi32> to vector<32xbf16>
        %add3A_68 = arith.constant 112 : i32
        %add3A_69 = vector.broadcast %add3A_68 : i32 to vector<16xi32>
        %add3A_70 = arith.addi %add3A_33, %add3A_69 : vector<16xi32>
        %gather3A_71 = tpu.vector_load_idx %arg5[%add3A_70] : memref<49408xi32, #tpu.memory_space<vmem>>[vector<16xi32>], vector<16xi32>,
        %bitcast3A_72 = vector.bitcast %gather3A_71 : vector<16xi32> to vector<32xbf16>
        %add3A_73 = arith.constant 128 : i32
        %add3A_74 = vector.broadcast %add3A_73 : i32 to vector<16xi32>
        %add3A_75 = arith.addi %add3A_33, %add3A_74 : vector<16xi32>
        %gather3A_76 = tpu.vector_load_idx %arg5[%add3A_75] : memref<49408xi32, #tpu.memory_space<vmem>>[vector<16xi32>], vector<16xi32>,
        %bitcast3A_77 = vector.bitcast %gather3A_76 : vector<16xi32> to vector<32xbf16>
        %add3A_78 = arith.constant 144 : i32
        %add3A_79 = vector.broadcast %add3A_78 : i32 to vector<16xi32>
        %add3A_80 = arith.addi %add3A_33, %add3A_79 : vector<16xi32>
        %gather3A_81 = tpu.vector_load_idx %arg5[%add3A_80] : memref<49408xi32, #tpu.memory_space<vmem>>[vector<16xi32>], vector<16xi32>,
        %bitcast3A_82 = vector.bitcast %gather3A_81 : vector<16xi32> to vector<32xbf16>
        %add3A_83 = arith.constant 160 : i32
        %add3A_84 = vector.broadcast %add3A_83 : i32 to vector<16xi32>
        %add3A_85 = arith.addi %add3A_33, %add3A_84 : vector<16xi32>
        %gather3A_86 = tpu.vector_load_idx %arg5[%add3A_85] : memref<49408xi32, #tpu.memory_space<vmem>>[vector<16xi32>], vector<16xi32>,
        %bitcast3A_87 = vector.bitcast %gather3A_86 : vector<16xi32> to vector<32xbf16>
        %add3A_88 = arith.constant 176 : i32
        %add3A_89 = vector.broadcast %add3A_88 : i32 to vector<16xi32>
        %add3A_90 = arith.addi %add3A_33, %add3A_89 : vector<16xi32>
        %gather3A_91 = tpu.vector_load_idx %arg5[%add3A_90] : memref<49408xi32, #tpu.memory_space<vmem>>[vector<16xi32>], vector<16xi32>,
        %bitcast3A_92 = vector.bitcast %gather3A_91 : vector<16xi32> to vector<32xbf16>
        %broadcast_in_dim3A_93 = arith.constant 0 : i32
        %broadcast_in_dim3A_94 = vector.broadcast %broadcast_in_dim3A_93 : i32 to vector<16xi32>
        %add3A_95 = arith.constant 1 : i32
        %add3A_96 = arith.addi %mul3A_24, %add3A_95 : i32
        %add3A_97 = vector.broadcast %add3A_96 : i32 to vector<16xi32>
        %add3A_98 = arith.addi %broadcast_in_dim3A_94, %add3A_97 : vector<16xi32>
        %gather3A_99 = tpu.vector_load_idx %arg7[%add3A_98] : memref<4096xi32, #tpu.memory_space<vmem>>[vector<16xi32>], vector<16xi32>,
        %mul3A_100 = arith.constant 193 : i32
        %mul3A_101 = vector.broadcast %mul3A_100 : i32 to vector<16xi32>
        %mul3A_102 = arith.muli %gather3A_99, %mul3A_101 : vector<16xi32>
        %add3A_103 = arith.addi %mul3A_102, %iota3A : vector<16xi32>
        %add3A_104 = arith.constant 0 : i32
        %add3A_105 = vector.broadcast %add3A_104 : i32 to vector<16xi32>
        %add3A_106 = arith.addi %add3A_103, %add3A_105 : vector<16xi32>
        %gather3A_107 = tpu.vector_load_idx %arg5[%add3A_106] : memref<49408xi32, #tpu.memory_space<vmem>>[vector<16xi32>], vector<16xi32>,
        %bitcast3A_108 = vector.bitcast %gather3A_107 : vector<16xi32> to vector<32xbf16>
        %max3A = arith.maximumf %bitcast3A, %bitcast3A_108 : vector<32xbf16>
        %add3A_109 = arith.constant 16 : i32
        %add3A_110 = vector.broadcast %add3A_109 : i32 to vector<16xi32>
        %add3A_111 = arith.addi %add3A_103, %add3A_110 : vector<16xi32>
        %gather3A_112 = tpu.vector_load_idx %arg5[%add3A_111] : memref<49408xi32, #tpu.memory_space<vmem>>[vector<16xi32>], vector<16xi32>,
        %bitcast3A_113 = vector.bitcast %gather3A_112 : vector<16xi32> to vector<32xbf16>
        %max3A_114 = arith.maximumf %bitcast3A_42, %bitcast3A_113 : vector<32xbf16>
        %add3A_115 = arith.constant 32 : i32
        %add3A_116 = vector.broadcast %add3A_115 : i32 to vector<16xi32>
        %add3A_117 = arith.addi %add3A_103, %add3A_116 : vector<16xi32>
        %gather3A_118 = tpu.vector_load_idx %arg5[%add3A_117] : memref<49408xi32, #tpu.memory_space<vmem>>[vector<16xi32>], vector<16xi32>,
        %bitcast3A_119 = vector.bitcast %gather3A_118 : vector<16xi32> to vector<32xbf16>
        %max3A_120 = arith.maximumf %bitcast3A_47, %bitcast3A_119 : vector<32xbf16>
        %add3A_121 = arith.constant 48 : i32
        %add3A_122 = vector.broadcast %add3A_121 : i32 to vector<16xi32>
        %add3A_123 = arith.addi %add3A_103, %add3A_122 : vector<16xi32>
        %gather3A_124 = tpu.vector_load_idx %arg5[%add3A_123] : memref<49408xi32, #tpu.memory_space<vmem>>[vector<16xi32>], vector<16xi32>,
        %bitcast3A_125 = vector.bitcast %gather3A_124 : vector<16xi32> to vector<32xbf16>
        %max3A_126 = arith.maximumf %bitcast3A_52, %bitcast3A_125 : vector<32xbf16>
        %add3A_127 = arith.constant 64 : i32
        %add3A_128 = vector.broadcast %add3A_127 : i32 to vector<16xi32>
        %add3A_129 = arith.addi %add3A_103, %add3A_128 : vector<16xi32>
        %gather3A_130 = tpu.vector_load_idx %arg5[%add3A_129] : memref<49408xi32, #tpu.memory_space<vmem>>[vector<16xi32>], vector<16xi32>,
        %bitcast3A_131 = vector.bitcast %gather3A_130 : vector<16xi32> to vector<32xbf16>
        %max3A_132 = arith.maximumf %bitcast3A_57, %bitcast3A_131 : vector<32xbf16>
        %add3A_133 = arith.constant 80 : i32
        %add3A_134 = vector.broadcast %add3A_133 : i32 to vector<16xi32>
        %add3A_135 = arith.addi %add3A_103, %add3A_134 : vector<16xi32>
        %gather3A_136 = tpu.vector_load_idx %arg5[%add3A_135] : memref<49408xi32, #tpu.memory_space<vmem>>[vector<16xi32>], vector<16xi32>,
        %bitcast3A_137 = vector.bitcast %gather3A_136 : vector<16xi32> to vector<32xbf16>
        %max3A_138 = arith.maximumf %bitcast3A_62, %bitcast3A_137 : vector<32xbf16>
        %add3A_139 = arith.constant 96 : i32
        %add3A_140 = vector.broadcast %add3A_139 : i32 to vector<16xi32>
        %add3A_141 = arith.addi %add3A_103, %add3A_140 : vector<16xi32>
        %gather3A_142 = tpu.vector_load_idx %arg5[%add3A_141] : memref<49408xi32, #tpu.memory_space<vmem>>[vector<16xi32>], vector<16xi32>,
        %bitcast3A_143 = vector.bitcast %gather3A_142 : vector<16xi32> to vector<32xbf16>
        %max3A_144 = arith.maximumf %bitcast3A_67, %bitcast3A_143 : vector<32xbf16>
        %add3A_145 = arith.constant 112 : i32
        %add3A_146 = vector.broadcast %add3A_145 : i32 to vector<16xi32>
        %add3A_147 = arith.addi %add3A_103, %add3A_146 : vector<16xi32>
        %gather3A_148 = tpu.vector_load_idx %arg5[%add3A_147] : memref<49408xi32, #tpu.memory_space<vmem>>[vector<16xi32>], vector<16xi32>,
        %bitcast3A_149 = vector.bitcast %gather3A_148 : vector<16xi32> to vector<32xbf16>
        %max3A_150 = arith.maximumf %bitcast3A_72, %bitcast3A_149 : vector<32xbf16>
        %add3A_151 = arith.constant 128 : i32
        %add3A_152 = vector.broadcast %add3A_151 : i32 to vector<16xi32>
        %add3A_153 = arith.addi %add3A_103, %add3A_152 : vector<16xi32>
        %gather3A_154 = tpu.vector_load_idx %arg5[%add3A_153] : memref<49408xi32, #tpu.memory_space<vmem>>[vector<16xi32>], vector<16xi32>,
        %bitcast3A_155 = vector.bitcast %gather3A_154 : vector<16xi32> to vector<32xbf16>
        %max3A_156 = arith.maximumf %bitcast3A_77, %bitcast3A_155 : vector<32xbf16>
        %add3A_157 = arith.constant 144 : i32
        %add3A_158 = vector.broadcast %add3A_157 : i32 to vector<16xi32>
        %add3A_159 = arith.addi %add3A_103, %add3A_158 : vector<16xi32>
        %gather3A_160 = tpu.vector_load_idx %arg5[%add3A_159] : memref<49408xi32, #tpu.memory_space<vmem>>[vector<16xi32>], vector<16xi32>,
        %bitcast3A_161 = vector.bitcast %gather3A_160 : vector<16xi32> to vector<32xbf16>
        %max3A_162 = arith.maximumf %bitcast3A_82, %bitcast3A_161 : vector<32xbf16>
        %add3A_163 = arith.constant 160 : i32
        %add3A_164 = vector.broadcast %add3A_163 : i32 to vector<16xi32>
        %add3A_165 = arith.addi %add3A_103, %add3A_164 : vector<16xi32>
        %gather3A_166 = tpu.vector_load_idx %arg5[%add3A_165] : memref<49408xi32, #tpu.memory_space<vmem>>[vector<16xi32>], vector<16xi32>,
        %bitcast3A_167 = vector.bitcast %gather3A_166 : vector<16xi32> to vector<32xbf16>
        %max3A_168 = arith.maximumf %bitcast3A_87, %bitcast3A_167 : vector<32xbf16>
        %add3A_169 = arith.constant 176 : i32
        %add3A_170 = vector.broadcast %add3A_169 : i32 to vector<16xi32>
        %add3A_171 = arith.addi %add3A_103, %add3A_170 : vector<16xi32>
        %gather3A_172 = tpu.vector_load_idx %arg5[%add3A_171] : memref<49408xi32, #tpu.memory_space<vmem>>[vector<16xi32>], vector<16xi32>,
        %bitcast3A_173 = vector.bitcast %gather3A_172 : vector<16xi32> to vector<32xbf16>
        %max3A_174 = arith.maximumf %bitcast3A_92, %bitcast3A_173 : vector<32xbf16>
        %broadcast_in_dim3A_175 = arith.constant 0 : i32
        %broadcast_in_dim3A_176 = vector.broadcast %broadcast_in_dim3A_175 : i32 to vector<16xi32>
        %add3A_177 = arith.constant 2 : i32
        %add3A_178 = arith.addi %mul3A_24, %add3A_177 : i32
        %add3A_179 = vector.broadcast %add3A_178 : i32 to vector<16xi32>
        %add3A_180 = arith.addi %broadcast_in_dim3A_176, %add3A_179 : vector<16xi32>
        %gather3A_181 = tpu.vector_load_idx %arg7[%add3A_180] : memref<4096xi32, #tpu.memory_space<vmem>>[vector<16xi32>], vector<16xi32>,
        %mul3A_182 = arith.constant 193 : i32
        %mul3A_183 = vector.broadcast %mul3A_182 : i32 to vector<16xi32>
        %mul3A_184 = arith.muli %gather3A_181, %mul3A_183 : vector<16xi32>
        %add3A_185 = arith.addi %mul3A_184, %iota3A : vector<16xi32>
        %add3A_186 = arith.constant 0 : i32
        %add3A_187 = vector.broadcast %add3A_186 : i32 to vector<16xi32>
        %add3A_188 = arith.addi %add3A_185, %add3A_187 : vector<16xi32>
        %gather3A_189 = tpu.vector_load_idx %arg5[%add3A_188] : memref<49408xi32, #tpu.memory_space<vmem>>[vector<16xi32>], vector<16xi32>,
        %bitcast3A_190 = vector.bitcast %gather3A_189 : vector<16xi32> to vector<32xbf16>
        %max3A_191 = arith.maximumf %max3A, %bitcast3A_190 : vector<32xbf16>
        %add3A_192 = arith.constant 16 : i32
        %add3A_193 = vector.broadcast %add3A_192 : i32 to vector<16xi32>
        %add3A_194 = arith.addi %add3A_185, %add3A_193 : vector<16xi32>
        %gather3A_195 = tpu.vector_load_idx %arg5[%add3A_194] : memref<49408xi32, #tpu.memory_space<vmem>>[vector<16xi32>], vector<16xi32>,
        %bitcast3A_196 = vector.bitcast %gather3A_195 : vector<16xi32> to vector<32xbf16>
        %max3A_197 = arith.maximumf %max3A_114, %bitcast3A_196 : vector<32xbf16>
        %add3A_198 = arith.constant 32 : i32
        %add3A_199 = vector.broadcast %add3A_198 : i32 to vector<16xi32>
        %add3A_200 = arith.addi %add3A_185, %add3A_199 : vector<16xi32>
        %gather3A_201 = tpu.vector_load_idx %arg5[%add3A_200] : memref<49408xi32, #tpu.memory_space<vmem>>[vector<16xi32>], vector<16xi32>,
        %bitcast3A_202 = vector.bitcast %gather3A_201 : vector<16xi32> to vector<32xbf16>
        %max3A_203 = arith.maximumf %max3A_120, %bitcast3A_202 : vector<32xbf16>
        %add3A_204 = arith.constant 48 : i32
        %add3A_205 = vector.broadcast %add3A_204 : i32 to vector<16xi32>
        %add3A_206 = arith.addi %add3A_185, %add3A_205 : vector<16xi32>
        %gather3A_207 = tpu.vector_load_idx %arg5[%add3A_206] : memref<49408xi32, #tpu.memory_space<vmem>>[vector<16xi32>], vector<16xi32>,
        %bitcast3A_208 = vector.bitcast %gather3A_207 : vector<16xi32> to vector<32xbf16>
        %max3A_209 = arith.maximumf %max3A_126, %bitcast3A_208 : vector<32xbf16>
        %add3A_210 = arith.constant 64 : i32
        %add3A_211 = vector.broadcast %add3A_210 : i32 to vector<16xi32>
        %add3A_212 = arith.addi %add3A_185, %add3A_211 : vector<16xi32>
        %gather3A_213 = tpu.vector_load_idx %arg5[%add3A_212] : memref<49408xi32, #tpu.memory_space<vmem>>[vector<16xi32>], vector<16xi32>,
        %bitcast3A_214 = vector.bitcast %gather3A_213 : vector<16xi32> to vector<32xbf16>
        %max3A_215 = arith.maximumf %max3A_132, %bitcast3A_214 : vector<32xbf16>
        %add3A_216 = arith.constant 80 : i32
        %add3A_217 = vector.broadcast %add3A_216 : i32 to vector<16xi32>
        %add3A_218 = arith.addi %add3A_185, %add3A_217 : vector<16xi32>
        %gather3A_219 = tpu.vector_load_idx %arg5[%add3A_218] : memref<49408xi32, #tpu.memory_space<vmem>>[vector<16xi32>], vector<16xi32>,
        %bitcast3A_220 = vector.bitcast %gather3A_219 : vector<16xi32> to vector<32xbf16>
        %max3A_221 = arith.maximumf %max3A_138, %bitcast3A_220 : vector<32xbf16>
        %add3A_222 = arith.constant 96 : i32
        %add3A_223 = vector.broadcast %add3A_222 : i32 to vector<16xi32>
        %add3A_224 = arith.addi %add3A_185, %add3A_223 : vector<16xi32>
        %gather3A_225 = tpu.vector_load_idx %arg5[%add3A_224] : memref<49408xi32, #tpu.memory_space<vmem>>[vector<16xi32>], vector<16xi32>,
        %bitcast3A_226 = vector.bitcast %gather3A_225 : vector<16xi32> to vector<32xbf16>
        %max3A_227 = arith.maximumf %max3A_144, %bitcast3A_226 : vector<32xbf16>
        %add3A_228 = arith.constant 112 : i32
        %add3A_229 = vector.broadcast %add3A_228 : i32 to vector<16xi32>
        %add3A_230 = arith.addi %add3A_185, %add3A_229 : vector<16xi32>
        %gather3A_231 = tpu.vector_load_idx %arg5[%add3A_230] : memref<49408xi32, #tpu.memory_space<vmem>>[vector<16xi32>], vector<16xi32>,
        %bitcast3A_232 = vector.bitcast %gather3A_231 : vector<16xi32> to vector<32xbf16>
        %max3A_233 = arith.maximumf %max3A_150, %bitcast3A_232 : vector<32xbf16>
        %add3A_234 = arith.constant 128 : i32
        %add3A_235 = vector.broadcast %add3A_234 : i32 to vector<16xi32>
        %add3A_236 = arith.addi %add3A_185, %add3A_235 : vector<16xi32>
        %gather3A_237 = tpu.vector_load_idx %arg5[%add3A_236] : memref<49408xi32, #tpu.memory_space<vmem>>[vector<16xi32>], vector<16xi32>,
        %bitcast3A_238 = vector.bitcast %gather3A_237 : vector<16xi32> to vector<32xbf16>
        %max3A_239 = arith.maximumf %max3A_156, %bitcast3A_238 : vector<32xbf16>
        %add3A_240 = arith.constant 144 : i32
        %add3A_241 = vector.broadcast %add3A_240 : i32 to vector<16xi32>
        %add3A_242 = arith.addi %add3A_185, %add3A_241 : vector<16xi32>
        %gather3A_243 = tpu.vector_load_idx %arg5[%add3A_242] : memref<49408xi32, #tpu.memory_space<vmem>>[vector<16xi32>], vector<16xi32>,
        %bitcast3A_244 = vector.bitcast %gather3A_243 : vector<16xi32> to vector<32xbf16>
        %max3A_245 = arith.maximumf %max3A_162, %bitcast3A_244 : vector<32xbf16>
        %add3A_246 = arith.constant 160 : i32
        %add3A_247 = vector.broadcast %add3A_246 : i32 to vector<16xi32>
        %add3A_248 = arith.addi %add3A_185, %add3A_247 : vector<16xi32>
        %gather3A_249 = tpu.vector_load_idx %arg5[%add3A_248] : memref<49408xi32, #tpu.memory_space<vmem>>[vector<16xi32>], vector<16xi32>,
        %bitcast3A_250 = vector.bitcast %gather3A_249 : vector<16xi32> to vector<32xbf16>
        %max3A_251 = arith.maximumf %max3A_168, %bitcast3A_250 : vector<32xbf16>
        %add3A_252 = arith.constant 176 : i32
        %add3A_253 = vector.broadcast %add3A_252 : i32 to vector<16xi32>
        %add3A_254 = arith.addi %add3A_185, %add3A_253 : vector<16xi32>
        %gather3A_255 = tpu.vector_load_idx %arg5[%add3A_254] : memref<49408xi32, #tpu.memory_space<vmem>>[vector<16xi32>], vector<16xi32>,
        %bitcast3A_256 = vector.bitcast %gather3A_255 : vector<16xi32> to vector<32xbf16>
        %max3A_257 = arith.maximumf %max3A_174, %bitcast3A_256 : vector<32xbf16>
        %broadcast_in_dim3A_258 = arith.constant 0 : i32
        %broadcast_in_dim3A_259 = vector.broadcast %broadcast_in_dim3A_258 : i32 to vector<16xi32>
        %add3A_260 = arith.constant 3 : i32
        %add3A_261 = arith.addi %mul3A_24, %add3A_260 : i32
        %add3A_262 = vector.broadcast %add3A_261 : i32 to vector<16xi32>
        %add3A_263 = arith.addi %broadcast_in_dim3A_259, %add3A_262 : vector<16xi32>
        %gather3A_264 = tpu.vector_load_idx %arg7[%add3A_263] : memref<4096xi32, #tpu.memory_space<vmem>>[vector<16xi32>], vector<16xi32>,
        %mul3A_265 = arith.constant 193 : i32
        %mul3A_266 = vector.broadcast %mul3A_265 : i32 to vector<16xi32>
        %mul3A_267 = arith.muli %gather3A_264, %mul3A_266 : vector<16xi32>
        %add3A_268 = arith.addi %mul3A_267, %iota3A : vector<16xi32>
        %add3A_269 = arith.constant 0 : i32
        %add3A_270 = vector.broadcast %add3A_269 : i32 to vector<16xi32>
        %add3A_271 = arith.addi %add3A_268, %add3A_270 : vector<16xi32>
        %gather3A_272 = tpu.vector_load_idx %arg5[%add3A_271] : memref<49408xi32, #tpu.memory_space<vmem>>[vector<16xi32>], vector<16xi32>,
        %bitcast3A_273 = vector.bitcast %gather3A_272 : vector<16xi32> to vector<32xbf16>
        %max3A_274 = arith.maximumf %max3A_191, %bitcast3A_273 : vector<32xbf16>
        %add3A_275 = arith.constant 16 : i32
        %add3A_276 = vector.broadcast %add3A_275 : i32 to vector<16xi32>
        %add3A_277 = arith.addi %add3A_268, %add3A_276 : vector<16xi32>
        %gather3A_278 = tpu.vector_load_idx %arg5[%add3A_277] : memref<49408xi32, #tpu.memory_space<vmem>>[vector<16xi32>], vector<16xi32>,
        %bitcast3A_279 = vector.bitcast %gather3A_278 : vector<16xi32> to vector<32xbf16>
        %max3A_280 = arith.maximumf %max3A_197, %bitcast3A_279 : vector<32xbf16>
        %add3A_281 = arith.constant 32 : i32
        %add3A_282 = vector.broadcast %add3A_281 : i32 to vector<16xi32>
        %add3A_283 = arith.addi %add3A_268, %add3A_282 : vector<16xi32>
        %gather3A_284 = tpu.vector_load_idx %arg5[%add3A_283] : memref<49408xi32, #tpu.memory_space<vmem>>[vector<16xi32>], vector<16xi32>,
        %bitcast3A_285 = vector.bitcast %gather3A_284 : vector<16xi32> to vector<32xbf16>
        %max3A_286 = arith.maximumf %max3A_203, %bitcast3A_285 : vector<32xbf16>
        %add3A_287 = arith.constant 48 : i32
        %add3A_288 = vector.broadcast %add3A_287 : i32 to vector<16xi32>
        %add3A_289 = arith.addi %add3A_268, %add3A_288 : vector<16xi32>
        %gather3A_290 = tpu.vector_load_idx %arg5[%add3A_289] : memref<49408xi32, #tpu.memory_space<vmem>>[vector<16xi32>], vector<16xi32>,
        %bitcast3A_291 = vector.bitcast %gather3A_290 : vector<16xi32> to vector<32xbf16>
        %max3A_292 = arith.maximumf %max3A_209, %bitcast3A_291 : vector<32xbf16>
        %add3A_293 = arith.constant 64 : i32
        %add3A_294 = vector.broadcast %add3A_293 : i32 to vector<16xi32>
        %add3A_295 = arith.addi %add3A_268, %add3A_294 : vector<16xi32>
        %gather3A_296 = tpu.vector_load_idx %arg5[%add3A_295] : memref<49408xi32, #tpu.memory_space<vmem>>[vector<16xi32>], vector<16xi32>,
        %bitcast3A_297 = vector.bitcast %gather3A_296 : vector<16xi32> to vector<32xbf16>
        %max3A_298 = arith.maximumf %max3A_215, %bitcast3A_297 : vector<32xbf16>
        %add3A_299 = arith.constant 80 : i32
        %add3A_300 = vector.broadcast %add3A_299 : i32 to vector<16xi32>
        %add3A_301 = arith.addi %add3A_268, %add3A_300 : vector<16xi32>
        %gather3A_302 = tpu.vector_load_idx %arg5[%add3A_301] : memref<49408xi32, #tpu.memory_space<vmem>>[vector<16xi32>], vector<16xi32>,
        %bitcast3A_303 = vector.bitcast %gather3A_302 : vector<16xi32> to vector<32xbf16>
        %max3A_304 = arith.maximumf %max3A_221, %bitcast3A_303 : vector<32xbf16>
        %add3A_305 = arith.constant 96 : i32
        %add3A_306 = vector.broadcast %add3A_305 : i32 to vector<16xi32>
        %add3A_307 = arith.addi %add3A_268, %add3A_306 : vector<16xi32>
        %gather3A_308 = tpu.vector_load_idx %arg5[%add3A_307] : memref<49408xi32, #tpu.memory_space<vmem>>[vector<16xi32>], vector<16xi32>,
        %bitcast3A_309 = vector.bitcast %gather3A_308 : vector<16xi32> to vector<32xbf16>
        %max3A_310 = arith.maximumf %max3A_227, %bitcast3A_309 : vector<32xbf16>
        %add3A_311 = arith.constant 112 : i32
        %add3A_312 = vector.broadcast %add3A_311 : i32 to vector<16xi32>
        %add3A_313 = arith.addi %add3A_268, %add3A_312 : vector<16xi32>
        %gather3A_314 = tpu.vector_load_idx %arg5[%add3A_313] : memref<49408xi32, #tpu.memory_space<vmem>>[vector<16xi32>], vector<16xi32>,
        %bitcast3A_315 = vector.bitcast %gather3A_314 : vector<16xi32> to vector<32xbf16>
        %max3A_316 = arith.maximumf %max3A_233, %bitcast3A_315 : vector<32xbf16>
        %add3A_317 = arith.constant 128 : i32
        %add3A_318 = vector.broadcast %add3A_317 : i32 to vector<16xi32>
        %add3A_319 = arith.addi %add3A_268, %add3A_318 : vector<16xi32>
        %gather3A_320 = tpu.vector_load_idx %arg5[%add3A_319] : memref<49408xi32, #tpu.memory_space<vmem>>[vector<16xi32>], vector<16xi32>,
        %bitcast3A_321 = vector.bitcast %gather3A_320 : vector<16xi32> to vector<32xbf16>
        %max3A_322 = arith.maximumf %max3A_239, %bitcast3A_321 : vector<32xbf16>
        %add3A_323 = arith.constant 144 : i32
        %add3A_324 = vector.broadcast %add3A_323 : i32 to vector<16xi32>
        %add3A_325 = arith.addi %add3A_268, %add3A_324 : vector<16xi32>
        %gather3A_326 = tpu.vector_load_idx %arg5[%add3A_325] : memref<49408xi32, #tpu.memory_space<vmem>>[vector<16xi32>], vector<16xi32>,
        %bitcast3A_327 = vector.bitcast %gather3A_326 : vector<16xi32> to vector<32xbf16>
        %max3A_328 = arith.maximumf %max3A_245, %bitcast3A_327 : vector<32xbf16>
        %add3A_329 = arith.constant 160 : i32
        %add3A_330 = vector.broadcast %add3A_329 : i32 to vector<16xi32>
        %add3A_331 = arith.addi %add3A_268, %add3A_330 : vector<16xi32>
        %gather3A_332 = tpu.vector_load_idx %arg5[%add3A_331] : memref<49408xi32, #tpu.memory_space<vmem>>[vector<16xi32>], vector<16xi32>,
        %bitcast3A_333 = vector.bitcast %gather3A_332 : vector<16xi32> to vector<32xbf16>
        %max3A_334 = arith.maximumf %max3A_251, %bitcast3A_333 : vector<32xbf16>
        %add3A_335 = arith.constant 176 : i32
        %add3A_336 = vector.broadcast %add3A_335 : i32 to vector<16xi32>
        %add3A_337 = arith.addi %add3A_268, %add3A_336 : vector<16xi32>
        %gather3A_338 = tpu.vector_load_idx %arg5[%add3A_337] : memref<49408xi32, #tpu.memory_space<vmem>>[vector<16xi32>], vector<16xi32>,
        %bitcast3A_339 = vector.bitcast %gather3A_338 : vector<16xi32> to vector<32xbf16>
        %max3A_340 = arith.maximumf %max3A_257, %bitcast3A_339 : vector<32xbf16>
        %broadcast_in_dim3A_341 = arith.constant 0 : i32
        %broadcast_in_dim3A_342 = vector.broadcast %broadcast_in_dim3A_341 : i32 to vector<16xi32>
        %add3A_343 = arith.constant 4 : i32
        %add3A_344 = arith.addi %mul3A_24, %add3A_343 : i32
        %add3A_345 = vector.broadcast %add3A_344 : i32 to vector<16xi32>
        %add3A_346 = arith.addi %broadcast_in_dim3A_342, %add3A_345 : vector<16xi32>
        %gather3A_347 = tpu.vector_load_idx %arg7[%add3A_346] : memref<4096xi32, #tpu.memory_space<vmem>>[vector<16xi32>], vector<16xi32>,
        %mul3A_348 = arith.constant 193 : i32
        %mul3A_349 = vector.broadcast %mul3A_348 : i32 to vector<16xi32>
        %mul3A_350 = arith.muli %gather3A_347, %mul3A_349 : vector<16xi32>
        %add3A_351 = arith.addi %mul3A_350, %iota3A : vector<16xi32>
        %add3A_352 = arith.constant 0 : i32
        %add3A_353 = vector.broadcast %add3A_352 : i32 to vector<16xi32>
        %add3A_354 = arith.addi %add3A_351, %add3A_353 : vector<16xi32>
        %gather3A_355 = tpu.vector_load_idx %arg5[%add3A_354] : memref<49408xi32, #tpu.memory_space<vmem>>[vector<16xi32>], vector<16xi32>,
        %bitcast3A_356 = vector.bitcast %gather3A_355 : vector<16xi32> to vector<32xbf16>
        %max3A_357 = arith.maximumf %max3A_274, %bitcast3A_356 : vector<32xbf16>
        %add3A_358 = arith.constant 16 : i32
        %add3A_359 = vector.broadcast %add3A_358 : i32 to vector<16xi32>
        %add3A_360 = arith.addi %add3A_351, %add3A_359 : vector<16xi32>
        %gather3A_361 = tpu.vector_load_idx %arg5[%add3A_360] : memref<49408xi32, #tpu.memory_space<vmem>>[vector<16xi32>], vector<16xi32>,
        %bitcast3A_362 = vector.bitcast %gather3A_361 : vector<16xi32> to vector<32xbf16>
        %max3A_363 = arith.maximumf %max3A_280, %bitcast3A_362 : vector<32xbf16>
        %add3A_364 = arith.constant 32 : i32
        %add3A_365 = vector.broadcast %add3A_364 : i32 to vector<16xi32>
        %add3A_366 = arith.addi %add3A_351, %add3A_365 : vector<16xi32>
        %gather3A_367 = tpu.vector_load_idx %arg5[%add3A_366] : memref<49408xi32, #tpu.memory_space<vmem>>[vector<16xi32>], vector<16xi32>,
        %bitcast3A_368 = vector.bitcast %gather3A_367 : vector<16xi32> to vector<32xbf16>
        %max3A_369 = arith.maximumf %max3A_286, %bitcast3A_368 : vector<32xbf16>
        %add3A_370 = arith.constant 48 : i32
        %add3A_371 = vector.broadcast %add3A_370 : i32 to vector<16xi32>
        %add3A_372 = arith.addi %add3A_351, %add3A_371 : vector<16xi32>
        %gather3A_373 = tpu.vector_load_idx %arg5[%add3A_372] : memref<49408xi32, #tpu.memory_space<vmem>>[vector<16xi32>], vector<16xi32>,
        %bitcast3A_374 = vector.bitcast %gather3A_373 : vector<16xi32> to vector<32xbf16>
        %max3A_375 = arith.maximumf %max3A_292, %bitcast3A_374 : vector<32xbf16>
        %add3A_376 = arith.constant 64 : i32
        %add3A_377 = vector.broadcast %add3A_376 : i32 to vector<16xi32>
        %add3A_378 = arith.addi %add3A_351, %add3A_377 : vector<16xi32>
        %gather3A_379 = tpu.vector_load_idx %arg5[%add3A_378] : memref<49408xi32, #tpu.memory_space<vmem>>[vector<16xi32>], vector<16xi32>,
        %bitcast3A_380 = vector.bitcast %gather3A_379 : vector<16xi32> to vector<32xbf16>
        %max3A_381 = arith.maximumf %max3A_298, %bitcast3A_380 : vector<32xbf16>
        %add3A_382 = arith.constant 80 : i32
        %add3A_383 = vector.broadcast %add3A_382 : i32 to vector<16xi32>
        %add3A_384 = arith.addi %add3A_351, %add3A_383 : vector<16xi32>
        %gather3A_385 = tpu.vector_load_idx %arg5[%add3A_384] : memref<49408xi32, #tpu.memory_space<vmem>>[vector<16xi32>], vector<16xi32>,
        %bitcast3A_386 = vector.bitcast %gather3A_385 : vector<16xi32> to vector<32xbf16>
        %max3A_387 = arith.maximumf %max3A_304, %bitcast3A_386 : vector<32xbf16>
        %add3A_388 = arith.constant 96 : i32
        %add3A_389 = vector.broadcast %add3A_388 : i32 to vector<16xi32>
        %add3A_390 = arith.addi %add3A_351, %add3A_389 : vector<16xi32>
        %gather3A_391 = tpu.vector_load_idx %arg5[%add3A_390] : memref<49408xi32, #tpu.memory_space<vmem>>[vector<16xi32>], vector<16xi32>,
        %bitcast3A_392 = vector.bitcast %gather3A_391 : vector<16xi32> to vector<32xbf16>
        %max3A_393 = arith.maximumf %max3A_310, %bitcast3A_392 : vector<32xbf16>
        %add3A_394 = arith.constant 112 : i32
        %add3A_395 = vector.broadcast %add3A_394 : i32 to vector<16xi32>
        %add3A_396 = arith.addi %add3A_351, %add3A_395 : vector<16xi32>
        %gather3A_397 = tpu.vector_load_idx %arg5[%add3A_396] : memref<49408xi32, #tpu.memory_space<vmem>>[vector<16xi32>], vector<16xi32>,
        %bitcast3A_398 = vector.bitcast %gather3A_397 : vector<16xi32> to vector<32xbf16>
        %max3A_399 = arith.maximumf %max3A_316, %bitcast3A_398 : vector<32xbf16>
        %add3A_400 = arith.constant 128 : i32
        %add3A_401 = vector.broadcast %add3A_400 : i32 to vector<16xi32>
        %add3A_402 = arith.addi %add3A_351, %add3A_401 : vector<16xi32>
        %gather3A_403 = tpu.vector_load_idx %arg5[%add3A_402] : memref<49408xi32, #tpu.memory_space<vmem>>[vector<16xi32>], vector<16xi32>,
        %bitcast3A_404 = vector.bitcast %gather3A_403 : vector<16xi32> to vector<32xbf16>
        %max3A_405 = arith.maximumf %max3A_322, %bitcast3A_404 : vector<32xbf16>
        %add3A_406 = arith.constant 144 : i32
        %add3A_407 = vector.broadcast %add3A_406 : i32 to vector<16xi32>
        %add3A_408 = arith.addi %add3A_351, %add3A_407 : vector<16xi32>
        %gather3A_409 = tpu.vector_load_idx %arg5[%add3A_408] : memref<49408xi32, #tpu.memory_space<vmem>>[vector<16xi32>], vector<16xi32>,
        %bitcast3A_410 = vector.bitcast %gather3A_409 : vector<16xi32> to vector<32xbf16>
        %max3A_411 = arith.maximumf %max3A_328, %bitcast3A_410 : vector<32xbf16>
        %add3A_412 = arith.constant 160 : i32
        %add3A_413 = vector.broadcast %add3A_412 : i32 to vector<16xi32>
        %add3A_414 = arith.addi %add3A_351, %add3A_413 : vector<16xi32>
        %gather3A_415 = tpu.vector_load_idx %arg5[%add3A_414] : memref<49408xi32, #tpu.memory_space<vmem>>[vector<16xi32>], vector<16xi32>,
        %bitcast3A_416 = vector.bitcast %gather3A_415 : vector<16xi32> to vector<32xbf16>
        %max3A_417 = arith.maximumf %max3A_334, %bitcast3A_416 : vector<32xbf16>
        %add3A_418 = arith.constant 176 : i32
        %add3A_419 = vector.broadcast %add3A_418 : i32 to vector<16xi32>
        %add3A_420 = arith.addi %add3A_351, %add3A_419 : vector<16xi32>
        %gather3A_421 = tpu.vector_load_idx %arg5[%add3A_420] : memref<49408xi32, #tpu.memory_space<vmem>>[vector<16xi32>], vector<16xi32>,
        %bitcast3A_422 = vector.bitcast %gather3A_421 : vector<16xi32> to vector<32xbf16>
        %max3A_423 = arith.maximumf %max3A_340, %bitcast3A_422 : vector<32xbf16>
        %broadcast_in_dim3A_424 = arith.constant 0 : i32
        %broadcast_in_dim3A_425 = vector.broadcast %broadcast_in_dim3A_424 : i32 to vector<16xi32>
        %add3A_426 = arith.constant 5 : i32
        %add3A_427 = arith.addi %mul3A_24, %add3A_426 : i32
        %add3A_428 = vector.broadcast %add3A_427 : i32 to vector<16xi32>
        %add3A_429 = arith.addi %broadcast_in_dim3A_425, %add3A_428 : vector<16xi32>
        %gather3A_430 = tpu.vector_load_idx %arg7[%add3A_429] : memref<4096xi32, #tpu.memory_space<vmem>>[vector<16xi32>], vector<16xi32>,
        %mul3A_431 = arith.constant 193 : i32
        %mul3A_432 = vector.broadcast %mul3A_431 : i32 to vector<16xi32>
        %mul3A_433 = arith.muli %gather3A_430, %mul3A_432 : vector<16xi32>
        %add3A_434 = arith.addi %mul3A_433, %iota3A : vector<16xi32>
        %add3A_435 = arith.constant 0 : i32
        %add3A_436 = vector.broadcast %add3A_435 : i32 to vector<16xi32>
        %add3A_437 = arith.addi %add3A_434, %add3A_436 : vector<16xi32>
        %gather3A_438 = tpu.vector_load_idx %arg5[%add3A_437] : memref<49408xi32, #tpu.memory_space<vmem>>[vector<16xi32>], vector<16xi32>,
        %bitcast3A_439 = vector.bitcast %gather3A_438 : vector<16xi32> to vector<32xbf16>
        %max3A_440 = arith.maximumf %max3A_357, %bitcast3A_439 : vector<32xbf16>
        %add3A_441 = arith.constant 16 : i32
        %add3A_442 = vector.broadcast %add3A_441 : i32 to vector<16xi32>
        %add3A_443 = arith.addi %add3A_434, %add3A_442 : vector<16xi32>
        %gather3A_444 = tpu.vector_load_idx %arg5[%add3A_443] : memref<49408xi32, #tpu.memory_space<vmem>>[vector<16xi32>], vector<16xi32>,
        %bitcast3A_445 = vector.bitcast %gather3A_444 : vector<16xi32> to vector<32xbf16>
        %max3A_446 = arith.maximumf %max3A_363, %bitcast3A_445 : vector<32xbf16>
        %add3A_447 = arith.constant 32 : i32
        %add3A_448 = vector.broadcast %add3A_447 : i32 to vector<16xi32>
        %add3A_449 = arith.addi %add3A_434, %add3A_448 : vector<16xi32>
        %gather3A_450 = tpu.vector_load_idx %arg5[%add3A_449] : memref<49408xi32, #tpu.memory_space<vmem>>[vector<16xi32>], vector<16xi32>,
        %bitcast3A_451 = vector.bitcast %gather3A_450 : vector<16xi32> to vector<32xbf16>
        %max3A_452 = arith.maximumf %max3A_369, %bitcast3A_451 : vector<32xbf16>
        %add3A_453 = arith.constant 48 : i32
        %add3A_454 = vector.broadcast %add3A_453 : i32 to vector<16xi32>
        %add3A_455 = arith.addi %add3A_434, %add3A_454 : vector<16xi32>
        %gather3A_456 = tpu.vector_load_idx %arg5[%add3A_455] : memref<49408xi32, #tpu.memory_space<vmem>>[vector<16xi32>], vector<16xi32>,
        %bitcast3A_457 = vector.bitcast %gather3A_456 : vector<16xi32> to vector<32xbf16>
        %max3A_458 = arith.maximumf %max3A_375, %bitcast3A_457 : vector<32xbf16>
        %add3A_459 = arith.constant 64 : i32
        %add3A_460 = vector.broadcast %add3A_459 : i32 to vector<16xi32>
        %add3A_461 = arith.addi %add3A_434, %add3A_460 : vector<16xi32>
        %gather3A_462 = tpu.vector_load_idx %arg5[%add3A_461] : memref<49408xi32, #tpu.memory_space<vmem>>[vector<16xi32>], vector<16xi32>,
        %bitcast3A_463 = vector.bitcast %gather3A_462 : vector<16xi32> to vector<32xbf16>
        %max3A_464 = arith.maximumf %max3A_381, %bitcast3A_463 : vector<32xbf16>
        %add3A_465 = arith.constant 80 : i32
        %add3A_466 = vector.broadcast %add3A_465 : i32 to vector<16xi32>
        %add3A_467 = arith.addi %add3A_434, %add3A_466 : vector<16xi32>
        %gather3A_468 = tpu.vector_load_idx %arg5[%add3A_467] : memref<49408xi32, #tpu.memory_space<vmem>>[vector<16xi32>], vector<16xi32>,
        %bitcast3A_469 = vector.bitcast %gather3A_468 : vector<16xi32> to vector<32xbf16>
        %max3A_470 = arith.maximumf %max3A_387, %bitcast3A_469 : vector<32xbf16>
        %add3A_471 = arith.constant 96 : i32
        %add3A_472 = vector.broadcast %add3A_471 : i32 to vector<16xi32>
        %add3A_473 = arith.addi %add3A_434, %add3A_472 : vector<16xi32>
        %gather3A_474 = tpu.vector_load_idx %arg5[%add3A_473] : memref<49408xi32, #tpu.memory_space<vmem>>[vector<16xi32>], vector<16xi32>,
        %bitcast3A_475 = vector.bitcast %gather3A_474 : vector<16xi32> to vector<32xbf16>
        %max3A_476 = arith.maximumf %max3A_393, %bitcast3A_475 : vector<32xbf16>
        %add3A_477 = arith.constant 112 : i32
        %add3A_478 = vector.broadcast %add3A_477 : i32 to vector<16xi32>
        %add3A_479 = arith.addi %add3A_434, %add3A_478 : vector<16xi32>
        %gather3A_480 = tpu.vector_load_idx %arg5[%add3A_479] : memref<49408xi32, #tpu.memory_space<vmem>>[vector<16xi32>], vector<16xi32>,
        %bitcast3A_481 = vector.bitcast %gather3A_480 : vector<16xi32> to vector<32xbf16>
        %max3A_482 = arith.maximumf %max3A_399, %bitcast3A_481 : vector<32xbf16>
        %add3A_483 = arith.constant 128 : i32
        %add3A_484 = vector.broadcast %add3A_483 : i32 to vector<16xi32>
        %add3A_485 = arith.addi %add3A_434, %add3A_484 : vector<16xi32>
        %gather3A_486 = tpu.vector_load_idx %arg5[%add3A_485] : memref<49408xi32, #tpu.memory_space<vmem>>[vector<16xi32>], vector<16xi32>,
        %bitcast3A_487 = vector.bitcast %gather3A_486 : vector<16xi32> to vector<32xbf16>
        %max3A_488 = arith.maximumf %max3A_405, %bitcast3A_487 : vector<32xbf16>
        %add3A_489 = arith.constant 144 : i32
        %add3A_490 = vector.broadcast %add3A_489 : i32 to vector<16xi32>
        %add3A_491 = arith.addi %add3A_434, %add3A_490 : vector<16xi32>
        %gather3A_492 = tpu.vector_load_idx %arg5[%add3A_491] : memref<49408xi32, #tpu.memory_space<vmem>>[vector<16xi32>], vector<16xi32>,
        %bitcast3A_493 = vector.bitcast %gather3A_492 : vector<16xi32> to vector<32xbf16>
        %max3A_494 = arith.maximumf %max3A_411, %bitcast3A_493 : vector<32xbf16>
        %add3A_495 = arith.constant 160 : i32
        %add3A_496 = vector.broadcast %add3A_495 : i32 to vector<16xi32>
        %add3A_497 = arith.addi %add3A_434, %add3A_496 : vector<16xi32>
        %gather3A_498 = tpu.vector_load_idx %arg5[%add3A_497] : memref<49408xi32, #tpu.memory_space<vmem>>[vector<16xi32>], vector<16xi32>,
        %bitcast3A_499 = vector.bitcast %gather3A_498 : vector<16xi32> to vector<32xbf16>
        %max3A_500 = arith.maximumf %max3A_417, %bitcast3A_499 : vector<32xbf16>
        %add3A_501 = arith.constant 176 : i32
        %add3A_502 = vector.broadcast %add3A_501 : i32 to vector<16xi32>
        %add3A_503 = arith.addi %add3A_434, %add3A_502 : vector<16xi32>
        %gather3A_504 = tpu.vector_load_idx %arg5[%add3A_503] : memref<49408xi32, #tpu.memory_space<vmem>>[vector<16xi32>], vector<16xi32>,
        %bitcast3A_505 = vector.bitcast %gather3A_504 : vector<16xi32> to vector<32xbf16>
        %max3A_506 = arith.maximumf %max3A_423, %bitcast3A_505 : vector<32xbf16>
        %broadcast_in_dim3A_507 = arith.constant 0 : i32
        %broadcast_in_dim3A_508 = vector.broadcast %broadcast_in_dim3A_507 : i32 to vector<16xi32>
        %add3A_509 = arith.constant 6 : i32
        %add3A_510 = arith.addi %mul3A_24, %add3A_509 : i32
        %add3A_511 = vector.broadcast %add3A_510 : i32 to vector<16xi32>
        %add3A_512 = arith.addi %broadcast_in_dim3A_508, %add3A_511 : vector<16xi32>
        %gather3A_513 = tpu.vector_load_idx %arg7[%add3A_512] : memref<4096xi32, #tpu.memory_space<vmem>>[vector<16xi32>], vector<16xi32>,
        %mul3A_514 = arith.constant 193 : i32
        %mul3A_515 = vector.broadcast %mul3A_514 : i32 to vector<16xi32>
        %mul3A_516 = arith.muli %gather3A_513, %mul3A_515 : vector<16xi32>
        %add3A_517 = arith.addi %mul3A_516, %iota3A : vector<16xi32>
        %add3A_518 = arith.constant 0 : i32
        %add3A_519 = vector.broadcast %add3A_518 : i32 to vector<16xi32>
        %add3A_520 = arith.addi %add3A_517, %add3A_519 : vector<16xi32>
        %gather3A_521 = tpu.vector_load_idx %arg5[%add3A_520] : memref<49408xi32, #tpu.memory_space<vmem>>[vector<16xi32>], vector<16xi32>,
        %bitcast3A_522 = vector.bitcast %gather3A_521 : vector<16xi32> to vector<32xbf16>
        %max3A_523 = arith.maximumf %max3A_440, %bitcast3A_522 : vector<32xbf16>
        %add3A_524 = arith.constant 16 : i32
        %add3A_525 = vector.broadcast %add3A_524 : i32 to vector<16xi32>
        %add3A_526 = arith.addi %add3A_517, %add3A_525 : vector<16xi32>
        %gather3A_527 = tpu.vector_load_idx %arg5[%add3A_526] : memref<49408xi32, #tpu.memory_space<vmem>>[vector<16xi32>], vector<16xi32>,
        %bitcast3A_528 = vector.bitcast %gather3A_527 : vector<16xi32> to vector<32xbf16>
        %max3A_529 = arith.maximumf %max3A_446, %bitcast3A_528 : vector<32xbf16>
        %add3A_530 = arith.constant 32 : i32
        %add3A_531 = vector.broadcast %add3A_530 : i32 to vector<16xi32>
        %add3A_532 = arith.addi %add3A_517, %add3A_531 : vector<16xi32>
        %gather3A_533 = tpu.vector_load_idx %arg5[%add3A_532] : memref<49408xi32, #tpu.memory_space<vmem>>[vector<16xi32>], vector<16xi32>,
        %bitcast3A_534 = vector.bitcast %gather3A_533 : vector<16xi32> to vector<32xbf16>
        %max3A_535 = arith.maximumf %max3A_452, %bitcast3A_534 : vector<32xbf16>
        %add3A_536 = arith.constant 48 : i32
        %add3A_537 = vector.broadcast %add3A_536 : i32 to vector<16xi32>
        %add3A_538 = arith.addi %add3A_517, %add3A_537 : vector<16xi32>
        %gather3A_539 = tpu.vector_load_idx %arg5[%add3A_538] : memref<49408xi32, #tpu.memory_space<vmem>>[vector<16xi32>], vector<16xi32>,
        %bitcast3A_540 = vector.bitcast %gather3A_539 : vector<16xi32> to vector<32xbf16>
        %max3A_541 = arith.maximumf %max3A_458, %bitcast3A_540 : vector<32xbf16>
        %add3A_542 = arith.constant 64 : i32
        %add3A_543 = vector.broadcast %add3A_542 : i32 to vector<16xi32>
        %add3A_544 = arith.addi %add3A_517, %add3A_543 : vector<16xi32>
        %gather3A_545 = tpu.vector_load_idx %arg5[%add3A_544] : memref<49408xi32, #tpu.memory_space<vmem>>[vector<16xi32>], vector<16xi32>,
        %bitcast3A_546 = vector.bitcast %gather3A_545 : vector<16xi32> to vector<32xbf16>
        %max3A_547 = arith.maximumf %max3A_464, %bitcast3A_546 : vector<32xbf16>
        %add3A_548 = arith.constant 80 : i32
        %add3A_549 = vector.broadcast %add3A_548 : i32 to vector<16xi32>
        %add3A_550 = arith.addi %add3A_517, %add3A_549 : vector<16xi32>
        %gather3A_551 = tpu.vector_load_idx %arg5[%add3A_550] : memref<49408xi32, #tpu.memory_space<vmem>>[vector<16xi32>], vector<16xi32>,
        %bitcast3A_552 = vector.bitcast %gather3A_551 : vector<16xi32> to vector<32xbf16>
        %max3A_553 = arith.maximumf %max3A_470, %bitcast3A_552 : vector<32xbf16>
        %add3A_554 = arith.constant 96 : i32
        %add3A_555 = vector.broadcast %add3A_554 : i32 to vector<16xi32>
        %add3A_556 = arith.addi %add3A_517, %add3A_555 : vector<16xi32>
        %gather3A_557 = tpu.vector_load_idx %arg5[%add3A_556] : memref<49408xi32, #tpu.memory_space<vmem>>[vector<16xi32>], vector<16xi32>,
        %bitcast3A_558 = vector.bitcast %gather3A_557 : vector<16xi32> to vector<32xbf16>
        %max3A_559 = arith.maximumf %max3A_476, %bitcast3A_558 : vector<32xbf16>
        %add3A_560 = arith.constant 112 : i32
        %add3A_561 = vector.broadcast %add3A_560 : i32 to vector<16xi32>
        %add3A_562 = arith.addi %add3A_517, %add3A_561 : vector<16xi32>
        %gather3A_563 = tpu.vector_load_idx %arg5[%add3A_562] : memref<49408xi32, #tpu.memory_space<vmem>>[vector<16xi32>], vector<16xi32>,
        %bitcast3A_564 = vector.bitcast %gather3A_563 : vector<16xi32> to vector<32xbf16>
        %max3A_565 = arith.maximumf %max3A_482, %bitcast3A_564 : vector<32xbf16>
        %add3A_566 = arith.constant 128 : i32
        %add3A_567 = vector.broadcast %add3A_566 : i32 to vector<16xi32>
        %add3A_568 = arith.addi %add3A_517, %add3A_567 : vector<16xi32>
        %gather3A_569 = tpu.vector_load_idx %arg5[%add3A_568] : memref<49408xi32, #tpu.memory_space<vmem>>[vector<16xi32>], vector<16xi32>,
        %bitcast3A_570 = vector.bitcast %gather3A_569 : vector<16xi32> to vector<32xbf16>
        %max3A_571 = arith.maximumf %max3A_488, %bitcast3A_570 : vector<32xbf16>
        %add3A_572 = arith.constant 144 : i32
        %add3A_573 = vector.broadcast %add3A_572 : i32 to vector<16xi32>
        %add3A_574 = arith.addi %add3A_517, %add3A_573 : vector<16xi32>
        %gather3A_575 = tpu.vector_load_idx %arg5[%add3A_574] : memref<49408xi32, #tpu.memory_space<vmem>>[vector<16xi32>], vector<16xi32>,
        %bitcast3A_576 = vector.bitcast %gather3A_575 : vector<16xi32> to vector<32xbf16>
        %max3A_577 = arith.maximumf %max3A_494, %bitcast3A_576 : vector<32xbf16>
        %add3A_578 = arith.constant 160 : i32
        %add3A_579 = vector.broadcast %add3A_578 : i32 to vector<16xi32>
        %add3A_580 = arith.addi %add3A_517, %add3A_579 : vector<16xi32>
        %gather3A_581 = tpu.vector_load_idx %arg5[%add3A_580] : memref<49408xi32, #tpu.memory_space<vmem>>[vector<16xi32>], vector<16xi32>,
        %bitcast3A_582 = vector.bitcast %gather3A_581 : vector<16xi32> to vector<32xbf16>
        %max3A_583 = arith.maximumf %max3A_500, %bitcast3A_582 : vector<32xbf16>
        %add3A_584 = arith.constant 176 : i32
        %add3A_585 = vector.broadcast %add3A_584 : i32 to vector<16xi32>
        %add3A_586 = arith.addi %add3A_517, %add3A_585 : vector<16xi32>
        %gather3A_587 = tpu.vector_load_idx %arg5[%add3A_586] : memref<49408xi32, #tpu.memory_space<vmem>>[vector<16xi32>], vector<16xi32>,
        %bitcast3A_588 = vector.bitcast %gather3A_587 : vector<16xi32> to vector<32xbf16>
        %max3A_589 = arith.maximumf %max3A_506, %bitcast3A_588 : vector<32xbf16>
        %broadcast_in_dim3A_590 = arith.constant 0 : i32
        %broadcast_in_dim3A_591 = vector.broadcast %broadcast_in_dim3A_590 : i32 to vector<16xi32>
        %add3A_592 = arith.constant 7 : i32
        %add3A_593 = arith.addi %mul3A_24, %add3A_592 : i32
        %add3A_594 = vector.broadcast %add3A_593 : i32 to vector<16xi32>
        %add3A_595 = arith.addi %broadcast_in_dim3A_591, %add3A_594 : vector<16xi32>
        %gather3A_596 = tpu.vector_load_idx %arg7[%add3A_595] : memref<4096xi32, #tpu.memory_space<vmem>>[vector<16xi32>], vector<16xi32>,
        %mul3A_597 = arith.constant 193 : i32
        %mul3A_598 = vector.broadcast %mul3A_597 : i32 to vector<16xi32>
        %mul3A_599 = arith.muli %gather3A_596, %mul3A_598 : vector<16xi32>
        %add3A_600 = arith.addi %mul3A_599, %iota3A : vector<16xi32>
        %add3A_601 = arith.constant 0 : i32
        %add3A_602 = vector.broadcast %add3A_601 : i32 to vector<16xi32>
        %add3A_603 = arith.addi %add3A_600, %add3A_602 : vector<16xi32>
        %gather3A_604 = tpu.vector_load_idx %arg5[%add3A_603] : memref<49408xi32, #tpu.memory_space<vmem>>[vector<16xi32>], vector<16xi32>,
        %bitcast3A_605 = vector.bitcast %gather3A_604 : vector<16xi32> to vector<32xbf16>
        %max3A_606 = arith.maximumf %max3A_523, %bitcast3A_605 : vector<32xbf16>
        %add3A_607 = arith.constant 16 : i32
        %add3A_608 = vector.broadcast %add3A_607 : i32 to vector<16xi32>
        %add3A_609 = arith.addi %add3A_600, %add3A_608 : vector<16xi32>
        %gather3A_610 = tpu.vector_load_idx %arg5[%add3A_609] : memref<49408xi32, #tpu.memory_space<vmem>>[vector<16xi32>], vector<16xi32>,
        %bitcast3A_611 = vector.bitcast %gather3A_610 : vector<16xi32> to vector<32xbf16>
        %max3A_612 = arith.maximumf %max3A_529, %bitcast3A_611 : vector<32xbf16>
        %add3A_613 = arith.constant 32 : i32
        %add3A_614 = vector.broadcast %add3A_613 : i32 to vector<16xi32>
        %add3A_615 = arith.addi %add3A_600, %add3A_614 : vector<16xi32>
        %gather3A_616 = tpu.vector_load_idx %arg5[%add3A_615] : memref<49408xi32, #tpu.memory_space<vmem>>[vector<16xi32>], vector<16xi32>,
        %bitcast3A_617 = vector.bitcast %gather3A_616 : vector<16xi32> to vector<32xbf16>
        %max3A_618 = arith.maximumf %max3A_535, %bitcast3A_617 : vector<32xbf16>
        %add3A_619 = arith.constant 48 : i32
        %add3A_620 = vector.broadcast %add3A_619 : i32 to vector<16xi32>
        %add3A_621 = arith.addi %add3A_600, %add3A_620 : vector<16xi32>
        %gather3A_622 = tpu.vector_load_idx %arg5[%add3A_621] : memref<49408xi32, #tpu.memory_space<vmem>>[vector<16xi32>], vector<16xi32>,
        %bitcast3A_623 = vector.bitcast %gather3A_622 : vector<16xi32> to vector<32xbf16>
        %max3A_624 = arith.maximumf %max3A_541, %bitcast3A_623 : vector<32xbf16>
        %add3A_625 = arith.constant 64 : i32
        %add3A_626 = vector.broadcast %add3A_625 : i32 to vector<16xi32>
        %add3A_627 = arith.addi %add3A_600, %add3A_626 : vector<16xi32>
        %gather3A_628 = tpu.vector_load_idx %arg5[%add3A_627] : memref<49408xi32, #tpu.memory_space<vmem>>[vector<16xi32>], vector<16xi32>,
        %bitcast3A_629 = vector.bitcast %gather3A_628 : vector<16xi32> to vector<32xbf16>
        %max3A_630 = arith.maximumf %max3A_547, %bitcast3A_629 : vector<32xbf16>
        %add3A_631 = arith.constant 80 : i32
        %add3A_632 = vector.broadcast %add3A_631 : i32 to vector<16xi32>
        %add3A_633 = arith.addi %add3A_600, %add3A_632 : vector<16xi32>
        %gather3A_634 = tpu.vector_load_idx %arg5[%add3A_633] : memref<49408xi32, #tpu.memory_space<vmem>>[vector<16xi32>], vector<16xi32>,
        %bitcast3A_635 = vector.bitcast %gather3A_634 : vector<16xi32> to vector<32xbf16>
        %max3A_636 = arith.maximumf %max3A_553, %bitcast3A_635 : vector<32xbf16>
        %add3A_637 = arith.constant 96 : i32
        %add3A_638 = vector.broadcast %add3A_637 : i32 to vector<16xi32>
        %add3A_639 = arith.addi %add3A_600, %add3A_638 : vector<16xi32>
        %gather3A_640 = tpu.vector_load_idx %arg5[%add3A_639] : memref<49408xi32, #tpu.memory_space<vmem>>[vector<16xi32>], vector<16xi32>,
        %bitcast3A_641 = vector.bitcast %gather3A_640 : vector<16xi32> to vector<32xbf16>
        %max3A_642 = arith.maximumf %max3A_559, %bitcast3A_641 : vector<32xbf16>
        %add3A_643 = arith.constant 112 : i32
        %add3A_644 = vector.broadcast %add3A_643 : i32 to vector<16xi32>
        %add3A_645 = arith.addi %add3A_600, %add3A_644 : vector<16xi32>
        %gather3A_646 = tpu.vector_load_idx %arg5[%add3A_645] : memref<49408xi32, #tpu.memory_space<vmem>>[vector<16xi32>], vector<16xi32>,
        %bitcast3A_647 = vector.bitcast %gather3A_646 : vector<16xi32> to vector<32xbf16>
        %max3A_648 = arith.maximumf %max3A_565, %bitcast3A_647 : vector<32xbf16>
        %add3A_649 = arith.constant 128 : i32
        %add3A_650 = vector.broadcast %add3A_649 : i32 to vector<16xi32>
        %add3A_651 = arith.addi %add3A_600, %add3A_650 : vector<16xi32>
        %gather3A_652 = tpu.vector_load_idx %arg5[%add3A_651] : memref<49408xi32, #tpu.memory_space<vmem>>[vector<16xi32>], vector<16xi32>,
        %bitcast3A_653 = vector.bitcast %gather3A_652 : vector<16xi32> to vector<32xbf16>
        %max3A_654 = arith.maximumf %max3A_571, %bitcast3A_653 : vector<32xbf16>
        %add3A_655 = arith.constant 144 : i32
        %add3A_656 = vector.broadcast %add3A_655 : i32 to vector<16xi32>
        %add3A_657 = arith.addi %add3A_600, %add3A_656 : vector<16xi32>
        %gather3A_658 = tpu.vector_load_idx %arg5[%add3A_657] : memref<49408xi32, #tpu.memory_space<vmem>>[vector<16xi32>], vector<16xi32>,
        %bitcast3A_659 = vector.bitcast %gather3A_658 : vector<16xi32> to vector<32xbf16>
        %max3A_660 = arith.maximumf %max3A_577, %bitcast3A_659 : vector<32xbf16>
        %add3A_661 = arith.constant 160 : i32
        %add3A_662 = vector.broadcast %add3A_661 : i32 to vector<16xi32>
        %add3A_663 = arith.addi %add3A_600, %add3A_662 : vector<16xi32>
        %gather3A_664 = tpu.vector_load_idx %arg5[%add3A_663] : memref<49408xi32, #tpu.memory_space<vmem>>[vector<16xi32>], vector<16xi32>,
        %bitcast3A_665 = vector.bitcast %gather3A_664 : vector<16xi32> to vector<32xbf16>
        %max3A_666 = arith.maximumf %max3A_583, %bitcast3A_665 : vector<32xbf16>
        %add3A_667 = arith.constant 176 : i32
        %add3A_668 = vector.broadcast %add3A_667 : i32 to vector<16xi32>
        %add3A_669 = arith.addi %add3A_600, %add3A_668 : vector<16xi32>
        %gather3A_670 = tpu.vector_load_idx %arg5[%add3A_669] : memref<49408xi32, #tpu.memory_space<vmem>>[vector<16xi32>], vector<16xi32>,
        %bitcast3A_671 = vector.bitcast %gather3A_670 : vector<16xi32> to vector<32xbf16>
        %max3A_672 = arith.maximumf %max3A_589, %bitcast3A_671 : vector<32xbf16>
        %broadcast_in_dim3A_673 = arith.constant 0 : i32
        %broadcast_in_dim3A_674 = vector.broadcast %broadcast_in_dim3A_673 : i32 to vector<16xi32>
        %add3A_675 = arith.constant 8 : i32
        %add3A_676 = arith.addi %mul3A_24, %add3A_675 : i32
        %add3A_677 = vector.broadcast %add3A_676 : i32 to vector<16xi32>
        %add3A_678 = arith.addi %broadcast_in_dim3A_674, %add3A_677 : vector<16xi32>
        %gather3A_679 = tpu.vector_load_idx %arg7[%add3A_678] : memref<4096xi32, #tpu.memory_space<vmem>>[vector<16xi32>], vector<16xi32>,
        %mul3A_680 = arith.constant 193 : i32
        %mul3A_681 = vector.broadcast %mul3A_680 : i32 to vector<16xi32>
        %mul3A_682 = arith.muli %gather3A_679, %mul3A_681 : vector<16xi32>
        %add3A_683 = arith.addi %mul3A_682, %iota3A : vector<16xi32>
        %add3A_684 = arith.constant 0 : i32
        %add3A_685 = vector.broadcast %add3A_684 : i32 to vector<16xi32>
        %add3A_686 = arith.addi %add3A_683, %add3A_685 : vector<16xi32>
        %gather3A_687 = tpu.vector_load_idx %arg5[%add3A_686] : memref<49408xi32, #tpu.memory_space<vmem>>[vector<16xi32>], vector<16xi32>,
        %bitcast3A_688 = vector.bitcast %gather3A_687 : vector<16xi32> to vector<32xbf16>
        %max3A_689 = arith.maximumf %max3A_606, %bitcast3A_688 : vector<32xbf16>
        %add3A_690 = arith.constant 16 : i32
        %add3A_691 = vector.broadcast %add3A_690 : i32 to vector<16xi32>
        %add3A_692 = arith.addi %add3A_683, %add3A_691 : vector<16xi32>
        %gather3A_693 = tpu.vector_load_idx %arg5[%add3A_692] : memref<49408xi32, #tpu.memory_space<vmem>>[vector<16xi32>], vector<16xi32>,
        %bitcast3A_694 = vector.bitcast %gather3A_693 : vector<16xi32> to vector<32xbf16>
        %max3A_695 = arith.maximumf %max3A_612, %bitcast3A_694 : vector<32xbf16>
        %add3A_696 = arith.constant 32 : i32
        %add3A_697 = vector.broadcast %add3A_696 : i32 to vector<16xi32>
        %add3A_698 = arith.addi %add3A_683, %add3A_697 : vector<16xi32>
        %gather3A_699 = tpu.vector_load_idx %arg5[%add3A_698] : memref<49408xi32, #tpu.memory_space<vmem>>[vector<16xi32>], vector<16xi32>,
        %bitcast3A_700 = vector.bitcast %gather3A_699 : vector<16xi32> to vector<32xbf16>
        %max3A_701 = arith.maximumf %max3A_618, %bitcast3A_700 : vector<32xbf16>
        %add3A_702 = arith.constant 48 : i32
        %add3A_703 = vector.broadcast %add3A_702 : i32 to vector<16xi32>
        %add3A_704 = arith.addi %add3A_683, %add3A_703 : vector<16xi32>
        %gather3A_705 = tpu.vector_load_idx %arg5[%add3A_704] : memref<49408xi32, #tpu.memory_space<vmem>>[vector<16xi32>], vector<16xi32>,
        %bitcast3A_706 = vector.bitcast %gather3A_705 : vector<16xi32> to vector<32xbf16>
        %max3A_707 = arith.maximumf %max3A_624, %bitcast3A_706 : vector<32xbf16>
        %add3A_708 = arith.constant 64 : i32
        %add3A_709 = vector.broadcast %add3A_708 : i32 to vector<16xi32>
        %add3A_710 = arith.addi %add3A_683, %add3A_709 : vector<16xi32>
        %gather3A_711 = tpu.vector_load_idx %arg5[%add3A_710] : memref<49408xi32, #tpu.memory_space<vmem>>[vector<16xi32>], vector<16xi32>,
        %bitcast3A_712 = vector.bitcast %gather3A_711 : vector<16xi32> to vector<32xbf16>
        %max3A_713 = arith.maximumf %max3A_630, %bitcast3A_712 : vector<32xbf16>
        %add3A_714 = arith.constant 80 : i32
        %add3A_715 = vector.broadcast %add3A_714 : i32 to vector<16xi32>
        %add3A_716 = arith.addi %add3A_683, %add3A_715 : vector<16xi32>
        %gather3A_717 = tpu.vector_load_idx %arg5[%add3A_716] : memref<49408xi32, #tpu.memory_space<vmem>>[vector<16xi32>], vector<16xi32>,
        %bitcast3A_718 = vector.bitcast %gather3A_717 : vector<16xi32> to vector<32xbf16>
        %max3A_719 = arith.maximumf %max3A_636, %bitcast3A_718 : vector<32xbf16>
        %add3A_720 = arith.constant 96 : i32
        %add3A_721 = vector.broadcast %add3A_720 : i32 to vector<16xi32>
        %add3A_722 = arith.addi %add3A_683, %add3A_721 : vector<16xi32>
        %gather3A_723 = tpu.vector_load_idx %arg5[%add3A_722] : memref<49408xi32, #tpu.memory_space<vmem>>[vector<16xi32>], vector<16xi32>,
        %bitcast3A_724 = vector.bitcast %gather3A_723 : vector<16xi32> to vector<32xbf16>
        %max3A_725 = arith.maximumf %max3A_642, %bitcast3A_724 : vector<32xbf16>
        %add3A_726 = arith.constant 112 : i32
        %add3A_727 = vector.broadcast %add3A_726 : i32 to vector<16xi32>
        %add3A_728 = arith.addi %add3A_683, %add3A_727 : vector<16xi32>
        %gather3A_729 = tpu.vector_load_idx %arg5[%add3A_728] : memref<49408xi32, #tpu.memory_space<vmem>>[vector<16xi32>], vector<16xi32>,
        %bitcast3A_730 = vector.bitcast %gather3A_729 : vector<16xi32> to vector<32xbf16>
        %max3A_731 = arith.maximumf %max3A_648, %bitcast3A_730 : vector<32xbf16>
        %add3A_732 = arith.constant 128 : i32
        %add3A_733 = vector.broadcast %add3A_732 : i32 to vector<16xi32>
        %add3A_734 = arith.addi %add3A_683, %add3A_733 : vector<16xi32>
        %gather3A_735 = tpu.vector_load_idx %arg5[%add3A_734] : memref<49408xi32, #tpu.memory_space<vmem>>[vector<16xi32>], vector<16xi32>,
        %bitcast3A_736 = vector.bitcast %gather3A_735 : vector<16xi32> to vector<32xbf16>
        %max3A_737 = arith.maximumf %max3A_654, %bitcast3A_736 : vector<32xbf16>
        %add3A_738 = arith.constant 144 : i32
        %add3A_739 = vector.broadcast %add3A_738 : i32 to vector<16xi32>
        %add3A_740 = arith.addi %add3A_683, %add3A_739 : vector<16xi32>
        %gather3A_741 = tpu.vector_load_idx %arg5[%add3A_740] : memref<49408xi32, #tpu.memory_space<vmem>>[vector<16xi32>], vector<16xi32>,
        %bitcast3A_742 = vector.bitcast %gather3A_741 : vector<16xi32> to vector<32xbf16>
        %max3A_743 = arith.maximumf %max3A_660, %bitcast3A_742 : vector<32xbf16>
        %add3A_744 = arith.constant 160 : i32
        %add3A_745 = vector.broadcast %add3A_744 : i32 to vector<16xi32>
        %add3A_746 = arith.addi %add3A_683, %add3A_745 : vector<16xi32>
        %gather3A_747 = tpu.vector_load_idx %arg5[%add3A_746] : memref<49408xi32, #tpu.memory_space<vmem>>[vector<16xi32>], vector<16xi32>,
        %bitcast3A_748 = vector.bitcast %gather3A_747 : vector<16xi32> to vector<32xbf16>
        %max3A_749 = arith.maximumf %max3A_666, %bitcast3A_748 : vector<32xbf16>
        %add3A_750 = arith.constant 176 : i32
        %add3A_751 = vector.broadcast %add3A_750 : i32 to vector<16xi32>
        %add3A_752 = arith.addi %add3A_683, %add3A_751 : vector<16xi32>
        %gather3A_753 = tpu.vector_load_idx %arg5[%add3A_752] : memref<49408xi32, #tpu.memory_space<vmem>>[vector<16xi32>], vector<16xi32>,
        %bitcast3A_754 = vector.bitcast %gather3A_753 : vector<16xi32> to vector<32xbf16>
        %max3A_755 = arith.maximumf %max3A_672, %bitcast3A_754 : vector<32xbf16>
        %broadcast_in_dim3A_756 = arith.constant 0 : i32
        %broadcast_in_dim3A_757 = vector.broadcast %broadcast_in_dim3A_756 : i32 to vector<16xi32>
        %add3A_758 = arith.constant 9 : i32
        %add3A_759 = arith.addi %mul3A_24, %add3A_758 : i32
        %add3A_760 = vector.broadcast %add3A_759 : i32 to vector<16xi32>
        %add3A_761 = arith.addi %broadcast_in_dim3A_757, %add3A_760 : vector<16xi32>
        %gather3A_762 = tpu.vector_load_idx %arg7[%add3A_761] : memref<4096xi32, #tpu.memory_space<vmem>>[vector<16xi32>], vector<16xi32>,
        %mul3A_763 = arith.constant 193 : i32
        %mul3A_764 = vector.broadcast %mul3A_763 : i32 to vector<16xi32>
        %mul3A_765 = arith.muli %gather3A_762, %mul3A_764 : vector<16xi32>
        %add3A_766 = arith.addi %mul3A_765, %iota3A : vector<16xi32>
        %add3A_767 = arith.constant 0 : i32
        %add3A_768 = vector.broadcast %add3A_767 : i32 to vector<16xi32>
        %add3A_769 = arith.addi %add3A_766, %add3A_768 : vector<16xi32>
        %gather3A_770 = tpu.vector_load_idx %arg5[%add3A_769] : memref<49408xi32, #tpu.memory_space<vmem>>[vector<16xi32>], vector<16xi32>,
        %bitcast3A_771 = vector.bitcast %gather3A_770 : vector<16xi32> to vector<32xbf16>
        %max3A_772 = arith.maximumf %max3A_689, %bitcast3A_771 : vector<32xbf16>
        %add3A_773 = arith.constant 16 : i32
        %add3A_774 = vector.broadcast %add3A_773 : i32 to vector<16xi32>
        %add3A_775 = arith.addi %add3A_766, %add3A_774 : vector<16xi32>
        %gather3A_776 = tpu.vector_load_idx %arg5[%add3A_775] : memref<49408xi32, #tpu.memory_space<vmem>>[vector<16xi32>], vector<16xi32>,
        %bitcast3A_777 = vector.bitcast %gather3A_776 : vector<16xi32> to vector<32xbf16>
        %max3A_778 = arith.maximumf %max3A_695, %bitcast3A_777 : vector<32xbf16>
        %add3A_779 = arith.constant 32 : i32
        %add3A_780 = vector.broadcast %add3A_779 : i32 to vector<16xi32>
        %add3A_781 = arith.addi %add3A_766, %add3A_780 : vector<16xi32>
        %gather3A_782 = tpu.vector_load_idx %arg5[%add3A_781] : memref<49408xi32, #tpu.memory_space<vmem>>[vector<16xi32>], vector<16xi32>,
        %bitcast3A_783 = vector.bitcast %gather3A_782 : vector<16xi32> to vector<32xbf16>
        %max3A_784 = arith.maximumf %max3A_701, %bitcast3A_783 : vector<32xbf16>
        %add3A_785 = arith.constant 48 : i32
        %add3A_786 = vector.broadcast %add3A_785 : i32 to vector<16xi32>
        %add3A_787 = arith.addi %add3A_766, %add3A_786 : vector<16xi32>
        %gather3A_788 = tpu.vector_load_idx %arg5[%add3A_787] : memref<49408xi32, #tpu.memory_space<vmem>>[vector<16xi32>], vector<16xi32>,
        %bitcast3A_789 = vector.bitcast %gather3A_788 : vector<16xi32> to vector<32xbf16>
        %max3A_790 = arith.maximumf %max3A_707, %bitcast3A_789 : vector<32xbf16>
        %add3A_791 = arith.constant 64 : i32
        %add3A_792 = vector.broadcast %add3A_791 : i32 to vector<16xi32>
        %add3A_793 = arith.addi %add3A_766, %add3A_792 : vector<16xi32>
        %gather3A_794 = tpu.vector_load_idx %arg5[%add3A_793] : memref<49408xi32, #tpu.memory_space<vmem>>[vector<16xi32>], vector<16xi32>,
        %bitcast3A_795 = vector.bitcast %gather3A_794 : vector<16xi32> to vector<32xbf16>
        %max3A_796 = arith.maximumf %max3A_713, %bitcast3A_795 : vector<32xbf16>
        %add3A_797 = arith.constant 80 : i32
        %add3A_798 = vector.broadcast %add3A_797 : i32 to vector<16xi32>
        %add3A_799 = arith.addi %add3A_766, %add3A_798 : vector<16xi32>
        %gather3A_800 = tpu.vector_load_idx %arg5[%add3A_799] : memref<49408xi32, #tpu.memory_space<vmem>>[vector<16xi32>], vector<16xi32>,
        %bitcast3A_801 = vector.bitcast %gather3A_800 : vector<16xi32> to vector<32xbf16>
        %max3A_802 = arith.maximumf %max3A_719, %bitcast3A_801 : vector<32xbf16>
        %add3A_803 = arith.constant 96 : i32
        %add3A_804 = vector.broadcast %add3A_803 : i32 to vector<16xi32>
        %add3A_805 = arith.addi %add3A_766, %add3A_804 : vector<16xi32>
        %gather3A_806 = tpu.vector_load_idx %arg5[%add3A_805] : memref<49408xi32, #tpu.memory_space<vmem>>[vector<16xi32>], vector<16xi32>,
        %bitcast3A_807 = vector.bitcast %gather3A_806 : vector<16xi32> to vector<32xbf16>
        %max3A_808 = arith.maximumf %max3A_725, %bitcast3A_807 : vector<32xbf16>
        %add3A_809 = arith.constant 112 : i32
        %add3A_810 = vector.broadcast %add3A_809 : i32 to vector<16xi32>
        %add3A_811 = arith.addi %add3A_766, %add3A_810 : vector<16xi32>
        %gather3A_812 = tpu.vector_load_idx %arg5[%add3A_811] : memref<49408xi32, #tpu.memory_space<vmem>>[vector<16xi32>], vector<16xi32>,
        %bitcast3A_813 = vector.bitcast %gather3A_812 : vector<16xi32> to vector<32xbf16>
        %max3A_814 = arith.maximumf %max3A_731, %bitcast3A_813 : vector<32xbf16>
        %add3A_815 = arith.constant 128 : i32
        %add3A_816 = vector.broadcast %add3A_815 : i32 to vector<16xi32>
        %add3A_817 = arith.addi %add3A_766, %add3A_816 : vector<16xi32>
        %gather3A_818 = tpu.vector_load_idx %arg5[%add3A_817] : memref<49408xi32, #tpu.memory_space<vmem>>[vector<16xi32>], vector<16xi32>,
        %bitcast3A_819 = vector.bitcast %gather3A_818 : vector<16xi32> to vector<32xbf16>
        %max3A_820 = arith.maximumf %max3A_737, %bitcast3A_819 : vector<32xbf16>
        %add3A_821 = arith.constant 144 : i32
        %add3A_822 = vector.broadcast %add3A_821 : i32 to vector<16xi32>
        %add3A_823 = arith.addi %add3A_766, %add3A_822 : vector<16xi32>
        %gather3A_824 = tpu.vector_load_idx %arg5[%add3A_823] : memref<49408xi32, #tpu.memory_space<vmem>>[vector<16xi32>], vector<16xi32>,
        %bitcast3A_825 = vector.bitcast %gather3A_824 : vector<16xi32> to vector<32xbf16>
        %max3A_826 = arith.maximumf %max3A_743, %bitcast3A_825 : vector<32xbf16>
        %add3A_827 = arith.constant 160 : i32
        %add3A_828 = vector.broadcast %add3A_827 : i32 to vector<16xi32>
        %add3A_829 = arith.addi %add3A_766, %add3A_828 : vector<16xi32>
        %gather3A_830 = tpu.vector_load_idx %arg5[%add3A_829] : memref<49408xi32, #tpu.memory_space<vmem>>[vector<16xi32>], vector<16xi32>,
        %bitcast3A_831 = vector.bitcast %gather3A_830 : vector<16xi32> to vector<32xbf16>
        %max3A_832 = arith.maximumf %max3A_749, %bitcast3A_831 : vector<32xbf16>
        %add3A_833 = arith.constant 176 : i32
        %add3A_834 = vector.broadcast %add3A_833 : i32 to vector<16xi32>
        %add3A_835 = arith.addi %add3A_766, %add3A_834 : vector<16xi32>
        %gather3A_836 = tpu.vector_load_idx %arg5[%add3A_835] : memref<49408xi32, #tpu.memory_space<vmem>>[vector<16xi32>], vector<16xi32>,
        %bitcast3A_837 = vector.bitcast %gather3A_836 : vector<16xi32> to vector<32xbf16>
        %max3A_838 = arith.maximumf %max3A_755, %bitcast3A_837 : vector<32xbf16>
        %broadcast_in_dim3A_839 = arith.constant 0 : i32
        %broadcast_in_dim3A_840 = vector.broadcast %broadcast_in_dim3A_839 : i32 to vector<16xi32>
        %add3A_841 = arith.constant 10 : i32
        %add3A_842 = arith.addi %mul3A_24, %add3A_841 : i32
        %add3A_843 = vector.broadcast %add3A_842 : i32 to vector<16xi32>
        %add3A_844 = arith.addi %broadcast_in_dim3A_840, %add3A_843 : vector<16xi32>
        %gather3A_845 = tpu.vector_load_idx %arg7[%add3A_844] : memref<4096xi32, #tpu.memory_space<vmem>>[vector<16xi32>], vector<16xi32>,
        %mul3A_846 = arith.constant 193 : i32
        %mul3A_847 = vector.broadcast %mul3A_846 : i32 to vector<16xi32>
        %mul3A_848 = arith.muli %gather3A_845, %mul3A_847 : vector<16xi32>
        %add3A_849 = arith.addi %mul3A_848, %iota3A : vector<16xi32>
        %add3A_850 = arith.constant 0 : i32
        %add3A_851 = vector.broadcast %add3A_850 : i32 to vector<16xi32>
        %add3A_852 = arith.addi %add3A_849, %add3A_851 : vector<16xi32>
        %gather3A_853 = tpu.vector_load_idx %arg5[%add3A_852] : memref<49408xi32, #tpu.memory_space<vmem>>[vector<16xi32>], vector<16xi32>,
        %bitcast3A_854 = vector.bitcast %gather3A_853 : vector<16xi32> to vector<32xbf16>
        %max3A_855 = arith.maximumf %max3A_772, %bitcast3A_854 : vector<32xbf16>
        %add3A_856 = arith.constant 16 : i32
        %add3A_857 = vector.broadcast %add3A_856 : i32 to vector<16xi32>
        %add3A_858 = arith.addi %add3A_849, %add3A_857 : vector<16xi32>
        %gather3A_859 = tpu.vector_load_idx %arg5[%add3A_858] : memref<49408xi32, #tpu.memory_space<vmem>>[vector<16xi32>], vector<16xi32>,
        %bitcast3A_860 = vector.bitcast %gather3A_859 : vector<16xi32> to vector<32xbf16>
        %max3A_861 = arith.maximumf %max3A_778, %bitcast3A_860 : vector<32xbf16>
        %add3A_862 = arith.constant 32 : i32
        %add3A_863 = vector.broadcast %add3A_862 : i32 to vector<16xi32>
        %add3A_864 = arith.addi %add3A_849, %add3A_863 : vector<16xi32>
        %gather3A_865 = tpu.vector_load_idx %arg5[%add3A_864] : memref<49408xi32, #tpu.memory_space<vmem>>[vector<16xi32>], vector<16xi32>,
        %bitcast3A_866 = vector.bitcast %gather3A_865 : vector<16xi32> to vector<32xbf16>
        %max3A_867 = arith.maximumf %max3A_784, %bitcast3A_866 : vector<32xbf16>
        %add3A_868 = arith.constant 48 : i32
        %add3A_869 = vector.broadcast %add3A_868 : i32 to vector<16xi32>
        %add3A_870 = arith.addi %add3A_849, %add3A_869 : vector<16xi32>
        %gather3A_871 = tpu.vector_load_idx %arg5[%add3A_870] : memref<49408xi32, #tpu.memory_space<vmem>>[vector<16xi32>], vector<16xi32>,
        %bitcast3A_872 = vector.bitcast %gather3A_871 : vector<16xi32> to vector<32xbf16>
        %max3A_873 = arith.maximumf %max3A_790, %bitcast3A_872 : vector<32xbf16>
        %add3A_874 = arith.constant 64 : i32
        %add3A_875 = vector.broadcast %add3A_874 : i32 to vector<16xi32>
        %add3A_876 = arith.addi %add3A_849, %add3A_875 : vector<16xi32>
        %gather3A_877 = tpu.vector_load_idx %arg5[%add3A_876] : memref<49408xi32, #tpu.memory_space<vmem>>[vector<16xi32>], vector<16xi32>,
        %bitcast3A_878 = vector.bitcast %gather3A_877 : vector<16xi32> to vector<32xbf16>
        %max3A_879 = arith.maximumf %max3A_796, %bitcast3A_878 : vector<32xbf16>
        %add3A_880 = arith.constant 80 : i32
        %add3A_881 = vector.broadcast %add3A_880 : i32 to vector<16xi32>
        %add3A_882 = arith.addi %add3A_849, %add3A_881 : vector<16xi32>
        %gather3A_883 = tpu.vector_load_idx %arg5[%add3A_882] : memref<49408xi32, #tpu.memory_space<vmem>>[vector<16xi32>], vector<16xi32>,
        %bitcast3A_884 = vector.bitcast %gather3A_883 : vector<16xi32> to vector<32xbf16>
        %max3A_885 = arith.maximumf %max3A_802, %bitcast3A_884 : vector<32xbf16>
        %add3A_886 = arith.constant 96 : i32
        %add3A_887 = vector.broadcast %add3A_886 : i32 to vector<16xi32>
        %add3A_888 = arith.addi %add3A_849, %add3A_887 : vector<16xi32>
        %gather3A_889 = tpu.vector_load_idx %arg5[%add3A_888] : memref<49408xi32, #tpu.memory_space<vmem>>[vector<16xi32>], vector<16xi32>,
        %bitcast3A_890 = vector.bitcast %gather3A_889 : vector<16xi32> to vector<32xbf16>
        %max3A_891 = arith.maximumf %max3A_808, %bitcast3A_890 : vector<32xbf16>
        %add3A_892 = arith.constant 112 : i32
        %add3A_893 = vector.broadcast %add3A_892 : i32 to vector<16xi32>
        %add3A_894 = arith.addi %add3A_849, %add3A_893 : vector<16xi32>
        %gather3A_895 = tpu.vector_load_idx %arg5[%add3A_894] : memref<49408xi32, #tpu.memory_space<vmem>>[vector<16xi32>], vector<16xi32>,
        %bitcast3A_896 = vector.bitcast %gather3A_895 : vector<16xi32> to vector<32xbf16>
        %max3A_897 = arith.maximumf %max3A_814, %bitcast3A_896 : vector<32xbf16>
        %add3A_898 = arith.constant 128 : i32
        %add3A_899 = vector.broadcast %add3A_898 : i32 to vector<16xi32>
        %add3A_900 = arith.addi %add3A_849, %add3A_899 : vector<16xi32>
        %gather3A_901 = tpu.vector_load_idx %arg5[%add3A_900] : memref<49408xi32, #tpu.memory_space<vmem>>[vector<16xi32>], vector<16xi32>,
        %bitcast3A_902 = vector.bitcast %gather3A_901 : vector<16xi32> to vector<32xbf16>
        %max3A_903 = arith.maximumf %max3A_820, %bitcast3A_902 : vector<32xbf16>
        %add3A_904 = arith.constant 144 : i32
        %add3A_905 = vector.broadcast %add3A_904 : i32 to vector<16xi32>
        %add3A_906 = arith.addi %add3A_849, %add3A_905 : vector<16xi32>
        %gather3A_907 = tpu.vector_load_idx %arg5[%add3A_906] : memref<49408xi32, #tpu.memory_space<vmem>>[vector<16xi32>], vector<16xi32>,
        %bitcast3A_908 = vector.bitcast %gather3A_907 : vector<16xi32> to vector<32xbf16>
        %max3A_909 = arith.maximumf %max3A_826, %bitcast3A_908 : vector<32xbf16>
        %add3A_910 = arith.constant 160 : i32
        %add3A_911 = vector.broadcast %add3A_910 : i32 to vector<16xi32>
        %add3A_912 = arith.addi %add3A_849, %add3A_911 : vector<16xi32>
        %gather3A_913 = tpu.vector_load_idx %arg5[%add3A_912] : memref<49408xi32, #tpu.memory_space<vmem>>[vector<16xi32>], vector<16xi32>,
        %bitcast3A_914 = vector.bitcast %gather3A_913 : vector<16xi32> to vector<32xbf16>
        %max3A_915 = arith.maximumf %max3A_832, %bitcast3A_914 : vector<32xbf16>
        %add3A_916 = arith.constant 176 : i32
        %add3A_917 = vector.broadcast %add3A_916 : i32 to vector<16xi32>
        %add3A_918 = arith.addi %add3A_849, %add3A_917 : vector<16xi32>
        %gather3A_919 = tpu.vector_load_idx %arg5[%add3A_918] : memref<49408xi32, #tpu.memory_space<vmem>>[vector<16xi32>], vector<16xi32>,
        %bitcast3A_920 = vector.bitcast %gather3A_919 : vector<16xi32> to vector<32xbf16>
        %max3A_921 = arith.maximumf %max3A_838, %bitcast3A_920 : vector<32xbf16>
        %broadcast_in_dim3A_922 = arith.constant 0 : i32
        %broadcast_in_dim3A_923 = vector.broadcast %broadcast_in_dim3A_922 : i32 to vector<16xi32>
        %add3A_924 = arith.constant 11 : i32
        %add3A_925 = arith.addi %mul3A_24, %add3A_924 : i32
        %add3A_926 = vector.broadcast %add3A_925 : i32 to vector<16xi32>
        %add3A_927 = arith.addi %broadcast_in_dim3A_923, %add3A_926 : vector<16xi32>
        %gather3A_928 = tpu.vector_load_idx %arg7[%add3A_927] : memref<4096xi32, #tpu.memory_space<vmem>>[vector<16xi32>], vector<16xi32>,
        %mul3A_929 = arith.constant 193 : i32
        %mul3A_930 = vector.broadcast %mul3A_929 : i32 to vector<16xi32>
        %mul3A_931 = arith.muli %gather3A_928, %mul3A_930 : vector<16xi32>
        %add3A_932 = arith.addi %mul3A_931, %iota3A : vector<16xi32>
        %add3A_933 = arith.constant 0 : i32
        %add3A_934 = vector.broadcast %add3A_933 : i32 to vector<16xi32>
        %add3A_935 = arith.addi %add3A_932, %add3A_934 : vector<16xi32>
        %gather3A_936 = tpu.vector_load_idx %arg5[%add3A_935] : memref<49408xi32, #tpu.memory_space<vmem>>[vector<16xi32>], vector<16xi32>,
        %bitcast3A_937 = vector.bitcast %gather3A_936 : vector<16xi32> to vector<32xbf16>
        %max3A_938 = arith.maximumf %max3A_855, %bitcast3A_937 : vector<32xbf16>
        %add3A_939 = arith.constant 16 : i32
        %add3A_940 = vector.broadcast %add3A_939 : i32 to vector<16xi32>
        %add3A_941 = arith.addi %add3A_932, %add3A_940 : vector<16xi32>
        %gather3A_942 = tpu.vector_load_idx %arg5[%add3A_941] : memref<49408xi32, #tpu.memory_space<vmem>>[vector<16xi32>], vector<16xi32>,
        %bitcast3A_943 = vector.bitcast %gather3A_942 : vector<16xi32> to vector<32xbf16>
        %max3A_944 = arith.maximumf %max3A_861, %bitcast3A_943 : vector<32xbf16>
        %add3A_945 = arith.constant 32 : i32
        %add3A_946 = vector.broadcast %add3A_945 : i32 to vector<16xi32>
        %add3A_947 = arith.addi %add3A_932, %add3A_946 : vector<16xi32>
        %gather3A_948 = tpu.vector_load_idx %arg5[%add3A_947] : memref<49408xi32, #tpu.memory_space<vmem>>[vector<16xi32>], vector<16xi32>,
        %bitcast3A_949 = vector.bitcast %gather3A_948 : vector<16xi32> to vector<32xbf16>
        %max3A_950 = arith.maximumf %max3A_867, %bitcast3A_949 : vector<32xbf16>
        %add3A_951 = arith.constant 48 : i32
        %add3A_952 = vector.broadcast %add3A_951 : i32 to vector<16xi32>
        %add3A_953 = arith.addi %add3A_932, %add3A_952 : vector<16xi32>
        %gather3A_954 = tpu.vector_load_idx %arg5[%add3A_953] : memref<49408xi32, #tpu.memory_space<vmem>>[vector<16xi32>], vector<16xi32>,
        %bitcast3A_955 = vector.bitcast %gather3A_954 : vector<16xi32> to vector<32xbf16>
        %max3A_956 = arith.maximumf %max3A_873, %bitcast3A_955 : vector<32xbf16>
        %add3A_957 = arith.constant 64 : i32
        %add3A_958 = vector.broadcast %add3A_957 : i32 to vector<16xi32>
        %add3A_959 = arith.addi %add3A_932, %add3A_958 : vector<16xi32>
        %gather3A_960 = tpu.vector_load_idx %arg5[%add3A_959] : memref<49408xi32, #tpu.memory_space<vmem>>[vector<16xi32>], vector<16xi32>,
        %bitcast3A_961 = vector.bitcast %gather3A_960 : vector<16xi32> to vector<32xbf16>
        %max3A_962 = arith.maximumf %max3A_879, %bitcast3A_961 : vector<32xbf16>
        %add3A_963 = arith.constant 80 : i32
        %add3A_964 = vector.broadcast %add3A_963 : i32 to vector<16xi32>
        %add3A_965 = arith.addi %add3A_932, %add3A_964 : vector<16xi32>
        %gather3A_966 = tpu.vector_load_idx %arg5[%add3A_965] : memref<49408xi32, #tpu.memory_space<vmem>>[vector<16xi32>], vector<16xi32>,
        %bitcast3A_967 = vector.bitcast %gather3A_966 : vector<16xi32> to vector<32xbf16>
        %max3A_968 = arith.maximumf %max3A_885, %bitcast3A_967 : vector<32xbf16>
        %add3A_969 = arith.constant 96 : i32
        %add3A_970 = vector.broadcast %add3A_969 : i32 to vector<16xi32>
        %add3A_971 = arith.addi %add3A_932, %add3A_970 : vector<16xi32>
        %gather3A_972 = tpu.vector_load_idx %arg5[%add3A_971] : memref<49408xi32, #tpu.memory_space<vmem>>[vector<16xi32>], vector<16xi32>,
        %bitcast3A_973 = vector.bitcast %gather3A_972 : vector<16xi32> to vector<32xbf16>
        %max3A_974 = arith.maximumf %max3A_891, %bitcast3A_973 : vector<32xbf16>
        %add3A_975 = arith.constant 112 : i32
        %add3A_976 = vector.broadcast %add3A_975 : i32 to vector<16xi32>
        %add3A_977 = arith.addi %add3A_932, %add3A_976 : vector<16xi32>
        %gather3A_978 = tpu.vector_load_idx %arg5[%add3A_977] : memref<49408xi32, #tpu.memory_space<vmem>>[vector<16xi32>], vector<16xi32>,
        %bitcast3A_979 = vector.bitcast %gather3A_978 : vector<16xi32> to vector<32xbf16>
        %max3A_980 = arith.maximumf %max3A_897, %bitcast3A_979 : vector<32xbf16>
        %add3A_981 = arith.constant 128 : i32
        %add3A_982 = vector.broadcast %add3A_981 : i32 to vector<16xi32>
        %add3A_983 = arith.addi %add3A_932, %add3A_982 : vector<16xi32>
        %gather3A_984 = tpu.vector_load_idx %arg5[%add3A_983] : memref<49408xi32, #tpu.memory_space<vmem>>[vector<16xi32>], vector<16xi32>,
        %bitcast3A_985 = vector.bitcast %gather3A_984 : vector<16xi32> to vector<32xbf16>
        %max3A_986 = arith.maximumf %max3A_903, %bitcast3A_985 : vector<32xbf16>
        %add3A_987 = arith.constant 144 : i32
        %add3A_988 = vector.broadcast %add3A_987 : i32 to vector<16xi32>
        %add3A_989 = arith.addi %add3A_932, %add3A_988 : vector<16xi32>
        %gather3A_990 = tpu.vector_load_idx %arg5[%add3A_989] : memref<49408xi32, #tpu.memory_space<vmem>>[vector<16xi32>], vector<16xi32>,
        %bitcast3A_991 = vector.bitcast %gather3A_990 : vector<16xi32> to vector<32xbf16>
        %max3A_992 = arith.maximumf %max3A_909, %bitcast3A_991 : vector<32xbf16>
        %add3A_993 = arith.constant 160 : i32
        %add3A_994 = vector.broadcast %add3A_993 : i32 to vector<16xi32>
        %add3A_995 = arith.addi %add3A_932, %add3A_994 : vector<16xi32>
        %gather3A_996 = tpu.vector_load_idx %arg5[%add3A_995] : memref<49408xi32, #tpu.memory_space<vmem>>[vector<16xi32>], vector<16xi32>,
        %bitcast3A_997 = vector.bitcast %gather3A_996 : vector<16xi32> to vector<32xbf16>
        %max3A_998 = arith.maximumf %max3A_915, %bitcast3A_997 : vector<32xbf16>
        %add3A_999 = arith.constant 176 : i32
        %add3A_1000 = vector.broadcast %add3A_999 : i32 to vector<16xi32>
        %add3A_1001 = arith.addi %add3A_932, %add3A_1000 : vector<16xi32>
        %gather3A_1002 = tpu.vector_load_idx %arg5[%add3A_1001] : memref<49408xi32, #tpu.memory_space<vmem>>[vector<16xi32>], vector<16xi32>,
        %bitcast3A_1003 = vector.bitcast %gather3A_1002 : vector<16xi32> to vector<32xbf16>
        %max3A_1004 = arith.maximumf %max3A_921, %bitcast3A_1003 : vector<32xbf16>
        %broadcast_in_dim3A_1005 = arith.constant 0 : i32
        %broadcast_in_dim3A_1006 = vector.broadcast %broadcast_in_dim3A_1005 : i32 to vector<16xi32>
        %add3A_1007 = arith.constant 12 : i32
        %add3A_1008 = arith.addi %mul3A_24, %add3A_1007 : i32
        %add3A_1009 = vector.broadcast %add3A_1008 : i32 to vector<16xi32>
        %add3A_1010 = arith.addi %broadcast_in_dim3A_1006, %add3A_1009 : vector<16xi32>
        %gather3A_1011 = tpu.vector_load_idx %arg7[%add3A_1010] : memref<4096xi32, #tpu.memory_space<vmem>>[vector<16xi32>], vector<16xi32>,
        %mul3A_1012 = arith.constant 193 : i32
        %mul3A_1013 = vector.broadcast %mul3A_1012 : i32 to vector<16xi32>
        %mul3A_1014 = arith.muli %gather3A_1011, %mul3A_1013 : vector<16xi32>
        %add3A_1015 = arith.addi %mul3A_1014, %iota3A : vector<16xi32>
        %add3A_1016 = arith.constant 0 : i32
        %add3A_1017 = vector.broadcast %add3A_1016 : i32 to vector<16xi32>
        %add3A_1018 = arith.addi %add3A_1015, %add3A_1017 : vector<16xi32>
        %gather3A_1019 = tpu.vector_load_idx %arg5[%add3A_1018] : memref<49408xi32, #tpu.memory_space<vmem>>[vector<16xi32>], vector<16xi32>,
        %bitcast3A_1020 = vector.bitcast %gather3A_1019 : vector<16xi32> to vector<32xbf16>
        %max3A_1021 = arith.maximumf %max3A_938, %bitcast3A_1020 : vector<32xbf16>
        %add3A_1022 = arith.constant 16 : i32
        %add3A_1023 = vector.broadcast %add3A_1022 : i32 to vector<16xi32>
        %add3A_1024 = arith.addi %add3A_1015, %add3A_1023 : vector<16xi32>
        %gather3A_1025 = tpu.vector_load_idx %arg5[%add3A_1024] : memref<49408xi32, #tpu.memory_space<vmem>>[vector<16xi32>], vector<16xi32>,
        %bitcast3A_1026 = vector.bitcast %gather3A_1025 : vector<16xi32> to vector<32xbf16>
        %max3A_1027 = arith.maximumf %max3A_944, %bitcast3A_1026 : vector<32xbf16>
        %add3A_1028 = arith.constant 32 : i32
        %add3A_1029 = vector.broadcast %add3A_1028 : i32 to vector<16xi32>
        %add3A_1030 = arith.addi %add3A_1015, %add3A_1029 : vector<16xi32>
        %gather3A_1031 = tpu.vector_load_idx %arg5[%add3A_1030] : memref<49408xi32, #tpu.memory_space<vmem>>[vector<16xi32>], vector<16xi32>,
        %bitcast3A_1032 = vector.bitcast %gather3A_1031 : vector<16xi32> to vector<32xbf16>
        %max3A_1033 = arith.maximumf %max3A_950, %bitcast3A_1032 : vector<32xbf16>
        %add3A_1034 = arith.constant 48 : i32
        %add3A_1035 = vector.broadcast %add3A_1034 : i32 to vector<16xi32>
        %add3A_1036 = arith.addi %add3A_1015, %add3A_1035 : vector<16xi32>
        %gather3A_1037 = tpu.vector_load_idx %arg5[%add3A_1036] : memref<49408xi32, #tpu.memory_space<vmem>>[vector<16xi32>], vector<16xi32>,
        %bitcast3A_1038 = vector.bitcast %gather3A_1037 : vector<16xi32> to vector<32xbf16>
        %max3A_1039 = arith.maximumf %max3A_956, %bitcast3A_1038 : vector<32xbf16>
        %add3A_1040 = arith.constant 64 : i32
        %add3A_1041 = vector.broadcast %add3A_1040 : i32 to vector<16xi32>
        %add3A_1042 = arith.addi %add3A_1015, %add3A_1041 : vector<16xi32>
        %gather3A_1043 = tpu.vector_load_idx %arg5[%add3A_1042] : memref<49408xi32, #tpu.memory_space<vmem>>[vector<16xi32>], vector<16xi32>,
        %bitcast3A_1044 = vector.bitcast %gather3A_1043 : vector<16xi32> to vector<32xbf16>
        %max3A_1045 = arith.maximumf %max3A_962, %bitcast3A_1044 : vector<32xbf16>
        %add3A_1046 = arith.constant 80 : i32
        %add3A_1047 = vector.broadcast %add3A_1046 : i32 to vector<16xi32>
        %add3A_1048 = arith.addi %add3A_1015, %add3A_1047 : vector<16xi32>
        %gather3A_1049 = tpu.vector_load_idx %arg5[%add3A_1048] : memref<49408xi32, #tpu.memory_space<vmem>>[vector<16xi32>], vector<16xi32>,
        %bitcast3A_1050 = vector.bitcast %gather3A_1049 : vector<16xi32> to vector<32xbf16>
        %max3A_1051 = arith.maximumf %max3A_968, %bitcast3A_1050 : vector<32xbf16>
        %add3A_1052 = arith.constant 96 : i32
        %add3A_1053 = vector.broadcast %add3A_1052 : i32 to vector<16xi32>
        %add3A_1054 = arith.addi %add3A_1015, %add3A_1053 : vector<16xi32>
        %gather3A_1055 = tpu.vector_load_idx %arg5[%add3A_1054] : memref<49408xi32, #tpu.memory_space<vmem>>[vector<16xi32>], vector<16xi32>,
        %bitcast3A_1056 = vector.bitcast %gather3A_1055 : vector<16xi32> to vector<32xbf16>
        %max3A_1057 = arith.maximumf %max3A_974, %bitcast3A_1056 : vector<32xbf16>
        %add3A_1058 = arith.constant 112 : i32
        %add3A_1059 = vector.broadcast %add3A_1058 : i32 to vector<16xi32>
        %add3A_1060 = arith.addi %add3A_1015, %add3A_1059 : vector<16xi32>
        %gather3A_1061 = tpu.vector_load_idx %arg5[%add3A_1060] : memref<49408xi32, #tpu.memory_space<vmem>>[vector<16xi32>], vector<16xi32>,
        %bitcast3A_1062 = vector.bitcast %gather3A_1061 : vector<16xi32> to vector<32xbf16>
        %max3A_1063 = arith.maximumf %max3A_980, %bitcast3A_1062 : vector<32xbf16>
        %add3A_1064 = arith.constant 128 : i32
        %add3A_1065 = vector.broadcast %add3A_1064 : i32 to vector<16xi32>
        %add3A_1066 = arith.addi %add3A_1015, %add3A_1065 : vector<16xi32>
        %gather3A_1067 = tpu.vector_load_idx %arg5[%add3A_1066] : memref<49408xi32, #tpu.memory_space<vmem>>[vector<16xi32>], vector<16xi32>,
        %bitcast3A_1068 = vector.bitcast %gather3A_1067 : vector<16xi32> to vector<32xbf16>
        %max3A_1069 = arith.maximumf %max3A_986, %bitcast3A_1068 : vector<32xbf16>
        %add3A_1070 = arith.constant 144 : i32
        %add3A_1071 = vector.broadcast %add3A_1070 : i32 to vector<16xi32>
        %add3A_1072 = arith.addi %add3A_1015, %add3A_1071 : vector<16xi32>
        %gather3A_1073 = tpu.vector_load_idx %arg5[%add3A_1072] : memref<49408xi32, #tpu.memory_space<vmem>>[vector<16xi32>], vector<16xi32>,
        %bitcast3A_1074 = vector.bitcast %gather3A_1073 : vector<16xi32> to vector<32xbf16>
        %max3A_1075 = arith.maximumf %max3A_992, %bitcast3A_1074 : vector<32xbf16>
        %add3A_1076 = arith.constant 160 : i32
        %add3A_1077 = vector.broadcast %add3A_1076 : i32 to vector<16xi32>
        %add3A_1078 = arith.addi %add3A_1015, %add3A_1077 : vector<16xi32>
        %gather3A_1079 = tpu.vector_load_idx %arg5[%add3A_1078] : memref<49408xi32, #tpu.memory_space<vmem>>[vector<16xi32>], vector<16xi32>,
        %bitcast3A_1080 = vector.bitcast %gather3A_1079 : vector<16xi32> to vector<32xbf16>
        %max3A_1081 = arith.maximumf %max3A_998, %bitcast3A_1080 : vector<32xbf16>
        %add3A_1082 = arith.constant 176 : i32
        %add3A_1083 = vector.broadcast %add3A_1082 : i32 to vector<16xi32>
        %add3A_1084 = arith.addi %add3A_1015, %add3A_1083 : vector<16xi32>
        %gather3A_1085 = tpu.vector_load_idx %arg5[%add3A_1084] : memref<49408xi32, #tpu.memory_space<vmem>>[vector<16xi32>], vector<16xi32>,
        %bitcast3A_1086 = vector.bitcast %gather3A_1085 : vector<16xi32> to vector<32xbf16>
        %max3A_1087 = arith.maximumf %max3A_1004, %bitcast3A_1086 : vector<32xbf16>
        %broadcast_in_dim3A_1088 = arith.constant 0 : i32
        %broadcast_in_dim3A_1089 = vector.broadcast %broadcast_in_dim3A_1088 : i32 to vector<16xi32>
        %add3A_1090 = arith.constant 13 : i32
        %add3A_1091 = arith.addi %mul3A_24, %add3A_1090 : i32
        %add3A_1092 = vector.broadcast %add3A_1091 : i32 to vector<16xi32>
        %add3A_1093 = arith.addi %broadcast_in_dim3A_1089, %add3A_1092 : vector<16xi32>
        %gather3A_1094 = tpu.vector_load_idx %arg7[%add3A_1093] : memref<4096xi32, #tpu.memory_space<vmem>>[vector<16xi32>], vector<16xi32>,
        %mul3A_1095 = arith.constant 193 : i32
        %mul3A_1096 = vector.broadcast %mul3A_1095 : i32 to vector<16xi32>
        %mul3A_1097 = arith.muli %gather3A_1094, %mul3A_1096 : vector<16xi32>
        %add3A_1098 = arith.addi %mul3A_1097, %iota3A : vector<16xi32>
        %add3A_1099 = arith.constant 0 : i32
        %add3A_1100 = vector.broadcast %add3A_1099 : i32 to vector<16xi32>
        %add3A_1101 = arith.addi %add3A_1098, %add3A_1100 : vector<16xi32>
        %gather3A_1102 = tpu.vector_load_idx %arg5[%add3A_1101] : memref<49408xi32, #tpu.memory_space<vmem>>[vector<16xi32>], vector<16xi32>,
        %bitcast3A_1103 = vector.bitcast %gather3A_1102 : vector<16xi32> to vector<32xbf16>
        %max3A_1104 = arith.maximumf %max3A_1021, %bitcast3A_1103 : vector<32xbf16>
        %add3A_1105 = arith.constant 16 : i32
        %add3A_1106 = vector.broadcast %add3A_1105 : i32 to vector<16xi32>
        %add3A_1107 = arith.addi %add3A_1098, %add3A_1106 : vector<16xi32>
        %gather3A_1108 = tpu.vector_load_idx %arg5[%add3A_1107] : memref<49408xi32, #tpu.memory_space<vmem>>[vector<16xi32>], vector<16xi32>,
        %bitcast3A_1109 = vector.bitcast %gather3A_1108 : vector<16xi32> to vector<32xbf16>
        %max3A_1110 = arith.maximumf %max3A_1027, %bitcast3A_1109 : vector<32xbf16>
        %add3A_1111 = arith.constant 32 : i32
        %add3A_1112 = vector.broadcast %add3A_1111 : i32 to vector<16xi32>
        %add3A_1113 = arith.addi %add3A_1098, %add3A_1112 : vector<16xi32>
        %gather3A_1114 = tpu.vector_load_idx %arg5[%add3A_1113] : memref<49408xi32, #tpu.memory_space<vmem>>[vector<16xi32>], vector<16xi32>,
        %bitcast3A_1115 = vector.bitcast %gather3A_1114 : vector<16xi32> to vector<32xbf16>
        %max3A_1116 = arith.maximumf %max3A_1033, %bitcast3A_1115 : vector<32xbf16>
        %add3A_1117 = arith.constant 48 : i32
        %add3A_1118 = vector.broadcast %add3A_1117 : i32 to vector<16xi32>
        %add3A_1119 = arith.addi %add3A_1098, %add3A_1118 : vector<16xi32>
        %gather3A_1120 = tpu.vector_load_idx %arg5[%add3A_1119] : memref<49408xi32, #tpu.memory_space<vmem>>[vector<16xi32>], vector<16xi32>,
        %bitcast3A_1121 = vector.bitcast %gather3A_1120 : vector<16xi32> to vector<32xbf16>
        %max3A_1122 = arith.maximumf %max3A_1039, %bitcast3A_1121 : vector<32xbf16>
        %add3A_1123 = arith.constant 64 : i32
        %add3A_1124 = vector.broadcast %add3A_1123 : i32 to vector<16xi32>
        %add3A_1125 = arith.addi %add3A_1098, %add3A_1124 : vector<16xi32>
        %gather3A_1126 = tpu.vector_load_idx %arg5[%add3A_1125] : memref<49408xi32, #tpu.memory_space<vmem>>[vector<16xi32>], vector<16xi32>,
        %bitcast3A_1127 = vector.bitcast %gather3A_1126 : vector<16xi32> to vector<32xbf16>
        %max3A_1128 = arith.maximumf %max3A_1045, %bitcast3A_1127 : vector<32xbf16>
        %add3A_1129 = arith.constant 80 : i32
        %add3A_1130 = vector.broadcast %add3A_1129 : i32 to vector<16xi32>
        %add3A_1131 = arith.addi %add3A_1098, %add3A_1130 : vector<16xi32>
        %gather3A_1132 = tpu.vector_load_idx %arg5[%add3A_1131] : memref<49408xi32, #tpu.memory_space<vmem>>[vector<16xi32>], vector<16xi32>,
        %bitcast3A_1133 = vector.bitcast %gather3A_1132 : vector<16xi32> to vector<32xbf16>
        %max3A_1134 = arith.maximumf %max3A_1051, %bitcast3A_1133 : vector<32xbf16>
        %add3A_1135 = arith.constant 96 : i32
        %add3A_1136 = vector.broadcast %add3A_1135 : i32 to vector<16xi32>
        %add3A_1137 = arith.addi %add3A_1098, %add3A_1136 : vector<16xi32>
        %gather3A_1138 = tpu.vector_load_idx %arg5[%add3A_1137] : memref<49408xi32, #tpu.memory_space<vmem>>[vector<16xi32>], vector<16xi32>,
        %bitcast3A_1139 = vector.bitcast %gather3A_1138 : vector<16xi32> to vector<32xbf16>
        %max3A_1140 = arith.maximumf %max3A_1057, %bitcast3A_1139 : vector<32xbf16>
        %add3A_1141 = arith.constant 112 : i32
        %add3A_1142 = vector.broadcast %add3A_1141 : i32 to vector<16xi32>
        %add3A_1143 = arith.addi %add3A_1098, %add3A_1142 : vector<16xi32>
        %gather3A_1144 = tpu.vector_load_idx %arg5[%add3A_1143] : memref<49408xi32, #tpu.memory_space<vmem>>[vector<16xi32>], vector<16xi32>,
        %bitcast3A_1145 = vector.bitcast %gather3A_1144 : vector<16xi32> to vector<32xbf16>
        %max3A_1146 = arith.maximumf %max3A_1063, %bitcast3A_1145 : vector<32xbf16>
        %add3A_1147 = arith.constant 128 : i32
        %add3A_1148 = vector.broadcast %add3A_1147 : i32 to vector<16xi32>
        %add3A_1149 = arith.addi %add3A_1098, %add3A_1148 : vector<16xi32>
        %gather3A_1150 = tpu.vector_load_idx %arg5[%add3A_1149] : memref<49408xi32, #tpu.memory_space<vmem>>[vector<16xi32>], vector<16xi32>,
        %bitcast3A_1151 = vector.bitcast %gather3A_1150 : vector<16xi32> to vector<32xbf16>
        %max3A_1152 = arith.maximumf %max3A_1069, %bitcast3A_1151 : vector<32xbf16>
        %add3A_1153 = arith.constant 144 : i32
        %add3A_1154 = vector.broadcast %add3A_1153 : i32 to vector<16xi32>
        %add3A_1155 = arith.addi %add3A_1098, %add3A_1154 : vector<16xi32>
        %gather3A_1156 = tpu.vector_load_idx %arg5[%add3A_1155] : memref<49408xi32, #tpu.memory_space<vmem>>[vector<16xi32>], vector<16xi32>,
        %bitcast3A_1157 = vector.bitcast %gather3A_1156 : vector<16xi32> to vector<32xbf16>
        %max3A_1158 = arith.maximumf %max3A_1075, %bitcast3A_1157 : vector<32xbf16>
        %add3A_1159 = arith.constant 160 : i32
        %add3A_1160 = vector.broadcast %add3A_1159 : i32 to vector<16xi32>
        %add3A_1161 = arith.addi %add3A_1098, %add3A_1160 : vector<16xi32>
        %gather3A_1162 = tpu.vector_load_idx %arg5[%add3A_1161] : memref<49408xi32, #tpu.memory_space<vmem>>[vector<16xi32>], vector<16xi32>,
        %bitcast3A_1163 = vector.bitcast %gather3A_1162 : vector<16xi32> to vector<32xbf16>
        %max3A_1164 = arith.maximumf %max3A_1081, %bitcast3A_1163 : vector<32xbf16>
        %add3A_1165 = arith.constant 176 : i32
        %add3A_1166 = vector.broadcast %add3A_1165 : i32 to vector<16xi32>
        %add3A_1167 = arith.addi %add3A_1098, %add3A_1166 : vector<16xi32>
        %gather3A_1168 = tpu.vector_load_idx %arg5[%add3A_1167] : memref<49408xi32, #tpu.memory_space<vmem>>[vector<16xi32>], vector<16xi32>,
        %bitcast3A_1169 = vector.bitcast %gather3A_1168 : vector<16xi32> to vector<32xbf16>
        %max3A_1170 = arith.maximumf %max3A_1087, %bitcast3A_1169 : vector<32xbf16>
        %broadcast_in_dim3A_1171 = arith.constant 0 : i32
        %broadcast_in_dim3A_1172 = vector.broadcast %broadcast_in_dim3A_1171 : i32 to vector<16xi32>
        %add3A_1173 = arith.constant 14 : i32
        %add3A_1174 = arith.addi %mul3A_24, %add3A_1173 : i32
        %add3A_1175 = vector.broadcast %add3A_1174 : i32 to vector<16xi32>
        %add3A_1176 = arith.addi %broadcast_in_dim3A_1172, %add3A_1175 : vector<16xi32>
        %gather3A_1177 = tpu.vector_load_idx %arg7[%add3A_1176] : memref<4096xi32, #tpu.memory_space<vmem>>[vector<16xi32>], vector<16xi32>,
        %mul3A_1178 = arith.constant 193 : i32
        %mul3A_1179 = vector.broadcast %mul3A_1178 : i32 to vector<16xi32>
        %mul3A_1180 = arith.muli %gather3A_1177, %mul3A_1179 : vector<16xi32>
        %add3A_1181 = arith.addi %mul3A_1180, %iota3A : vector<16xi32>
        %add3A_1182 = arith.constant 0 : i32
        %add3A_1183 = vector.broadcast %add3A_1182 : i32 to vector<16xi32>
        %add3A_1184 = arith.addi %add3A_1181, %add3A_1183 : vector<16xi32>
        %gather3A_1185 = tpu.vector_load_idx %arg5[%add3A_1184] : memref<49408xi32, #tpu.memory_space<vmem>>[vector<16xi32>], vector<16xi32>,
        %bitcast3A_1186 = vector.bitcast %gather3A_1185 : vector<16xi32> to vector<32xbf16>
        %max3A_1187 = arith.maximumf %max3A_1104, %bitcast3A_1186 : vector<32xbf16>
        %add3A_1188 = arith.constant 16 : i32
        %add3A_1189 = vector.broadcast %add3A_1188 : i32 to vector<16xi32>
        %add3A_1190 = arith.addi %add3A_1181, %add3A_1189 : vector<16xi32>
        %gather3A_1191 = tpu.vector_load_idx %arg5[%add3A_1190] : memref<49408xi32, #tpu.memory_space<vmem>>[vector<16xi32>], vector<16xi32>,
        %bitcast3A_1192 = vector.bitcast %gather3A_1191 : vector<16xi32> to vector<32xbf16>
        %max3A_1193 = arith.maximumf %max3A_1110, %bitcast3A_1192 : vector<32xbf16>
        %add3A_1194 = arith.constant 32 : i32
        %add3A_1195 = vector.broadcast %add3A_1194 : i32 to vector<16xi32>
        %add3A_1196 = arith.addi %add3A_1181, %add3A_1195 : vector<16xi32>
        %gather3A_1197 = tpu.vector_load_idx %arg5[%add3A_1196] : memref<49408xi32, #tpu.memory_space<vmem>>[vector<16xi32>], vector<16xi32>,
        %bitcast3A_1198 = vector.bitcast %gather3A_1197 : vector<16xi32> to vector<32xbf16>
        %max3A_1199 = arith.maximumf %max3A_1116, %bitcast3A_1198 : vector<32xbf16>
        %add3A_1200 = arith.constant 48 : i32
        %add3A_1201 = vector.broadcast %add3A_1200 : i32 to vector<16xi32>
        %add3A_1202 = arith.addi %add3A_1181, %add3A_1201 : vector<16xi32>
        %gather3A_1203 = tpu.vector_load_idx %arg5[%add3A_1202] : memref<49408xi32, #tpu.memory_space<vmem>>[vector<16xi32>], vector<16xi32>,
        %bitcast3A_1204 = vector.bitcast %gather3A_1203 : vector<16xi32> to vector<32xbf16>
        %max3A_1205 = arith.maximumf %max3A_1122, %bitcast3A_1204 : vector<32xbf16>
        %add3A_1206 = arith.constant 64 : i32
        %add3A_1207 = vector.broadcast %add3A_1206 : i32 to vector<16xi32>
        %add3A_1208 = arith.addi %add3A_1181, %add3A_1207 : vector<16xi32>
        %gather3A_1209 = tpu.vector_load_idx %arg5[%add3A_1208] : memref<49408xi32, #tpu.memory_space<vmem>>[vector<16xi32>], vector<16xi32>,
        %bitcast3A_1210 = vector.bitcast %gather3A_1209 : vector<16xi32> to vector<32xbf16>
        %max3A_1211 = arith.maximumf %max3A_1128, %bitcast3A_1210 : vector<32xbf16>
        %add3A_1212 = arith.constant 80 : i32
        %add3A_1213 = vector.broadcast %add3A_1212 : i32 to vector<16xi32>
        %add3A_1214 = arith.addi %add3A_1181, %add3A_1213 : vector<16xi32>
        %gather3A_1215 = tpu.vector_load_idx %arg5[%add3A_1214] : memref<49408xi32, #tpu.memory_space<vmem>>[vector<16xi32>], vector<16xi32>,
        %bitcast3A_1216 = vector.bitcast %gather3A_1215 : vector<16xi32> to vector<32xbf16>
        %max3A_1217 = arith.maximumf %max3A_1134, %bitcast3A_1216 : vector<32xbf16>
        %add3A_1218 = arith.constant 96 : i32
        %add3A_1219 = vector.broadcast %add3A_1218 : i32 to vector<16xi32>
        %add3A_1220 = arith.addi %add3A_1181, %add3A_1219 : vector<16xi32>
        %gather3A_1221 = tpu.vector_load_idx %arg5[%add3A_1220] : memref<49408xi32, #tpu.memory_space<vmem>>[vector<16xi32>], vector<16xi32>,
        %bitcast3A_1222 = vector.bitcast %gather3A_1221 : vector<16xi32> to vector<32xbf16>
        %max3A_1223 = arith.maximumf %max3A_1140, %bitcast3A_1222 : vector<32xbf16>
        %add3A_1224 = arith.constant 112 : i32
        %add3A_1225 = vector.broadcast %add3A_1224 : i32 to vector<16xi32>
        %add3A_1226 = arith.addi %add3A_1181, %add3A_1225 : vector<16xi32>
        %gather3A_1227 = tpu.vector_load_idx %arg5[%add3A_1226] : memref<49408xi32, #tpu.memory_space<vmem>>[vector<16xi32>], vector<16xi32>,
        %bitcast3A_1228 = vector.bitcast %gather3A_1227 : vector<16xi32> to vector<32xbf16>
        %max3A_1229 = arith.maximumf %max3A_1146, %bitcast3A_1228 : vector<32xbf16>
        %add3A_1230 = arith.constant 128 : i32
        %add3A_1231 = vector.broadcast %add3A_1230 : i32 to vector<16xi32>
        %add3A_1232 = arith.addi %add3A_1181, %add3A_1231 : vector<16xi32>
        %gather3A_1233 = tpu.vector_load_idx %arg5[%add3A_1232] : memref<49408xi32, #tpu.memory_space<vmem>>[vector<16xi32>], vector<16xi32>,
        %bitcast3A_1234 = vector.bitcast %gather3A_1233 : vector<16xi32> to vector<32xbf16>
        %max3A_1235 = arith.maximumf %max3A_1152, %bitcast3A_1234 : vector<32xbf16>
        %add3A_1236 = arith.constant 144 : i32
        %add3A_1237 = vector.broadcast %add3A_1236 : i32 to vector<16xi32>
        %add3A_1238 = arith.addi %add3A_1181, %add3A_1237 : vector<16xi32>
        %gather3A_1239 = tpu.vector_load_idx %arg5[%add3A_1238] : memref<49408xi32, #tpu.memory_space<vmem>>[vector<16xi32>], vector<16xi32>,
        %bitcast3A_1240 = vector.bitcast %gather3A_1239 : vector<16xi32> to vector<32xbf16>
        %max3A_1241 = arith.maximumf %max3A_1158, %bitcast3A_1240 : vector<32xbf16>
        %add3A_1242 = arith.constant 160 : i32
        %add3A_1243 = vector.broadcast %add3A_1242 : i32 to vector<16xi32>
        %add3A_1244 = arith.addi %add3A_1181, %add3A_1243 : vector<16xi32>
        %gather3A_1245 = tpu.vector_load_idx %arg5[%add3A_1244] : memref<49408xi32, #tpu.memory_space<vmem>>[vector<16xi32>], vector<16xi32>,
        %bitcast3A_1246 = vector.bitcast %gather3A_1245 : vector<16xi32> to vector<32xbf16>
        %max3A_1247 = arith.maximumf %max3A_1164, %bitcast3A_1246 : vector<32xbf16>
        %add3A_1248 = arith.constant 176 : i32
        %add3A_1249 = vector.broadcast %add3A_1248 : i32 to vector<16xi32>
        %add3A_1250 = arith.addi %add3A_1181, %add3A_1249 : vector<16xi32>
        %gather3A_1251 = tpu.vector_load_idx %arg5[%add3A_1250] : memref<49408xi32, #tpu.memory_space<vmem>>[vector<16xi32>], vector<16xi32>,
        %bitcast3A_1252 = vector.bitcast %gather3A_1251 : vector<16xi32> to vector<32xbf16>
        %max3A_1253 = arith.maximumf %max3A_1170, %bitcast3A_1252 : vector<32xbf16>
        %broadcast_in_dim3A_1254 = arith.constant 0 : i32
        %broadcast_in_dim3A_1255 = vector.broadcast %broadcast_in_dim3A_1254 : i32 to vector<16xi32>
        %add3A_1256 = arith.constant 15 : i32
        %add3A_1257 = arith.addi %mul3A_24, %add3A_1256 : i32
        %add3A_1258 = vector.broadcast %add3A_1257 : i32 to vector<16xi32>
        %add3A_1259 = arith.addi %broadcast_in_dim3A_1255, %add3A_1258 : vector<16xi32>
        %gather3A_1260 = tpu.vector_load_idx %arg7[%add3A_1259] : memref<4096xi32, #tpu.memory_space<vmem>>[vector<16xi32>], vector<16xi32>,
        %mul3A_1261 = arith.constant 193 : i32
        %mul3A_1262 = vector.broadcast %mul3A_1261 : i32 to vector<16xi32>
        %mul3A_1263 = arith.muli %gather3A_1260, %mul3A_1262 : vector<16xi32>
        %add3A_1264 = arith.addi %mul3A_1263, %iota3A : vector<16xi32>
        %add3A_1265 = arith.constant 0 : i32
        %add3A_1266 = vector.broadcast %add3A_1265 : i32 to vector<16xi32>
        %add3A_1267 = arith.addi %add3A_1264, %add3A_1266 : vector<16xi32>
        %gather3A_1268 = tpu.vector_load_idx %arg5[%add3A_1267] : memref<49408xi32, #tpu.memory_space<vmem>>[vector<16xi32>], vector<16xi32>,
        %bitcast3A_1269 = vector.bitcast %gather3A_1268 : vector<16xi32> to vector<32xbf16>
        %max3A_1270 = arith.maximumf %max3A_1187, %bitcast3A_1269 : vector<32xbf16>
        %add3A_1271 = arith.constant 16 : i32
        %add3A_1272 = vector.broadcast %add3A_1271 : i32 to vector<16xi32>
        %add3A_1273 = arith.addi %add3A_1264, %add3A_1272 : vector<16xi32>
        %gather3A_1274 = tpu.vector_load_idx %arg5[%add3A_1273] : memref<49408xi32, #tpu.memory_space<vmem>>[vector<16xi32>], vector<16xi32>,
        %bitcast3A_1275 = vector.bitcast %gather3A_1274 : vector<16xi32> to vector<32xbf16>
        %max3A_1276 = arith.maximumf %max3A_1193, %bitcast3A_1275 : vector<32xbf16>
        %add3A_1277 = arith.constant 32 : i32
        %add3A_1278 = vector.broadcast %add3A_1277 : i32 to vector<16xi32>
        %add3A_1279 = arith.addi %add3A_1264, %add3A_1278 : vector<16xi32>
        %gather3A_1280 = tpu.vector_load_idx %arg5[%add3A_1279] : memref<49408xi32, #tpu.memory_space<vmem>>[vector<16xi32>], vector<16xi32>,
        %bitcast3A_1281 = vector.bitcast %gather3A_1280 : vector<16xi32> to vector<32xbf16>
        %max3A_1282 = arith.maximumf %max3A_1199, %bitcast3A_1281 : vector<32xbf16>
        %add3A_1283 = arith.constant 48 : i32
        %add3A_1284 = vector.broadcast %add3A_1283 : i32 to vector<16xi32>
        %add3A_1285 = arith.addi %add3A_1264, %add3A_1284 : vector<16xi32>
        %gather3A_1286 = tpu.vector_load_idx %arg5[%add3A_1285] : memref<49408xi32, #tpu.memory_space<vmem>>[vector<16xi32>], vector<16xi32>,
        %bitcast3A_1287 = vector.bitcast %gather3A_1286 : vector<16xi32> to vector<32xbf16>
        %max3A_1288 = arith.maximumf %max3A_1205, %bitcast3A_1287 : vector<32xbf16>
        %add3A_1289 = arith.constant 64 : i32
        %add3A_1290 = vector.broadcast %add3A_1289 : i32 to vector<16xi32>
        %add3A_1291 = arith.addi %add3A_1264, %add3A_1290 : vector<16xi32>
        %gather3A_1292 = tpu.vector_load_idx %arg5[%add3A_1291] : memref<49408xi32, #tpu.memory_space<vmem>>[vector<16xi32>], vector<16xi32>,
        %bitcast3A_1293 = vector.bitcast %gather3A_1292 : vector<16xi32> to vector<32xbf16>
        %max3A_1294 = arith.maximumf %max3A_1211, %bitcast3A_1293 : vector<32xbf16>
        %add3A_1295 = arith.constant 80 : i32
        %add3A_1296 = vector.broadcast %add3A_1295 : i32 to vector<16xi32>
        %add3A_1297 = arith.addi %add3A_1264, %add3A_1296 : vector<16xi32>
        %gather3A_1298 = tpu.vector_load_idx %arg5[%add3A_1297] : memref<49408xi32, #tpu.memory_space<vmem>>[vector<16xi32>], vector<16xi32>,
        %bitcast3A_1299 = vector.bitcast %gather3A_1298 : vector<16xi32> to vector<32xbf16>
        %max3A_1300 = arith.maximumf %max3A_1217, %bitcast3A_1299 : vector<32xbf16>
        %add3A_1301 = arith.constant 96 : i32
        %add3A_1302 = vector.broadcast %add3A_1301 : i32 to vector<16xi32>
        %add3A_1303 = arith.addi %add3A_1264, %add3A_1302 : vector<16xi32>
        %gather3A_1304 = tpu.vector_load_idx %arg5[%add3A_1303] : memref<49408xi32, #tpu.memory_space<vmem>>[vector<16xi32>], vector<16xi32>,
        %bitcast3A_1305 = vector.bitcast %gather3A_1304 : vector<16xi32> to vector<32xbf16>
        %max3A_1306 = arith.maximumf %max3A_1223, %bitcast3A_1305 : vector<32xbf16>
        %add3A_1307 = arith.constant 112 : i32
        %add3A_1308 = vector.broadcast %add3A_1307 : i32 to vector<16xi32>
        %add3A_1309 = arith.addi %add3A_1264, %add3A_1308 : vector<16xi32>
        %gather3A_1310 = tpu.vector_load_idx %arg5[%add3A_1309] : memref<49408xi32, #tpu.memory_space<vmem>>[vector<16xi32>], vector<16xi32>,
        %bitcast3A_1311 = vector.bitcast %gather3A_1310 : vector<16xi32> to vector<32xbf16>
        %max3A_1312 = arith.maximumf %max3A_1229, %bitcast3A_1311 : vector<32xbf16>
        %add3A_1313 = arith.constant 128 : i32
        %add3A_1314 = vector.broadcast %add3A_1313 : i32 to vector<16xi32>
        %add3A_1315 = arith.addi %add3A_1264, %add3A_1314 : vector<16xi32>
        %gather3A_1316 = tpu.vector_load_idx %arg5[%add3A_1315] : memref<49408xi32, #tpu.memory_space<vmem>>[vector<16xi32>], vector<16xi32>,
        %bitcast3A_1317 = vector.bitcast %gather3A_1316 : vector<16xi32> to vector<32xbf16>
        %max3A_1318 = arith.maximumf %max3A_1235, %bitcast3A_1317 : vector<32xbf16>
        %add3A_1319 = arith.constant 144 : i32
        %add3A_1320 = vector.broadcast %add3A_1319 : i32 to vector<16xi32>
        %add3A_1321 = arith.addi %add3A_1264, %add3A_1320 : vector<16xi32>
        %gather3A_1322 = tpu.vector_load_idx %arg5[%add3A_1321] : memref<49408xi32, #tpu.memory_space<vmem>>[vector<16xi32>], vector<16xi32>,
        %bitcast3A_1323 = vector.bitcast %gather3A_1322 : vector<16xi32> to vector<32xbf16>
        %max3A_1324 = arith.maximumf %max3A_1241, %bitcast3A_1323 : vector<32xbf16>
        %add3A_1325 = arith.constant 160 : i32
        %add3A_1326 = vector.broadcast %add3A_1325 : i32 to vector<16xi32>
        %add3A_1327 = arith.addi %add3A_1264, %add3A_1326 : vector<16xi32>
        %gather3A_1328 = tpu.vector_load_idx %arg5[%add3A_1327] : memref<49408xi32, #tpu.memory_space<vmem>>[vector<16xi32>], vector<16xi32>,
        %bitcast3A_1329 = vector.bitcast %gather3A_1328 : vector<16xi32> to vector<32xbf16>
        %max3A_1330 = arith.maximumf %max3A_1247, %bitcast3A_1329 : vector<32xbf16>
        %add3A_1331 = arith.constant 176 : i32
        %add3A_1332 = vector.broadcast %add3A_1331 : i32 to vector<16xi32>
        %add3A_1333 = arith.addi %add3A_1264, %add3A_1332 : vector<16xi32>
        %gather3A_1334 = tpu.vector_load_idx %arg5[%add3A_1333] : memref<49408xi32, #tpu.memory_space<vmem>>[vector<16xi32>], vector<16xi32>,
        %bitcast3A_1335 = vector.bitcast %gather3A_1334 : vector<16xi32> to vector<32xbf16>
        %max3A_1336 = arith.maximumf %max3A_1253, %bitcast3A_1335 : vector<32xbf16>
        %swap3A = arith.index_cast %scan3A_21 : i32 to index
        %swap3A_1337 = arith.constant 0 : index
        %swap3A_1338 = tpu.vector_load %arg6[%swap3A, %swap3A_1337] {strides = array<i32>} : memref<128x384xbf16, #tpu.memory_space<vmem>>, vector<32xbf16>,
        tpu.vector_store %arg6[%swap3A, %swap3A_1337], %max3A_1270 {strides = array<i32>} : memref<128x384xbf16, #tpu.memory_space<vmem>>, vector<32xbf16>,
        %swap3A_1339 = arith.index_cast %scan3A_21 : i32 to index
        %swap3A_1340 = arith.constant 32 : index
        %swap3A_1341 = tpu.vector_load %arg6[%swap3A_1339, %swap3A_1340] {strides = array<i32>} : memref<128x384xbf16, #tpu.memory_space<vmem>>, vector<32xbf16>,
        tpu.vector_store %arg6[%swap3A_1339, %swap3A_1340], %max3A_1276 {strides = array<i32>} : memref<128x384xbf16, #tpu.memory_space<vmem>>, vector<32xbf16>,
        %swap3A_1342 = arith.index_cast %scan3A_21 : i32 to index
        %swap3A_1343 = arith.constant 64 : index
        %swap3A_1344 = tpu.vector_load %arg6[%swap3A_1342, %swap3A_1343] {strides = array<i32>} : memref<128x384xbf16, #tpu.memory_space<vmem>>, vector<32xbf16>,
        tpu.vector_store %arg6[%swap3A_1342, %swap3A_1343], %max3A_1282 {strides = array<i32>} : memref<128x384xbf16, #tpu.memory_space<vmem>>, vector<32xbf16>,
        %swap3A_1345 = arith.index_cast %scan3A_21 : i32 to index
        %swap3A_1346 = arith.constant 96 : index
        %swap3A_1347 = tpu.vector_load %arg6[%swap3A_1345, %swap3A_1346] {strides = array<i32>} : memref<128x384xbf16, #tpu.memory_space<vmem>>, vector<32xbf16>,
        tpu.vector_store %arg6[%swap3A_1345, %swap3A_1346], %max3A_1288 {strides = array<i32>} : memref<128x384xbf16, #tpu.memory_space<vmem>>, vector<32xbf16>,
        %swap3A_1348 = arith.index_cast %scan3A_21 : i32 to index
        %swap3A_1349 = arith.constant 128 : index
        %swap3A_1350 = tpu.vector_load %arg6[%swap3A_1348, %swap3A_1349] {strides = array<i32>} : memref<128x384xbf16, #tpu.memory_space<vmem>>, vector<32xbf16>,
        tpu.vector_store %arg6[%swap3A_1348, %swap3A_1349], %max3A_1294 {strides = array<i32>} : memref<128x384xbf16, #tpu.memory_space<vmem>>, vector<32xbf16>,
        %swap3A_1351 = arith.index_cast %scan3A_21 : i32 to index
        %swap3A_1352 = arith.constant 160 : index
        %swap3A_1353 = tpu.vector_load %arg6[%swap3A_1351, %swap3A_1352] {strides = array<i32>} : memref<128x384xbf16, #tpu.memory_space<vmem>>, vector<32xbf16>,
        tpu.vector_store %arg6[%swap3A_1351, %swap3A_1352], %max3A_1300 {strides = array<i32>} : memref<128x384xbf16, #tpu.memory_space<vmem>>, vector<32xbf16>,
        %swap3A_1354 = arith.index_cast %scan3A_21 : i32 to index
        %swap3A_1355 = arith.constant 192 : index
        %swap3A_1356 = tpu.vector_load %arg6[%swap3A_1354, %swap3A_1355] {strides = array<i32>} : memref<128x384xbf16, #tpu.memory_space<vmem>>, vector<32xbf16>,
        tpu.vector_store %arg6[%swap3A_1354, %swap3A_1355], %max3A_1306 {strides = array<i32>} : memref<128x384xbf16, #tpu.memory_space<vmem>>, vector<32xbf16>,
        %swap3A_1357 = arith.index_cast %scan3A_21 : i32 to index
        %swap3A_1358 = arith.constant 224 : index
        %swap3A_1359 = tpu.vector_load %arg6[%swap3A_1357, %swap3A_1358] {strides = array<i32>} : memref<128x384xbf16, #tpu.memory_space<vmem>>, vector<32xbf16>,
        tpu.vector_store %arg6[%swap3A_1357, %swap3A_1358], %max3A_1312 {strides = array<i32>} : memref<128x384xbf16, #tpu.memory_space<vmem>>, vector<32xbf16>,
        %swap3A_1360 = arith.index_cast %scan3A_21 : i32 to index
        %swap3A_1361 = arith.constant 256 : index
        %swap3A_1362 = tpu.vector_load %arg6[%swap3A_1360, %swap3A_1361] {strides = array<i32>} : memref<128x384xbf16, #tpu.memory_space<vmem>>, vector<32xbf16>,
        tpu.vector_store %arg6[%swap3A_1360, %swap3A_1361], %max3A_1318 {strides = array<i32>} : memref<128x384xbf16, #tpu.memory_space<vmem>>, vector<32xbf16>,
        %swap3A_1363 = arith.index_cast %scan3A_21 : i32 to index
        %swap3A_1364 = arith.constant 288 : index
        %swap3A_1365 = tpu.vector_load %arg6[%swap3A_1363, %swap3A_1364] {strides = array<i32>} : memref<128x384xbf16, #tpu.memory_space<vmem>>, vector<32xbf16>,
        tpu.vector_store %arg6[%swap3A_1363, %swap3A_1364], %max3A_1324 {strides = array<i32>} : memref<128x384xbf16, #tpu.memory_space<vmem>>, vector<32xbf16>,
        %swap3A_1366 = arith.index_cast %scan3A_21 : i32 to index
        %swap3A_1367 = arith.constant 320 : index
        %swap3A_1368 = tpu.vector_load %arg6[%swap3A_1366, %swap3A_1367] {strides = array<i32>} : memref<128x384xbf16, #tpu.memory_space<vmem>>, vector<32xbf16>,
        tpu.vector_store %arg6[%swap3A_1366, %swap3A_1367], %max3A_1330 {strides = array<i32>} : memref<128x384xbf16, #tpu.memory_space<vmem>>, vector<32xbf16>,
        %swap3A_1369 = arith.index_cast %scan3A_21 : i32 to index
        %swap3A_1370 = arith.constant 352 : index
        %swap3A_1371 = tpu.vector_load %arg6[%swap3A_1369, %swap3A_1370] {strides = array<i32>} : memref<128x384xbf16, #tpu.memory_space<vmem>>, vector<32xbf16>,
        tpu.vector_store %arg6[%swap3A_1369, %swap3A_1370], %max3A_1336 {strides = array<i32>} : memref<128x384xbf16, #tpu.memory_space<vmem>>, vector<32xbf16>,
      }
      %scan3A_17 = arith.constant 128 : i32
      %mul3A_18 = arith.constant 256 : i32
      %mul3A_19 = arith.muli %add3A, %mul3A_18 : i32
      %add3A_20 = arith.addi %mul3A_19, %mul3A_12 : i32
      "tpu.region"() ({
        %run_scoped3A_21 = tpu.sem_alloc : memref<!tpu.dma_semaphore, #tpu.memory_space<semaphore_mem>>
        %dma_start3A = arith.constant 0 : i32
        %dma_start3A_22 = tpu.memref_slice %arg4[%add3A_20, %dma_start3A] : memref<8192x384xbf16, #tpu.memory_space<hbm>> -> memref<128x384xbf16, #tpu.memory_space<hbm>>
        %dma_start3A_23 = arith.constant 0 : i32
        %dma_start3A_24 = tpu.memref_slice %arg4[%add3A_20, %dma_start3A_23] : memref<8192x384xbf16, #tpu.memory_space<hbm>> -> memref<128x384xbf16, #tpu.memory_space<hbm>>
        tpu.enqueue_dma source(%arg6 : memref<128x384xbf16, #tpu.memory_space<vmem>>) target(%dma_start3A_24 : memref<128x384xbf16, #tpu.memory_space<hbm>>) target_semaphore(%run_scoped3A_21 : memref<!tpu.dma_semaphore, #tpu.memory_space<semaphore_mem>>)
        %dma_wait3A = arith.constant 0 : i32
        %dma_wait3A_25 = tpu.memref_slice %arg4[%add3A_20, %dma_wait3A] : memref<8192x384xbf16, #tpu.memory_space<hbm>> -> memref<128x384xbf16, #tpu.memory_space<hbm>>
        %dma_wait3A_26 = arith.constant 0 : i32
        %dma_wait3A_27 = tpu.memref_slice %arg4[%add3A_20, %dma_wait3A_26] : memref<8192x384xbf16, #tpu.memory_space<hbm>> -> memref<128x384xbf16, #tpu.memory_space<hbm>>
        tpu.wait_dma2 semaphore(%run_scoped3A_21 : memref<!tpu.dma_semaphore, #tpu.memory_space<semaphore_mem>>) src(%arg6 : memref<128x384xbf16, #tpu.memory_space<vmem>>) dst(%dma_wait3A_27 : memref<128x384xbf16, #tpu.memory_space<hbm>>)
        tpu.yield
      }) : () -> ()
    }
    %scan3A_9 = arith.constant 2 : i32
    return
  }
}

module attributes {stable_mosaic.version = 14 : i64} {
  func.func @_tc_body(%arg0: i32, %arg1: memref<1x384x256xf32, #tpu.memory_space<vmem>>, %arg2: memref<1x256x384xbf16, #tpu.memory_space<vmem>>, %arg3: memref<384x384xf32, #tpu.memory_space<vmem>>, %arg4: memref<384x1xf32, #tpu.memory_space<vmem>>, %arg5: memref<768x768xf32, #tpu.memory_space<vmem>>, %arg6: memref<768x1xf32, #tpu.memory_space<vmem>>, %arg7: memref<1x768x256xf32, #tpu.memory_space<vmem>>) attributes {dimension_semantics = [#tpu.dimension_semantics<arbitrary>], iteration_bounds = array<i64: 32>, scalar_prefetch = 0 : i64, scratch_operands = 0 : i64, tpu.core_type = #tpu.core_type<tc>, window_params = [{transform_indices = @transform_0, window_bounds = array<i64: 1, 384, 256>}, {transform_indices = @transform_1, window_bounds = array<i64: 1, 256, 384>}, {pipeline_mode = #tpu.pipeline_mode<synchronous>, transform_indices = @transform_2, window_bounds = array<i64: 384, 384>}, {pipeline_mode = #tpu.pipeline_mode<synchronous>, transform_indices = @transform_3, window_bounds = array<i64: 384, 1>}, {pipeline_mode = #tpu.pipeline_mode<synchronous>, transform_indices = @transform_4, window_bounds = array<i64: 768, 768>}, {pipeline_mode = #tpu.pipeline_mode<synchronous>, transform_indices = @transform_5, window_bounds = array<i64: 768, 1>}, {transform_indices = @transform_6, window_bounds = array<i64: 1, 768, 256>}]} {
    %get3A = arith.constant 0 : index
    %get3A_0 = arith.constant 0 : index
    %get3A_1 = arith.constant 0 : index
    %get3A_2 = vector.load %arg1[%get3A, %get3A_0, %get3A_1] : memref<1x384x256xf32, #tpu.memory_space<vmem>>, vector<1x384x256xf32>
    %get3A_3 = vector.shape_cast %get3A_2 : vector<1x384x256xf32> to vector<384x256xf32>
    %get3A_4 = arith.constant 0 : index
    %get3A_5 = arith.constant 0 : index
    %get3A_6 = vector.load %arg3[%get3A_4, %get3A_5] : memref<384x384xf32, #tpu.memory_space<vmem>>, vector<384x384xf32>
    %dot_general3A = arith.constant dense<0.000000e+00> : vector<384x256xf32>
    %dot_general3A_7 = tpu.matmul %get3A_6, %get3A_3, %dot_general3A {dimension_numbers = #tpu.dot_dimension_numbers<[0], [0], [1], [1], [0, 1, 1, 1], [], []>, transpose_lhs_hint = false} : vector<384x384xf32>, vector<384x256xf32>, vector<384x256xf32> -> vector<384x256xf32>
    %get3A_8 = arith.constant 0 : index
    %get3A_9 = arith.constant 0 : index
    %get3A_10 = vector.load %arg4[%get3A_8, %get3A_9] : memref<384x1xf32, #tpu.memory_space<vmem>>, vector<384x1xf32>
    %add3A = vector.broadcast %get3A_10 : vector<384x1xf32> to vector<384x256xf32>
    %add3A_11 = arith.addf %dot_general3A_7, %add3A : vector<384x256xf32>
    %max3A = arith.constant 0.000000e+00 : f32
    %max3A_12 = vector.broadcast %max3A : f32 to vector<384x256xf32>
    %max3A_13 = arith.maximumf %add3A_11, %max3A_12 : vector<384x256xf32>
    %get3A_14 = arith.constant 0 : index
    %get3A_15 = arith.constant 0 : index
    %get3A_16 = arith.constant 0 : index
    %get3A_17 = vector.load %arg2[%get3A_14, %get3A_15, %get3A_16] : memref<1x256x384xbf16, #tpu.memory_space<vmem>>, vector<1x256x384xbf16>
    %get3A_18 = vector.shape_cast %get3A_17 : vector<1x256x384xbf16> to vector<256x384xbf16>
    %get3A_19 = arith.constant 0 : index
    %get3A_20 = arith.constant 0 : index
    %get3A_21 = vector.load %arg5[%get3A_19, %get3A_20] : memref<768x768xf32, #tpu.memory_space<vmem>>, vector<384x768xf32>
    %get3A_22 = arith.constant 384 : index
    %get3A_23 = arith.constant 0 : index
    %get3A_24 = vector.load %arg5[%get3A_22, %get3A_23] : memref<768x768xf32, #tpu.memory_space<vmem>>, vector<384x768xf32>
    %convert_element_type3A = arith.truncf %get3A_24 : vector<384x768xf32> to vector<384x768xbf16>
    %dot_general3A_25 = arith.constant dense<0.000000e+00> : vector<768x256xf32>
    %dot_general3A_26 = tpu.matmul %get3A_21, %max3A_13, %dot_general3A_25 {dimension_numbers = #tpu.dot_dimension_numbers<[0], [0], [1], [1], [0, 1, 1, 1], [], []>, transpose_lhs_hint = false} : vector<384x768xf32>, vector<384x256xf32>, vector<768x256xf32> -> vector<768x256xf32>
    %dot_general3A_27 = arith.constant dense<0.000000e+00> : vector<768x256xf32>
    %dot_general3A_28 = tpu.matmul %convert_element_type3A, %get3A_18, %dot_general3A_27 {dimension_numbers = #tpu.dot_dimension_numbers<[0], [1], [1], [0], [0, 1, 1, 0], [], []>, transpose_lhs_hint = false} : vector<384x768xbf16>, vector<256x384xbf16>, vector<768x256xf32> -> vector<768x256xf32>
    %add3A_29 = arith.addf %dot_general3A_26, %dot_general3A_28 : vector<768x256xf32>
    %get3A_30 = arith.constant 0 : index
    %get3A_31 = arith.constant 0 : index
    %get3A_32 = vector.load %arg6[%get3A_30, %get3A_31] : memref<768x1xf32, #tpu.memory_space<vmem>>, vector<768x1xf32>
    %add3A_33 = vector.broadcast %get3A_32 : vector<768x1xf32> to vector<768x256xf32>
    %add3A_34 = arith.addf %add3A_29, %add3A_33 : vector<768x256xf32>
    %max3A_35 = arith.constant 0.000000e+00 : f32
    %max3A_36 = vector.broadcast %max3A_35 : f32 to vector<768x256xf32>
    %max3A_37 = arith.maximumf %add3A_34, %max3A_36 : vector<768x256xf32>
    %logistic3A = arith.negf %max3A_37 : vector<768x256xf32>
    %logistic3A_38 = math.exp %logistic3A : vector<768x256xf32>
    %logistic3A_39 = arith.constant 1.000000e+00 : f32
    %logistic3A_40 = vector.broadcast %logistic3A_39 : f32 to vector<768x256xf32>
    %logistic3A_41 = arith.addf %logistic3A_40, %logistic3A_38 : vector<768x256xf32>
    %logistic3A_42 = arith.divf %logistic3A_40, %logistic3A_41 : vector<768x256xf32>
    %swap3A = arith.constant 0 : index
    %swap3A_43 = arith.constant 0 : index
    %swap3A_44 = arith.constant 0 : index
    %swap3A_45 = vector.load %arg7[%swap3A, %swap3A_43, %swap3A_44] : memref<1x768x256xf32, #tpu.memory_space<vmem>>, vector<1x768x256xf32>
    %swap3A_46 = vector.shape_cast %swap3A_45 : vector<1x768x256xf32> to vector<768x256xf32>
    %swap3A_47 = vector.shape_cast %logistic3A_42 : vector<768x256xf32> to vector<1x768x256xf32>
    tpu.vector_store %arg7[%swap3A, %swap3A_43, %swap3A_44], %swap3A_47 {strides = array<i32>} : memref<1x768x256xf32, #tpu.memory_space<vmem>>, vector<1x768x256xf32>,
    return
  }
  func.func @transform_0(%arg0: i32) -> (i32, i32, i32) {
    %c0_i32 = arith.constant 0 : i32
    %c0_i32_0 = arith.constant 0 : i32
    %c0_i32_1 = arith.constant 0 : i32
    return %arg0, %c0_i32, %c0_i32_0 : i32, i32, i32
  }
  func.func @transform_1(%arg0: i32) -> (i32, i32, i32) {
    %c0_i32 = arith.constant 0 : i32
    %c0_i32_0 = arith.constant 0 : i32
    %c0_i32_1 = arith.constant 0 : i32
    return %arg0, %c0_i32, %c0_i32_0 : i32, i32, i32
  }
  func.func @transform_2(%arg0: i32) -> (i32, i32) {
    %c0_i32 = arith.constant 0 : i32
    %c0_i32_0 = arith.constant 0 : i32
    %c0_i32_1 = arith.constant 0 : i32
    return %c0_i32, %c0_i32_0 : i32, i32
  }
  func.func @transform_3(%arg0: i32) -> (i32, i32) {
    %c0_i32 = arith.constant 0 : i32
    %c0_i32_0 = arith.constant 0 : i32
    %c0_i32_1 = arith.constant 0 : i32
    return %c0_i32, %c0_i32_0 : i32, i32
  }
  func.func @transform_4(%arg0: i32) -> (i32, i32) {
    %c0_i32 = arith.constant 0 : i32
    %c0_i32_0 = arith.constant 0 : i32
    %c0_i32_1 = arith.constant 0 : i32
    return %c0_i32, %c0_i32_0 : i32, i32
  }
  func.func @transform_5(%arg0: i32) -> (i32, i32) {
    %c0_i32 = arith.constant 0 : i32
    %c0_i32_0 = arith.constant 0 : i32
    %c0_i32_1 = arith.constant 0 : i32
    return %c0_i32, %c0_i32_0 : i32, i32
  }
  func.func @transform_6(%arg0: i32) -> (i32, i32, i32) {
    %c0_i32 = arith.constant 0 : i32
    %c0_i32_0 = arith.constant 0 : i32
    %c0_i32_1 = arith.constant 0 : i32
    return %arg0, %c0_i32, %c0_i32_0 : i32, i32, i32
  }
}

</mosaic_0001>

<sc_bundles>
// kernel: kernel.4.cloned.1.call-start
scs
__scs_entry_jumppad:
0x0: {  	(pc) =	sbr.rel $0x88, $3  }
0x1: {  	(tag) =	ssettag $0x0;
	lr =	simm.s32 $0x1  }
0x2: {  	[smem:$0x3F9B] =	sst lr;
	_ =	strace $0xD0000000  }
0x3: {  	_ = 	snop  }
0x4: {  	_ = 	snop  }
0x5: {  	_ = 	snop  }
0x6: {  	_ = 	snop  }
0x7: {  	_ = 	snop  }
__scs_overlays_trampoline_lowered:
0x8: {  	[smem:$0x3FAA] =	sst s0  }
0x9: {  	[smem:$0x3FAB] =	sst s1  }
0xa: {  	[smem:$0x3FAC] =	sst s2  }
0xb: {  	[smem:$0x3FAD] =	sst s3  }
0xc: {  	[smem:$0x3FAE] =	sst s4  }
0xd: {  	[smem:$0x3FAF] =	sst s5  }
0xe: {  	[smem:$0x3FB0] =	sst s6  }
0xf: {  	[smem:$0x3FB1] =	sst s7  }
0x10: {  	[smem:$0x3FB2] =	sst s8  }
0x11: {  	[smem:$0x3FB3] =	sst s9;
	s0 =	simm.s32 @!p0 $0x0  }
0x12: {  	s1 =	sld [smem:$0x3F99];
	s0 =	simm.s32 @p0 $0x1  }
0x13: {  	[smem:$0x3FB4] =	sst s0;
	s0 =	simm.s32 @!p1 $0x0  }
0x14: {  	s2 =	sld [smem:$0x3F98];
	s0 =	simm.s32 @p1 $0x1  }
0x15: {  	[smem:$0x3FB5] =	sst s0;
	s0 =	simm.s32 @!p2 $0x0  }
0x16: {  	s3 =	sld [smem:$0x3FDB];
	s0 =	simm.s32 @p2 $0x1  }
0x17: {  	s4 =	simm.s32 $0x1BF5;
	[smem:$0x3FB7] =	sst s0  }
0x18: {  	s0 =	sld [smem:$0x3F9A];
	_ =	swait.ge [sflag:s4], $0x0  }
0x19: {  	s7 =	sld [smem:$0x3F9B]  }
0x1a: {  	s8 =	sadd.s32 $0xFFFFE003, lr  }
0x1b: {  	s9 =	sadd.s32 $0xFFFFFEF7, lr;
	s5 =	simm.s32 $0xFFFFFFFF;
	p2 =	slt.u32 s8, $0xFFFFF086  }
0x1c: {  	p1 =	slt.u32 s9, $0xF7A;
	s5 =	simm.s32 @!p2 $0x0  }
0x1d: {  	s5 =	simm.s32 @p1 $0x1;
	p0 =	seq.s32 s7, s2  }
0x1e: {  	s7 =	smul.u32 @!p0 $0xF7A, s2;
	p2 =	seq.s32 @!p0 s5, $0x0  }
0x1f: {  	s9 =	smul.u32 $0xF7A, s1;
	s8 =	simm.s32 @!p0 $0x1BF5;
	p2 =	por !p2, p0  }
0x20: {  	[sflag:s8] =	ssyncset.s32 @!p0 $0xFFFFF086;
	s6 =	sadd.s32 @!p0 s3, s7;
	s7 =	simm.s32 @!p0 $0x108  }
0x21: {  	s3 =	sadd.s32 s3, s9;
	s6 =	sadd.s32 @!p0 $0x88, s6;
	s7 =	simm.s32 @p2 $0x1082  }
0x22: {  	[simem:s7], [sflag:s8] =	dma.local @!p0 [hbm:s6], $0xF7A  }
0x23: {  	s9 =	sor.u32 $0xD0000000, s2;
	s6 =	simm.s32 $0x108;
	_ =	swait.ge @!p0 [sflag:s8], $0x0  }
0x24: {  	s3 =	sadd.s32 $0x88, s3;
	s6 =	simm.s32 @!p1 $0x1082;
	[sflag:s4] =	ssyncset.s32 $0xFFFFF086  }
0x25: {  	[simem:s6], [sflag:s4] =	dma.local [hbm:s3], $0xF7A  }
0x26: {  	[smem:$0x3F9B] =	sst s1;
	(tag) =	ssettag s2;
	_ =	strace s9  }
0x27: {  	s1 =	sld [smem:$0x3FAB]  }
0x28: {  	s2 =	sld [smem:$0x3FAC]  }
0x29: {  	s4 =	sld [smem:$0x3FAE]  }
0x2a: {  	p0 =	seq.s32 s5, $0x0;
	s5 =	sld [smem:$0x3FAF]  }
0x2b: {  	s6 =	sld [smem:$0x3FB0]  }
0x2c: {  	s7 =	sld [smem:$0x3FB1]  }
0x2d: {  	s3 =	simm.s32 $0x108;
	s8 =	sld [smem:$0x3FB2]  }
0x2e: {  	s3 =	simm.s32 @!p0 $0x1082;
	s9 =	sld [smem:$0x3FB3]  }
0x2f: {  	lr =	sadd.s32 s0, s3;
	s0 =	sld [smem:$0x3FAA]  }
0x30: {  	s3 =	sld [smem:$0x3FAD]  }
0x31: {  	[smem:$0x3FB6] =	sst s10  }
0x32: {  	s10 =	sld [smem:$0x3FB4];
	_ =	sdelay $0x3  }
0x33: {  	p0 =	seq.s32 s10, $0x1;
	s10 =	sld [smem:$0x3FB6];
	_ =	sdelay $0x3  }
0x34: {  	[smem:$0x3FB6] =	sst s10  }
0x35: {  	s10 =	sld [smem:$0x3FB5];
	_ =	sdelay $0x3  }
0x36: {  	p1 =	seq.s32 s10, $0x1;
	s10 =	sld [smem:$0x3FB6];
	_ =	sdelay $0x3  }
0x37: {  	[smem:$0x3FB6] =	sst s10  }
0x38: {  	s10 =	sld [smem:$0x3FB7]  }
0x39: {  	_ = 	snop;
	(pc) =	sbr.ind lr, $3  }
0x3a: {  	_ = 	snop  }
0x3b: {  	_ = 	snop  }
0x3c: {  	p2 =	seq.s32 s10, $0x1;
	s10 =	sld [smem:$0x3FB6]  }
0x3d: {  	_ =	shalt  }
0x3e: {  	_ =	shalt  }
0x3f: {  	_ =	shalt  }
0x40: {  	_ =	shalt  }
0x41: {  	_ =	shalt  }
0x42: {  	_ =	shalt  }
0x43: {  	_ =	shalt  }
0x44: {  	_ =	shalt  }
0x45: {  	_ =	shalt  }
0x46: {  	_ =	shalt  }
0x47: {  	_ =	shalt  }
0x48: {  	_ =	shalt  }
0x49: {  	_ =	shalt  }
0x4a: {  	_ =	shalt  }
0x4b: {  	_ =	shalt  }
0x4c: {  	_ =	shalt  }
0x4d: {  	_ =	shalt  }
0x4e: {  	_ =	shalt  }
0x4f: {  	_ =	shalt  }
0x50: {  	_ =	shalt  }
0x51: {  	_ =	shalt  }
0x52: {  	_ =	shalt  }
0x53: {  	_ =	shalt  }
0x54: {  	_ =	shalt  }
0x55: {  	_ =	shalt  }
0x56: {  	_ =	shalt  }
0x57: {  	_ =	shalt  }
0x58: {  	_ =	shalt  }
0x59: {  	_ =	shalt  }
0x5a: {  	_ =	shalt  }
0x5b: {  	_ =	shalt  }
0x5c: {  	_ =	shalt  }
0x5d: {  	_ =	shalt  }
0x5e: {  	_ =	shalt  }
0x5f: {  	_ =	shalt  }
0x60: {  	_ =	shalt  }
0x61: {  	_ =	shalt  }
0x62: {  	_ =	shalt  }
0x63: {  	_ =	shalt  }
0x64: {  	_ =	shalt  }
0x65: {  	_ =	shalt  }
0x66: {  	_ =	shalt  }
0x67: {  	_ =	shalt  }
0x68: {  	_ =	shalt  }
0x69: {  	_ =	shalt  }
0x6a: {  	_ =	shalt  }
0x6b: {  	_ =	shalt  }
0x6c: {  	_ =	shalt  }
0x6d: {  	_ =	shalt  }
0x6e: {  	_ =	shalt  }
0x6f: {  	_ =	shalt  }
0x70: {  	_ =	shalt  }
0x71: {  	_ =	shalt  }
0x72: {  	_ =	shalt  }
0x73: {  	_ =	shalt  }
0x74: {  	_ =	shalt  }
0x75: {  	_ =	shalt  }
0x76: {  	_ =	shalt  }
0x77: {  	_ =	shalt  }
0x78: {  	_ =	shalt  }
0x79: {  	_ =	shalt  }
0x7a: {  	_ =	shalt  }
0x7b: {  	_ =	shalt  }
0x7c: {  	_ =	shalt  }
0x7d: {  	_ =	shalt  }
0x7e: {  	_ =	shalt  }
0x7f: {  	_ =	shalt  }
0x80: {  	_ =	shalt  }
0x81: {  	_ =	shalt  }
0x82: {  	_ =	shalt  }
0x83: {  	_ =	shalt  }
0x84: {  	_ =	shalt  }
0x85: {  	_ =	shalt  }
0x86: {  	_ =	shalt  }
0x87: {  	_ =	shalt  }
.Lfunc_end0:
.L_simem_size_0:
called_computation_lowered:
.L_overlay_start_0:
0x88: {  	s2 =	sld [smem:$0x3FD9]  }
0x89: {  	s3 =	sld [smem:$0x3FFE];
	_ =	sdelay $0x1  }
0x8a: {  	s1 =	srdreg.scid  }
0x8b: {  	s0 =	sand.u32 $0x1, s1  }
0x8c: {  	s17 =	sshll.u32 s0, $0xA;
	s2 =	sadd.s32 s3, s2  }
0x8d: {  	s2 =	sadd.s32 s2, s17  }
0x8e: {  	[smem:$0x3FC2] =	sst s2  }
0x8f: {  	_ = 	snop  }
0x90: {  	s2 =	sld [smem:$0x3FC9]  }
0x91: {  	s18 =	sld [smem:$0x3FD0];
	(tm) =	ssettm $0x1  }
0x92: {  	s4 =	sld [smem:$0x3FFB];
	_ =	sdelay $0x3  }
0x93: {  	_ =	strace s4  }
0x94: {  	s4 =	sld [smem:$0x3FFC];
	_ =	sdelay $0x3  }
0x95: {  	_ =	strace s4  }
0x96: {  	s4 =	sld [smem:$0x3FFD];
	_ =	sdelay $0x3  }
0x97: {  	_ =	strace s4  }
0x98: {  	_ =	strace $0x8FFFFFFF  }
0x99: {  	s19 =	sld [smem:$0x3FDB];
	_ =	sdelay $0x1  }
0x9a: {  	s5 =	simm.s32 $_scs_section_size  }
0x9b: {  	s6 =	simm.s32 $_size__tile_overlayer_lowered;
	s7 =	simm.s32 $_tile_overlayer_lowered  }
0x9c: {  	s22 =	simm.s32 $0x1BFF;
	s21 =	sshll.u32 s7, $0x1;
	s4 =	sadd.s32 s5, s19  }
0x9d: {  	s8 =	simm.s32 $0x0;
	s20 =	sshll.u32 s6, $0x1;
	s6 =	sadd.s32 s21, s4  }
0x9e: {  	[timem:s8], [sflag:s22] =	dma.local [hbm:s6], s20  }
0x9f: {  	_ =	swait.ge [sflag:s22], s20  }
0xa0: {  	s5 =	ssub.s32 $0x0, s20;
	[sflag:s22] =	ssyncset.done $0x0  }
0xa1: {  	[sflag:s22] =	ssyncadd.s32 s5;
	_ =	sdelay $0x1  }
0xa2: {  	s23 =	simm.s32 $0x1B8B  }
0xa3: {  	_ =	swait.ge [sflag:s23], $0x1  }
0xa4: {  	[sflag:s23] =	ssyncset.done $0x0  }
0xa5: {  	s25 =	simm.s32 $0x1B8E;
	s24 =	sld [smem:$0x3FFE];
	[sflag:s23] =	ssyncadd.s32 $0xFFFFFFFF  }
0xa6: {  	s26 =	simm.s32 $execute0_lowered;
	[smem:$0x3FD2] =	sst s25  }
0xa7: {  	s6 =	sshll.u32 s26, $0x1;
	_ =	strace $0x80000046;
	[dreg:$0x1] =	wrdreg $0xFFFFFFFF  }
0xa8: {  	s28 =	simm.s32 $_size_execute0_lowered;
	s4 =	sadd.s32 s4, s6;
	[dreg:$0x0] =	wrdreg $0x0  }
0xa9: {  	s6 =	sshll.u32 s28, $0x1;
	[dreg:$0x2] =	wrdreg s4  }
0xaa: {  	[dreg:$0x3] =	wrdreg s6  }
0xab: {  	[dreg:$0x4] =	wrdreg $0xC0  }
0xac: {  	_ =	task [dreg:s8], $0x5FFFF  }
0xad: {  	[dreg:$0x1] =	wrdreg $0xFFFFFFFF  }
0xae: {  	[dreg:$0x0] =	wrdreg $0x60  }
0xaf: {  	[dreg:$0x2] =	wrdreg s2  }
0xb0: {  	[dreg:$0x3] =	wrdreg s24  }
0xb1: {  	[dreg:$0x4] =	wrdreg s18  }
0xb2: {  	[dreg:$0x5] =	wrdreg $0x9  }
0xb3: {  	_ =	task.clear_ibuf [dreg:s8], $0x6FFFF;
	_ =	strace $0x90000046  }
0xb4: {  	s29 =	simm.s32 $0x9;
	_ =	strace $0x80000048  }
0xb5: {  	_ =	swait.ge [sflag:s29], $0x1  }
0xb6: {  	[sflag:s29] =	ssyncadd.s32 $0xFFFFFFFF  }
0xb7: {  	_ =	strace $0x90000048  }
0xb8: {  	_ =	sfence  }
0xb9: {  	s30 =	sld [smem:$0x0];
	_ =	sdelay $0x2  }
0xba: {  	s31 =	sshll.u32 s1, $0xD;
	s1 =	sshrl.u32 s1, $0x2  }
0xbb: {  	s3 =	sand.u32 $0x4000, s31;
	s1 =	sadd.s32 s1, s30  }
0xbc: {  	s0 =	sor.u32 s3, s0;
	s1 =	sshll.u32 s1, $0x11  }
0xbd: {  	s0 =	sor.u32 s1, s0  }
0xbe: {  	s0 =	sadd.s32 $0x8F2B, s0  }
0xbf: {  	[sflag:s0] =	ssyncadd.remote.s32 $0x1  }
0xc0: {  	_ =	sfence.sel $0xFFFF  }
0xc1: {  	[dreg:$0x0] =	wrdreg $0xFFFFFFFF;
	(pc) =	sbr.abs _section_cstart, $3  }
0xc2: {  	[dreg:$0x1] =	wrdreg $0xFFFFFFFF  }
0xc3: {  	_ =	task.clear_ibuf [dreg:s8], $0x2FFFF;
	_ =	strace $0x9FFFFFFF  }
0xc4: {  	(tm) =	ssettm $0x7FFFFFFF  }
0xc5: {  	_ =	shalt  }
tec
execute0_lowered:
.L_overlay_start_1:
0x0: {  	(tag) =	ssettag $0x1  }
0x1: {  	s0 =	rddreg [dreg:$0x0]  }
0x2: {  	v4 =	vlaneseq.u32;
	s5 =	rddreg [dreg:$0x1];
	s4 =	srdreg.scid  }
0x3: {  	s1 =	rddreg [dreg:$0x2];
	v1 =	vmul.u32 $0xC1, v4;
	s6 =	sand.u32 $0x1, s4;
	s4 =	simm.s32 $0x0  }
0x4: {  	v0 =	vimm.s32 $0x0;
	vm0 =	vcmask $0x300;
	[smem:$0x7FF] =	sst s4  }
0x5: {  	s3 =	rddreg [dreg:$0x3];
	v36 =	vsel vm0, $0x3, v0;
	_ =	strace $0x80000047;
	[tilespmem:$0x1FDD0] =	vst v1  }
0x6: {  	v38 =	vor.u32 $0x20, v4;
	[tilespmem:$0x1FF40] =	vst v36  }
0x7: {  	v39 =	vor.u32 $0x30, v4;
	[tilespmem:$0x1FF60] =	vst v38  }
0x8: {  	v37 =	vor.u32 $0x10, v4;
	[tilespmem:$0x1FF70] =	vst v39  }
0x9: {  	v2 =	vadd.s32 $0x1, v1;
	[tilespmem:$0x1FF90] =	vst v37  }
0xa: {  	v3 =	vadd.s32 $0x2, v1;
	[tilespmem:$0x1FDE0] =	vst v2  }
0xb: {  	v5 =	vadd.s32 $0x3, v1;
	[tilespmem:$0x1FDF0] =	vst v3  }
0xc: {  	v6 =	vadd.s32 $0x4, v1;
	[tilespmem:$0x1FE00] =	vst v5  }
0xd: {  	v7 =	vadd.s32 $0x5, v1;
	[tilespmem:$0x1FE10] =	vst v6  }
0xe: {  	v8 =	vadd.s32 $0x6, v1;
	[tilespmem:$0x1FE20] =	vst v7  }
0xf: {  	v9 =	vadd.s32 $0x7, v1;
	[tilespmem:$0x1FE30] =	vst v8  }
0x10: {  	v10 =	vadd.s32 $0x8, v1;
	[tilespmem:$0x1FE40] =	vst v9  }
0x11: {  	v11 =	vadd.s32 $0x9, v1;
	[tilespmem:$0x1FE50] =	vst v10  }
0x12: {  	v12 =	vadd.s32 $0xA, v1;
	[tilespmem:$0x1FE60] =	vst v11  }
0x13: {  	v13 =	vadd.s32 $0xB, v1;
	[tilespmem:$0x1FE70] =	vst v12  }
0x14: {  	v14 =	vadd.s32 $0xC, v1;
	[tilespmem:$0x1FE80] =	vst v13  }
0x15: {  	v15 =	vadd.s32 $0xD, v1;
	[tilespmem:$0x1FE90] =	vst v14  }
0x16: {  	v16 =	vadd.s32 $0xE, v1;
	[tilespmem:$0x1FEA0] =	vst v15  }
0x17: {  	v17 =	vadd.s32 $0xF, v1;
	[tilespmem:$0x1FEB0] =	vst v16  }
0x18: {  	v18 =	vadd.s32 $0x10, v1;
	[tilespmem:$0x1FEC0] =	vst v17  }
0x19: {  	v19 =	vadd.s32 $0x11, v1;
	[tilespmem:$0x1FED0] =	vst v18  }
0x1a: {  	v20 =	vadd.s32 $0x12, v1;
	[tilespmem:$0x1FEE0] =	vst v19  }
0x1b: {  	v21 =	vadd.s32 $0x13, v1;
	[tilespmem:$0x1FEF0] =	vst v20  }
0x1c: {  	v22 =	vadd.s32 $0x14, v1;
	[tilespmem:$0x1FF00] =	vst v21  }
0x1d: {  	v23 =	vadd.s32 $0x15, v1;
	[tilespmem:$0x1FF10] =	vst v22  }
0x1e: {  	v35 =	vadd.s32 $0x16, v1;
	[tilespmem:$0x1FF20] =	vst v23  }
0x1f: {  	v24 =	vadd.s32 $0x17, v1;
	[tilespmem:$0x1FF30] =	vst v35  }
0x20: {  	v25 =	vadd.s32 $0x18, v1;
	[tilespmem:$0x1FF50] =	vst v24  }
0x21: {  	s2 =	stileid.u32;
	v26 =	vadd.s32 $0x19, v1;
	[tilespmem:$0x1FF80] =	vst v25  }
0x22: {  	s7 =	sshll.u32 s2, $0x1;
	v27 =	vadd.s32 $0x1A, v1;
	[tilespmem:$0x1FFA0] =	vst v26  }
0x23: {  	s10 =	simm.s32 $0x1;
	s11 =	simm.s32 $0x13100;
	s7 =	sor.u32 s6, s7;
	v28 =	vadd.s32 $0x1B, v1;
	[tilespmem:$0x1FFB0] =	vst v27  }
0x24: {  	s12 =	simm.s32 $0xC100;
	v40 =	vor.u32 $0x40, v4;
	v41 =	vor.u32 $0x50, v4;
	s6 =	ssub.s32 $0x2, s6;
	v29 =	vadd.s32 $0x1C, v1;
	s8 =	sshll.u32 s7, $0x9;
	[tilespmem:$0x1FFC0] =	vst v28  }
0x25: {  	s13 =	simm.s32 $0x0;
	v42 =	vor.u32 $0x60, v4;
	v43 =	vor.u32 $0x70, v4;
	v30 =	vadd.s32 $0x1D, v1;
	s9 =	sshrl.u32 s6, $0x1;
	s5 =	sadd.s32 s8, s5;
	[tilespmem:$0x1FFD0] =	vst v29  }
0x26: {  	v44 =	vor.u32 $0x80, v4;
	v52 =	vor.u32 $0x90, v4;
	v31 =	vadd.s32 $0x1E, v1;
	s31 =	ssub.s32 s6, s9;
	s6 =	smul.u32 $0x18000, s7;
	s7 =	sshll.u32 s7, $0x8;
	[tilespmem:$0x1FFE0] =	vst v30  }
0x27: {  	v53 =	vor.u32 $0xA0, v4;
	v54 =	vor.u32 $0xB0, v4;
	v32 =	vadd.s32 $0x1F, v1;
	s9 =	simm.s32 $0x12100;
	[tilespmem:$0x1FFF0] =	vst v31;
	s5 =	sadd.s32 $0x1800, s5;
	s8 =	smax.u32 s31, $0x1  }
.LBB2_1:
0x28: {  	[tilespmem:s9], [sflag:$0x1] =	stream.linear.gather [hbm4b:s5+s4], $0x1000, $0x38;
	[tilespmem:$0x17100] =	vst v63  }
0x29: {  	_ =	swait.ge [sflag:s10], $0x1000  }
0x2a: {  	[sflag:s10] =	ssyncset.done $0x0  }
0x2b: {  	s14 =	simm.s32 $0x0;
	[sflag:s10] =	ssyncadd.s32 $0xFFFFF000  }
.LBB2_2:
0x2c: {  	s15 =	sshll.u32 s14, $0xE  }
0x2d: {  	s15 =	sadd.s32 s6, s15  }
0x2e: {  	s15 =	sshrl.u32 s15, $0x3  }
0x2f: {  	s16 =	simm.s32 $0x0;
	s15 =	sadd.s32 s0, s15  }
0x30: {  	v0 =	vmov s16;
	[tilespmem:s11], [sflag:$0x1] =	stream.linear.gather [hbm4b:s15+s16], $0x4000, $0x38;
	[tilespmem:$0x17100] =	vst v63  }
0x31: {  	s31 =	sshll.u32 s14, $0x5;
	v0 =	vmul.u32 $0xC1, v0;
	_ =	swait.ge [sflag:s10], $0x4000  }
0x32: {  	v45 =	vmov s31;
	[sflag:s10] =	ssyncset.done $0x0  }
0x33: {  	s15 =	simm.s32 $0x15100;
	v0 =	vadd.s32 v45, v0;
	[sflag:s10] =	ssyncadd.s32 $0xFFFFC000  }
0x34: {  	v0 =	vbroadcast v0, $0x0;
	v33 =	vld [tilespmem:s15+$0xFFFFE100]  }
0x35: {  	v34 =	vld [tilespmem:s15+$0xFFFFE000]  }
0x36: {  	v46 =	vadd.s32 v1, v0;
	_ =	sdelay $0x3  }
0x37: {  	v33 =	vpack.i.f32.bf16 v33, v34  }
0x38: {  	[tilespmem:v46+s4+$0x0] =	vst.idx.msk $0xffff, v33  }
0x39: {  	v33 =	vld [tilespmem:s15+$0xFFFFE200]  }
0x3a: {  	v48 =	vld [tilespmem:s15+$0xFFFFE300]  }
0x3b: {  	v49 =	vadd.s32 v2, v0;
	_ =	sdelay $0x3  }
0x3c: {  	v33 =	vpack.i.f32.bf16 v48, v33  }
0x3d: {  	[tilespmem:v49+s4+$0x0] =	vst.idx.msk $0xffff, v33  }
0x3e: {  	v33 =	vld [tilespmem:s15+$0xFFFFE400]  }
0x3f: {  	v50 =	vld [tilespmem:s15+$0xFFFFE500]  }
0x40: {  	v51 =	vadd.s32 v3, v0;
	_ =	sdelay $0x3  }
0x41: {  	v33 =	vpack.i.f32.bf16 v50, v33  }
0x42: {  	[tilespmem:v51+s4+$0x0] =	vst.idx.msk $0xffff, v33  }
0x43: {  	v33 =	vld [tilespmem:s15+$0xFFFFE600]  }
0x44: {  	v55 =	vld [tilespmem:s15+$0xFFFFE700]  }
0x45: {  	v56 =	vadd.s32 v5, v0;
	_ =	sdelay $0x3  }
0x46: {  	v33 =	vpack.i.f32.bf16 v55, v33  }
0x47: {  	[tilespmem:v56+s4+$0x0] =	vst.idx.msk $0xffff, v33  }
0x48: {  	v33 =	vld [tilespmem:s15+$0xFFFFE800]  }
0x49: {  	v57 =	vld [tilespmem:s15+$0xFFFFE900]  }
0x4a: {  	v58 =	vadd.s32 v6, v0;
	_ =	sdelay $0x3  }
0x4b: {  	v33 =	vpack.i.f32.bf16 v57, v33  }
0x4c: {  	[tilespmem:v58+s4+$0x0] =	vst.idx.msk $0xffff, v33  }
0x4d: {  	v33 =	vld [tilespmem:s15+$0xFFFFEA00]  }
0x4e: {  	v59 =	vld [tilespmem:s15+$0xFFFFEB00]  }
0x4f: {  	v60 =	vadd.s32 v7, v0;
	_ =	sdelay $0x3  }
0x50: {  	v33 =	vpack.i.f32.bf16 v59, v33  }
0x51: {  	[tilespmem:v60+s4+$0x0] =	vst.idx.msk $0xffff, v33  }
0x52: {  	v33 =	vld [tilespmem:s15+$0xFFFFEC00]  }
0x53: {  	v61 =	vld [tilespmem:s15+$0xFFFFED00]  }
0x54: {  	v62 =	vadd.s32 v8, v0;
	_ =	sdelay $0x3  }
0x55: {  	v33 =	vpack.i.f32.bf16 v61, v33  }
0x56: {  	[tilespmem:v62+s4+$0x0] =	vst.idx.msk $0xffff, v33  }
0x57: {  	v33 =	vld [tilespmem:s15+$0xFFFFEE00]  }
0x58: {  	v63 =	vld [tilespmem:s15+$0xFFFFEF00]  }
0x59: {  	v48 =	vadd.s32 v9, v0;
	_ =	sdelay $0x3  }
0x5a: {  	v33 =	vpack.i.f32.bf16 v63, v33  }
0x5b: {  	[tilespmem:v48+s4+$0x0] =	vst.idx.msk $0xffff, v33  }
0x5c: {  	v33 =	vld [tilespmem:s15+$0xFFFFF000]  }
0x5d: {  	v49 =	vld [tilespmem:s15+$0xFFFFF100]  }
0x5e: {  	v50 =	vadd.s32 v10, v0;
	_ =	sdelay $0x3  }
0x5f: {  	v33 =	vpack.i.f32.bf16 v49, v33  }
0x60: {  	[tilespmem:v50+s4+$0x0] =	vst.idx.msk $0xffff, v33  }
0x61: {  	v33 =	vld [tilespmem:s15+$0xFFFFF200]  }
0x62: {  	v51 =	vld [tilespmem:s15+$0xFFFFF300]  }
0x63: {  	v55 =	vadd.s32 v11, v0;
	_ =	sdelay $0x3  }
0x64: {  	v33 =	vpack.i.f32.bf16 v51, v33  }
0x65: {  	[tilespmem:v55+s4+$0x0] =	vst.idx.msk $0xffff, v33  }
0x66: {  	v33 =	vld [tilespmem:s15+$0xFFFFF400]  }
0x67: {  	v56 =	vld [tilespmem:s15+$0xFFFFF500]  }
0x68: {  	v57 =	vadd.s32 v12, v0;
	_ =	sdelay $0x3  }
0x69: {  	v33 =	vpack.i.f32.bf16 v56, v33  }
0x6a: {  	[tilespmem:v57+s4+$0x0] =	vst.idx.msk $0xffff, v33  }
0x6b: {  	v33 =	vld [tilespmem:s15+$0xFFFFF600]  }
0x6c: {  	v58 =	vld [tilespmem:s15+$0xFFFFF700]  }
0x6d: {  	v59 =	vadd.s32 v13, v0;
	_ =	sdelay $0x3  }
0x6e: {  	v33 =	vpack.i.f32.bf16 v58, v33  }
0x6f: {  	[tilespmem:v59+s4+$0x0] =	vst.idx.msk $0xffff, v33  }
0x70: {  	v33 =	vld [tilespmem:s15+$0xFFFFF800]  }
0x71: {  	v60 =	vld [tilespmem:s15+$0xFFFFF900]  }
0x72: {  	v61 =	vadd.s32 v14, v0;
	_ =	sdelay $0x3  }
0x73: {  	v33 =	vpack.i.f32.bf16 v60, v33  }
0x74: {  	[tilespmem:v61+s4+$0x0] =	vst.idx.msk $0xffff, v33  }
0x75: {  	v33 =	vld [tilespmem:s15+$0xFFFFFA00]  }
0x76: {  	v62 =	vld [tilespmem:s15+$0xFFFFFB00]  }
0x77: {  	v63 =	vadd.s32 v15, v0;
	_ =	sdelay $0x3  }
0x78: {  	v33 =	vpack.i.f32.bf16 v62, v33  }
0x79: {  	[tilespmem:v63+s4+$0x0] =	vst.idx.msk $0xffff, v33  }
0x7a: {  	v33 =	vld [tilespmem:s15+$0xFFFFFC00]  }
0x7b: {  	v48 =	vld [tilespmem:s15+$0xFFFFFD00]  }
0x7c: {  	v49 =	vadd.s32 v16, v0;
	_ =	sdelay $0x3  }
0x7d: {  	v33 =	vpack.i.f32.bf16 v48, v33  }
0x7e: {  	[tilespmem:v49+s4+$0x0] =	vst.idx.msk $0xffff, v33  }
0x7f: {  	v33 =	vld [tilespmem:s15+$0xFFFFFE00]  }
0x80: {  	v50 =	vld [tilespmem:s15+$0xFFFFFF00]  }
0x81: {  	v51 =	vadd.s32 v17, v0;
	_ =	sdelay $0x3  }
0x82: {  	v33 =	vpack.i.f32.bf16 v50, v33  }
0x83: {  	[tilespmem:v51+s4+$0x0] =	vst.idx.msk $0xffff, v33  }
0x84: {  	v33 =	vld [tilespmem:s15+$0x0]  }
0x85: {  	v55 =	vld [tilespmem:s15+$0x100]  }
0x86: {  	v56 =	vadd.s32 v18, v0;
	_ =	sdelay $0x3  }
0x87: {  	v33 =	vpack.i.f32.bf16 v55, v33  }
0x88: {  	[tilespmem:v56+s4+$0x0] =	vst.idx.msk $0xffff, v33  }
0x89: {  	v33 =	vld [tilespmem:s15+$0x200]  }
0x8a: {  	v57 =	vld [tilespmem:s15+$0x300]  }
0x8b: {  	v58 =	vadd.s32 v19, v0;
	_ =	sdelay $0x3  }
0x8c: {  	v33 =	vpack.i.f32.bf16 v57, v33  }
0x8d: {  	[tilespmem:v58+s4+$0x0] =	vst.idx.msk $0xffff, v33  }
0x8e: {  	v33 =	vld [tilespmem:s15+$0x400]  }
0x8f: {  	v59 =	vld [tilespmem:s15+$0x500]  }
0x90: {  	v60 =	vadd.s32 v20, v0;
	_ =	sdelay $0x3  }
0x91: {  	v33 =	vpack.i.f32.bf16 v59, v33  }
0x92: {  	[tilespmem:v60+s4+$0x0] =	vst.idx.msk $0xffff, v33  }
0x93: {  	v33 =	vld [tilespmem:s15+$0x600]  }
0x94: {  	v61 =	vld [tilespmem:s15+$0x700]  }
0x95: {  	v62 =	vadd.s32 v21, v0;
	_ =	sdelay $0x3  }
0x96: {  	v33 =	vpack.i.f32.bf16 v61, v33  }
0x97: {  	[tilespmem:v62+s4+$0x0] =	vst.idx.msk $0xffff, v33  }
0x98: {  	v33 =	vld [tilespmem:s15+$0x800]  }
0x99: {  	v63 =	vld [tilespmem:s15+$0x900]  }
0x9a: {  	v48 =	vadd.s32 v22, v0;
	_ =	sdelay $0x3  }
0x9b: {  	v33 =	vpack.i.f32.bf16 v63, v33  }
0x9c: {  	[tilespmem:v48+s4+$0x0] =	vst.idx.msk $0xffff, v33  }
0x9d: {  	v33 =	vld [tilespmem:s15+$0xA00]  }
0x9e: {  	v49 =	vld [tilespmem:s15+$0xB00]  }
0x9f: {  	v50 =	vadd.s32 v23, v0;
	_ =	sdelay $0x3  }
0xa0: {  	v33 =	vpack.i.f32.bf16 v49, v33  }
0xa1: {  	[tilespmem:v50+s4+$0x0] =	vst.idx.msk $0xffff, v33  }
0xa2: {  	v33 =	vld [tilespmem:s15+$0xC00]  }
0xa3: {  	v51 =	vld [tilespmem:s15+$0xD00]  }
0xa4: {  	v55 =	vadd.s32 v35, v0;
	_ =	sdelay $0x3  }
0xa5: {  	v33 =	vpack.i.f32.bf16 v51, v33  }
0xa6: {  	[tilespmem:v55+s4+$0x0] =	vst.idx.msk $0xffff, v33  }
0xa7: {  	v33 =	vld [tilespmem:s15+$0xE00]  }
0xa8: {  	v56 =	vld [tilespmem:s15+$0xF00]  }
0xa9: {  	v57 =	vadd.s32 v24, v0;
	_ =	sdelay $0x3  }
0xaa: {  	v33 =	vpack.i.f32.bf16 v56, v33  }
0xab: {  	[tilespmem:v57+s4+$0x0] =	vst.idx.msk $0xffff, v33  }
0xac: {  	v33 =	vld [tilespmem:s15+$0x1000]  }
0xad: {  	v58 =	vld [tilespmem:s15+$0x1100]  }
0xae: {  	v59 =	vadd.s32 v25, v0;
	_ =	sdelay $0x3  }
0xaf: {  	v33 =	vpack.i.f32.bf16 v58, v33  }
0xb0: {  	[tilespmem:v59+s4+$0x0] =	vst.idx.msk $0xffff, v33  }
0xb1: {  	v33 =	vld [tilespmem:s15+$0x1200]  }
0xb2: {  	v60 =	vld [tilespmem:s15+$0x1300]  }
0xb3: {  	v61 =	vadd.s32 v26, v0;
	_ =	sdelay $0x3  }
0xb4: {  	v33 =	vpack.i.f32.bf16 v60, v33  }
0xb5: {  	[tilespmem:v61+s4+$0x0] =	vst.idx.msk $0xffff, v33  }
0xb6: {  	v33 =	vld [tilespmem:s15+$0x1400]  }
0xb7: {  	v62 =	vld [tilespmem:s15+$0x1500]  }
0xb8: {  	v63 =	vadd.s32 v27, v0;
	_ =	sdelay $0x3  }
0xb9: {  	v33 =	vpack.i.f32.bf16 v62, v33  }
0xba: {  	[tilespmem:v63+s4+$0x0] =	vst.idx.msk $0xffff, v33  }
0xbb: {  	v33 =	vld [tilespmem:s15+$0x1600]  }
0xbc: {  	v46 =	vld [tilespmem:s15+$0x1700]  }
0xbd: {  	v48 =	vadd.s32 v28, v0;
	_ =	sdelay $0x3  }
0xbe: {  	v47 =	vadd.s32 v29, v0;
	v34 =	vadd.s32 v30, v0;
	v46 =	vpack.i.f32.bf16 v46, v33  }
0xbf: {  	s17 =	simm.s32 $0x15100;
	s16 =	simm.s32 $0x10;
	v33 =	vadd.s32 v31, v0;
	v0 =	vadd.s32 v32, v0;
	[tilespmem:v48+s4+$0x0] =	vst.idx.msk $0xffff, v46  }
.LBB2_3:
0xc0: {  	p0 =	sne.s32 s16, $0xF0  }
0xc1: {  	v46 =	vld [tilespmem:s15+$0x1800];
	s17 =	sadd.s32 $0x10, s17;
	s18 =	smov.u32 s16;
	s16 =	sadd.s32 $0x10, s16  }
0xc2: {  	v48 =	vld [tilespmem:s15+$0x1900];
	_ =	sdelay $0x4  }
0xc3: {  	v46 =	vpack.i.f32.bf16 v48, v46  }
0xc4: {  	[tilespmem:v47+s4+$0x0] =	vst.idx.msk $0xffff, v46  }
0xc5: {  	v46 =	vld [tilespmem:s15+$0x1A00]  }
0xc6: {  	v47 =	vld [tilespmem:s15+$0x1B00];
	_ =	sdelay $0x4  }
0xc7: {  	v46 =	vpack.i.f32.bf16 v47, v46  }
0xc8: {  	[tilespmem:v34+s4+$0x0] =	vst.idx.msk $0xffff, v46  }
0xc9: {  	v34 =	vld [tilespmem:s15+$0x1C00]  }
0xca: {  	v46 =	vld [tilespmem:s15+$0x1D00];
	_ =	sdelay $0x4  }
0xcb: {  	v34 =	vpack.i.f32.bf16 v46, v34  }
0xcc: {  	[tilespmem:v33+s4+$0x0] =	vst.idx.msk $0xffff, v34  }
0xcd: {  	v33 =	vld [tilespmem:s15+$0x1E00]  }
0xce: {  	v34 =	vld [tilespmem:s15+$0x1F00];
	s15 =	smov.u32 s17;
	_ =	sdelay $0x2  }
0xcf: {  	v46 =	vmov s18  }
0xd0: {  	v46 =	vmul.u32 $0xC1, v46  }
0xd1: {  	v33 =	vpack.i.f32.bf16 v34, v33  }
0xd2: {  	v34 =	vadd.s32 v45, v46;
	[tilespmem:v0+s4+$0x0] =	vst.idx.msk $0xffff, v33  }
0xd3: {  	v46 =	vbroadcast v34, $0x0;
	v0 =	vld [tilespmem:s17+$0xFFFFE100]  }
0xd4: {  	v33 =	vld [tilespmem:s17+$0xFFFFE000]  }
0xd5: {  	v34 =	vadd.s32 v1, v46;
	_ =	sdelay $0x3  }
0xd6: {  	v0 =	vpack.i.f32.bf16 v0, v33  }
0xd7: {  	[tilespmem:v34+s4+$0x0] =	vst.idx.msk $0xffff, v0  }
0xd8: {  	v0 =	vld [tilespmem:s17+$0xFFFFE200]  }
0xd9: {  	v34 =	vadd.s32 v2, v46;
	v33 =	vld [tilespmem:s17+$0xFFFFE300];
	_ =	sdelay $0x4  }
0xda: {  	v0 =	vpack.i.f32.bf16 v33, v0  }
0xdb: {  	[tilespmem:v34+s4+$0x0] =	vst.idx.msk $0xffff, v0  }
0xdc: {  	v33 =	vadd.s32 v3, v46;
	v0 =	vld [tilespmem:s17+$0xFFFFE400]  }
0xdd: {  	v34 =	vld [tilespmem:s17+$0xFFFFE500];
	_ =	sdelay $0x4  }
0xde: {  	v0 =	vpack.i.f32.bf16 v34, v0  }
0xdf: {  	[tilespmem:v33+s4+$0x0] =	vst.idx.msk $0xffff, v0;
	v0 =	vadd.s32 v5, v46  }
0xe0: {  	v33 =	vld [tilespmem:s17+$0xFFFFE600]  }
0xe1: {  	v34 =	vld [tilespmem:s17+$0xFFFFE700];
	_ =	sdelay $0x4  }
0xe2: {  	v33 =	vpack.i.f32.bf16 v34, v33;
	v34 =	vadd.s32 v6, v46  }
0xe3: {  	[tilespmem:v0+s4+$0x0] =	vst.idx.msk $0xffff, v33  }
0xe4: {  	v0 =	vld [tilespmem:s17+$0xFFFFE800]  }
0xe5: {  	v33 =	vld [tilespmem:s17+$0xFFFFE900];
	_ =	sdelay $0x3  }
0xe6: {  	v47 =	vadd.s32 v7, v46  }
0xe7: {  	v0 =	vpack.i.f32.bf16 v33, v0  }
0xe8: {  	[tilespmem:v34+s4+$0x0] =	vst.idx.msk $0xffff, v0  }
0xe9: {  	v0 =	vld [tilespmem:s17+$0xFFFFEA00]  }
0xea: {  	v33 =	vld [tilespmem:s17+$0xFFFFEB00];
	_ =	sdelay $0x2  }
0xeb: {  	v34 =	vadd.s32 v8, v46;
	_ =	sdelay $0x1  }
0xec: {  	v0 =	vpack.i.f32.bf16 v33, v0  }
0xed: {  	[tilespmem:v47+s4+$0x0] =	vst.idx.msk $0xffff, v0  }
0xee: {  	v0 =	vld [tilespmem:s17+$0xFFFFEC00]  }
0xef: {  	v33 =	vld [tilespmem:s17+$0xFFFFED00];
	_ =	sdelay $0x1  }
0xf0: {  	v47 =	vadd.s32 v9, v46;
	_ =	sdelay $0x2  }
0xf1: {  	v0 =	vpack.i.f32.bf16 v33, v0  }
0xf2: {  	[tilespmem:v34+s4+$0x0] =	vst.idx.msk $0xffff, v0  }
0xf3: {  	v0 =	vld [tilespmem:s17+$0xFFFFEE00]  }
0xf4: {  	v33 =	vld [tilespmem:s17+$0xFFFFEF00]  }
0xf5: {  	v34 =	vadd.s32 v10, v46;
	_ =	sdelay $0x3  }
0xf6: {  	v0 =	vpack.i.f32.bf16 v33, v0  }
0xf7: {  	[tilespmem:v47+s4+$0x0] =	vst.idx.msk $0xffff, v0  }
0xf8: {  	v0 =	vld [tilespmem:s17+$0xFFFFF000]  }
0xf9: {  	v47 =	vadd.s32 v11, v46;
	v33 =	vld [tilespmem:s17+$0xFFFFF100];
	_ =	sdelay $0x4  }
0xfa: {  	v0 =	vpack.i.f32.bf16 v33, v0  }
0xfb: {  	[tilespmem:v34+s4+$0x0] =	vst.idx.msk $0xffff, v0  }
0xfc: {  	v33 =	vadd.s32 v12, v46;
	v0 =	vld [tilespmem:s17+$0xFFFFF200]  }
0xfd: {  	v34 =	vld [tilespmem:s17+$0xFFFFF300];
	_ =	sdelay $0x4  }
0xfe: {  	v0 =	vpack.i.f32.bf16 v34, v0  }
0xff: {  	[tilespmem:v47+s4+$0x0] =	vst.idx.msk $0xffff, v0;
	v0 =	vadd.s32 v13, v46  }
0x100: {  	v34 =	vld [tilespmem:s17+$0xFFFFF400]  }
0x101: {  	v47 =	vld [tilespmem:s17+$0xFFFFF500];
	_ =	sdelay $0x4  }
0x102: {  	v34 =	vpack.i.f32.bf16 v47, v34;
	v47 =	vadd.s32 v14, v46  }
0x103: {  	[tilespmem:v33+s4+$0x0] =	vst.idx.msk $0xffff, v34  }
0x104: {  	v33 =	vld [tilespmem:s17+$0xFFFFF600]  }
0x105: {  	v34 =	vld [tilespmem:s17+$0xFFFFF700];
	_ =	sdelay $0x3  }
0x106: {  	v48 =	vadd.s32 v15, v46  }
0x107: {  	v33 =	vpack.i.f32.bf16 v34, v33  }
0x108: {  	[tilespmem:v0+s4+$0x0] =	vst.idx.msk $0xffff, v33  }
0x109: {  	v0 =	vld [tilespmem:s17+$0xFFFFF800]  }
0x10a: {  	v33 =	vld [tilespmem:s17+$0xFFFFF900];
	_ =	sdelay $0x2  }
0x10b: {  	v34 =	vadd.s32 v16, v46;
	_ =	sdelay $0x1  }
0x10c: {  	v0 =	vpack.i.f32.bf16 v33, v0  }
0x10d: {  	[tilespmem:v47+s4+$0x0] =	vst.idx.msk $0xffff, v0  }
0x10e: {  	v0 =	vld [tilespmem:s17+$0xFFFFFA00]  }
0x10f: {  	v33 =	vld [tilespmem:s17+$0xFFFFFB00];
	_ =	sdelay $0x1  }
0x110: {  	v47 =	vadd.s32 v17, v46;
	_ =	sdelay $0x2  }
0x111: {  	v0 =	vpack.i.f32.bf16 v33, v0  }
0x112: {  	[tilespmem:v48+s4+$0x0] =	vst.idx.msk $0xffff, v0  }
0x113: {  	v0 =	vld [tilespmem:s17+$0xFFFFFC00]  }
0x114: {  	v33 =	vld [tilespmem:s17+$0xFFFFFD00]  }
0x115: {  	v48 =	vadd.s32 v18, v46;
	_ =	sdelay $0x3  }
0x116: {  	v0 =	vpack.i.f32.bf16 v33, v0  }
0x117: {  	[tilespmem:v34+s4+$0x0] =	vst.idx.msk $0xffff, v0  }
0x118: {  	v0 =	vld [tilespmem:s17+$0xFFFFFE00]  }
0x119: {  	v34 =	vadd.s32 v19, v46;
	v33 =	vld [tilespmem:s17+$0xFFFFFF00];
	_ =	sdelay $0x4  }
0x11a: {  	v0 =	vpack.i.f32.bf16 v33, v0  }
0x11b: {  	[tilespmem:v47+s4+$0x0] =	vst.idx.msk $0xffff, v0  }
0x11c: {  	v33 =	vadd.s32 v20, v46;
	v0 =	vld [tilespmem:s17+$0x0]  }
0x11d: {  	v47 =	vld [tilespmem:s17+$0x100];
	_ =	sdelay $0x4  }
0x11e: {  	v0 =	vpack.i.f32.bf16 v47, v0  }
0x11f: {  	[tilespmem:v48+s4+$0x0] =	vst.idx.msk $0xffff, v0;
	v0 =	vadd.s32 v21, v46  }
0x120: {  	v47 =	vld [tilespmem:s17+$0x200]  }
0x121: {  	v48 =	vld [tilespmem:s17+$0x300];
	_ =	sdelay $0x4  }
0x122: {  	v47 =	vpack.i.f32.bf16 v48, v47;
	v48 =	vadd.s32 v22, v46  }
0x123: {  	[tilespmem:v34+s4+$0x0] =	vst.idx.msk $0xffff, v47  }
0x124: {  	v34 =	vld [tilespmem:s17+$0x400]  }
0x125: {  	v47 =	vld [tilespmem:s17+$0x500];
	_ =	sdelay $0x3  }
0x126: {  	v49 =	vadd.s32 v23, v46  }
0x127: {  	v34 =	vpack.i.f32.bf16 v47, v34  }
0x128: {  	[tilespmem:v33+s4+$0x0] =	vst.idx.msk $0xffff, v34  }
0x129: {  	v33 =	vld [tilespmem:s17+$0x600]  }
0x12a: {  	v34 =	vld [tilespmem:s17+$0x700];
	_ =	sdelay $0x2  }
0x12b: {  	v47 =	vadd.s32 v35, v46;
	_ =	sdelay $0x1  }
0x12c: {  	v33 =	vpack.i.f32.bf16 v34, v33  }
0x12d: {  	[tilespmem:v0+s4+$0x0] =	vst.idx.msk $0xffff, v33  }
0x12e: {  	v0 =	vld [tilespmem:s17+$0x800]  }
0x12f: {  	v33 =	vld [tilespmem:s17+$0x900];
	_ =	sdelay $0x1  }
0x130: {  	v34 =	vadd.s32 v24, v46;
	_ =	sdelay $0x2  }
0x131: {  	v0 =	vpack.i.f32.bf16 v33, v0  }
0x132: {  	[tilespmem:v48+s4+$0x0] =	vst.idx.msk $0xffff, v0  }
0x133: {  	v0 =	vld [tilespmem:s17+$0xA00]  }
0x134: {  	v33 =	vld [tilespmem:s17+$0xB00]  }
0x135: {  	v48 =	vadd.s32 v25, v46;
	_ =	sdelay $0x3  }
0x136: {  	v0 =	vpack.i.f32.bf16 v33, v0  }
0x137: {  	[tilespmem:v49+s4+$0x0] =	vst.idx.msk $0xffff, v0  }
0x138: {  	v0 =	vld [tilespmem:s17+$0xC00]  }
0x139: {  	v49 =	vadd.s32 v26, v46;
	v33 =	vld [tilespmem:s17+$0xD00];
	_ =	sdelay $0x4  }
0x13a: {  	v0 =	vpack.i.f32.bf16 v33, v0  }
0x13b: {  	[tilespmem:v47+s4+$0x0] =	vst.idx.msk $0xffff, v0  }
0x13c: {  	v50 =	vadd.s32 v27, v46;
	v0 =	vld [tilespmem:s17+$0xE00]  }
0x13d: {  	v33 =	vld [tilespmem:s17+$0xF00];
	_ =	sdelay $0x4  }
0x13e: {  	v0 =	vpack.i.f32.bf16 v33, v0  }
0x13f: {  	v51 =	vadd.s32 v28, v46;
	[tilespmem:v34+s4+$0x0] =	vst.idx.msk $0xffff, v0  }
0x140: {  	v0 =	vld [tilespmem:s17+$0x1000]  }
0x141: {  	v33 =	vld [tilespmem:s17+$0x1100];
	_ =	sdelay $0x4  }
0x142: {  	v47 =	vadd.s32 v29, v46;
	v0 =	vpack.i.f32.bf16 v33, v0  }
0x143: {  	[tilespmem:v48+s4+$0x0] =	vst.idx.msk $0xffff, v0  }
0x144: {  	v0 =	vld [tilespmem:s17+$0x1200]  }
0x145: {  	v33 =	vld [tilespmem:s17+$0x1300];
	_ =	sdelay $0x3  }
0x146: {  	v34 =	vadd.s32 v30, v46  }
0x147: {  	v0 =	vpack.i.f32.bf16 v33, v0  }
0x148: {  	[tilespmem:v49+s4+$0x0] =	vst.idx.msk $0xffff, v0  }
0x149: {  	v0 =	vld [tilespmem:s17+$0x1400]  }
0x14a: {  	v48 =	vld [tilespmem:s17+$0x1500];
	_ =	sdelay $0x2  }
0x14b: {  	v33 =	vadd.s32 v31, v46;
	_ =	sdelay $0x1  }
0x14c: {  	v0 =	vpack.i.f32.bf16 v48, v0  }
0x14d: {  	[tilespmem:v50+s4+$0x0] =	vst.idx.msk $0xffff, v0  }
0x14e: {  	v48 =	vld [tilespmem:s17+$0x1600]  }
0x14f: {  	v49 =	vld [tilespmem:s17+$0x1700];
	_ =	sdelay $0x1  }
.Ltmp0:
0x150: {  	v0 =	vadd.s32 v32, v46;
	(pc) =	sbr.rel @p0 .LBB2_3-.Ltmp0, $3  }
0x151: {  	_ =	sdelay $0x1  }
0x152: {  	v46 =	vpack.i.f32.bf16 v49, v48  }
0x153: {  	[tilespmem:v51+s4+$0x0] =	vst.idx.msk $0xffff, v46  }
0x154: {  	v45 =	vld [tilespmem:s15+$0x1800]  }
0x155: {  	v46 =	vld [tilespmem:s15+$0x1900];
	_ =	sdelay $0x4  }
0x156: {  	v45 =	vpack.i.f32.bf16 v46, v45  }
0x157: {  	[tilespmem:v47+s4+$0x0] =	vst.idx.msk $0xffff, v45  }
0x158: {  	v45 =	vld [tilespmem:s15+$0x1A00]  }
0x159: {  	v63 =	vld [tilespmem:s15+$0x1B00];
	_ =	sdelay $0x4  }
0x15a: {  	v45 =	vpack.i.f32.bf16 v63, v45  }
0x15b: {  	[tilespmem:v34+s4+$0x0] =	vst.idx.msk $0xffff, v45  }
0x15c: {  	v34 =	vld [tilespmem:s15+$0x1C00]  }
0x15d: {  	v45 =	vld [tilespmem:s15+$0x1D00];
	_ =	sdelay $0x4  }
0x15e: {  	v34 =	vpack.i.f32.bf16 v45, v34  }
0x15f: {  	[tilespmem:v33+s4+$0x0] =	vst.idx.msk $0xffff, v34  }
0x160: {  	v33 =	vld [tilespmem:s15+$0x1E00]  }
0x161: {  	s14 =	sadd.s32 $0x1, s14;
	v34 =	vld [tilespmem:s15+$0x1F00]  }
0x162: {  	p0 =	sne.s32 s14, $0x6  }
.Ltmp1:
0x163: {  	_ = 	snop;
	(pc) =	sbr.rel @p0 .LBB2_2-.Ltmp1, $3  }
0x164: {  	_ =	sdelay $0x1  }
0x165: {  	v33 =	vpack.i.f32.bf16 v34, v33  }
0x166: {  	[tilespmem:v0+s4+$0x0] =	vst.idx.msk $0xffff, v33  }
0x167: {  	s14 =	simm.s32 $0x0;
	p1 =	por $0x1, $0x1  }
.LBB2_6:
0x168: {  	p0 =	por p1, p1  }
0x169: {  	s15 =	sshll.u32 s14, $0x4;
	s16 =	simm.s32 $0xC160;
	s17 =	simm.s32 $0x0  }
.LBB2_7:
0x16a: {  	_ = 	snop  }
0x16b: {  	s18 =	sadd.s32 s17, s15  }
0x16c: {  	v0 =	vmov s18  }
0x16d: {  	v0 =	vshrl.u32 v0, $0x3  }
0x16e: {  	v0 =	vshll.u32 v0, v36  }
0x16f: {  	v33 =	vbroadcast v0, $0x0;
	_ =	sdelay $0x5  }
0x170: {  	v33 =	vld.idx.msk [tilespmem:v33+s9+$0x0], $0xffff;
	_ =	sdelay $0x2  }
0x171: {  	v34 =	vadd.s32 $0x1, v0  }
0x172: {  	v51 =	vadd.s32 $0x3, v0;
	v34 =	vbroadcast v34, $0x0  }
0x173: {  	v51 =	vbroadcast v51, $0x0;
	v33 =	vmul.u32 $0xC1, v33;
	_ =	sdelay $0x1  }
0x174: {  	v46 =	vadd.s32 v37, v33  }
0x175: {  	v47 =	vadd.s32 v38, v33  }
0x176: {  	v48 =	vadd.s32 v39, v33  }
0x177: {  	v34 =	vld.idx.msk [tilespmem:v34+s9+$0x0], $0xffff;
	v21 =	vadd.s32 v40, v33  }
0x178: {  	v51 =	vld.idx.msk [tilespmem:v51+s9+$0x0], $0xffff;
	v49 =	vadd.s32 v41, v33  }
0x179: {  	v22 =	vadd.s32 v42, v33;
	v7 =	vld.idx.msk [tilespmem:v46+s4+$0x0], $0xffff  }
0x17a: {  	v23 =	vadd.s32 v43, v33;
	v3 =	vld.idx.msk [tilespmem:v47+s4+$0x0], $0xffff  }
0x17b: {  	v24 =	vadd.s32 v44, v33;
	v1 =	vld.idx.msk [tilespmem:v48+s4+$0x0], $0xffff  }
0x17c: {  	v27 =	vadd.s32 $0x2, v0;
	v25 =	vadd.s32 v52, v33;
	v2 =	vld.idx.msk [tilespmem:v21+s4+$0x0], $0xffff  }
0x17d: {  	v26 =	vadd.s32 v53, v33;
	v5 =	vld.idx.msk [tilespmem:v49+s4+$0x0], $0xffff;
	v46 =	vbroadcast v27, $0x0  }
0x17e: {  	v34 =	vmul.u32 $0xC1, v34;
	v6 =	vld.idx.msk [tilespmem:v22+s4+$0x0], $0xffff  }
0x17f: {  	v45 =	vadd.s32 v4, v33;
	v33 =	vadd.s32 v54, v33;
	v9 =	vld.idx.msk [tilespmem:v23+s4+$0x0], $0xffff  }
0x180: {  	v28 =	vadd.s32 v4, v34;
	v10 =	vld.idx.msk [tilespmem:v24+s4+$0x0], $0xffff  }
0x181: {  	v29 =	vadd.s32 v37, v34;
	v11 =	vld.idx.msk [tilespmem:v25+s4+$0x0], $0xffff  }
0x182: {  	v30 =	vadd.s32 v38, v34;
	v8 =	vld.idx.msk [tilespmem:v26+s4+$0x0], $0xffff  }
0x183: {  	v31 =	vadd.s32 v39, v34;
	v46 =	vld.idx.msk [tilespmem:v46+s9+$0x0], $0xffff  }
0x184: {  	v55 =	vadd.s32 v40, v34;
	v12 =	vld.idx.msk [tilespmem:v33+s4+$0x0], $0xffff  }
0x185: {  	v50 =	vadd.s32 v41, v34;
	v48 =	vld.idx.msk [tilespmem:v28+s4+$0x0], $0xffff  }
0x186: {  	v60 =	vadd.s32 v42, v34;
	v58 =	vld.idx.msk [tilespmem:v29+s4+$0x0], $0xffff  }
0x187: {  	v63 =	vadd.s32 v44, v34;
	v14 =	vld.idx.msk [tilespmem:v30+s4+$0x0], $0xffff  }
0x188: {  	v17 =	vadd.s32 v52, v34;
	v62 =	vld.idx.msk [tilespmem:v31+s4+$0x0], $0xffff;
	v46 =	vmul.u32 $0xC1, v46  }
0x189: {  	v19 =	vadd.s32 v53, v34;
	v16 =	vld.idx.msk [tilespmem:v55+s4+$0x0], $0xffff  }
0x18a: {  	v18 =	vld.idx.msk [tilespmem:v50+s4+$0x0], $0xffff;
	v22 =	vadd.s32 v4, v46  }
0x18b: {  	v21 =	vadd.s32 v54, v34;
	v20 =	vld.idx.msk [tilespmem:v60+s4+$0x0], $0xffff  }
0x18c: {  	v55 =	vld.idx.msk [tilespmem:v63+s4+$0x0], $0xffff;
	v23 =	vadd.s32 v37, v46  }
0x18d: {  	v56 =	vld.idx.msk [tilespmem:v17+s4+$0x0], $0xffff;
	v25 =	vadd.s32 v38, v46  }
0x18e: {  	v24 =	vld.idx.msk [tilespmem:v19+s4+$0x0], $0xffff;
	v26 =	vadd.s32 v39, v46  }
0x18f: {  	[tilespmem:$0x1F760] =	vst v16;
	v17 =	vadd.s32 v40, v46;
	v16 =	vld.idx.msk [tilespmem:v22+s4+$0x0], $0xffff  }
0x190: {  	v57 =	vld.idx.msk [tilespmem:v21+s4+$0x0], $0xffff;
	[tilespmem:$0x1F770] =	vst v18;
	v18 =	vadd.s32 v42, v46  }
0x191: {  	v31 =	vmov v54;
	v63 =	vmul.u32 $0xC1, v51;
	v19 =	vadd.s32 v53, v46;
	v47 =	vld.idx.msk [tilespmem:v23+s4+$0x0], $0xffff  }
0x192: {  	[tilespmem:$0x1F780] =	vst v20;
	v20 =	vadd.s32 v31, v46;
	v54 =	vld.idx.msk [tilespmem:v25+s4+$0x0], $0xffff  }
0x193: {  	v21 =	vadd.s32 $0x4, v0;
	v49 =	vld.idx.msk [tilespmem:v26+s4+$0x0], $0xffff;
	v22 =	vadd.s32 v4, v63  }
0x194: {  	v29 =	vmov v52;
	v52 =	vld.idx.msk [tilespmem:v17+s4+$0x0], $0xffff;
	v23 =	vbroadcast v21, $0x0;
	[tilespmem:$0x1F7A0] =	vst v16;
	v16 =	vadd.s32 v37, v63  }
0x195: {  	v51 =	vld.idx.msk [tilespmem:v18+s4+$0x0], $0xffff  }
0x196: {  	v17 =	vld.idx.msk [tilespmem:v19+s4+$0x0], $0xffff;
	v18 =	vadd.s32 v38, v63  }
0x197: {  	v19 =	vld.idx.msk [tilespmem:v20+s4+$0x0], $0xffff;
	v20 =	vadd.s32 v39, v63  }
0x198: {  	v35 =	vadd.s32 v41, v63;
	v27 =	vld.idx.msk [tilespmem:v22+s4+$0x0], $0xffff  }
0x199: {  	v21 =	vadd.s32 v40, v63;
	v22 =	vld.idx.msk [tilespmem:v16+s4+$0x0], $0xffff  }
0x19a: {  	v30 =	vmov v53;
	v53 =	vld.idx.msk [tilespmem:v23+s9+$0x0], $0xffff;
	v23 =	vadd.s32 v42, v63  }
0x19b: {  	[tilespmem:$0x1F790] =	vst v24;
	v25 =	vadd.s32 v43, v63;
	v24 =	vld.idx.msk [tilespmem:v18+s4+$0x0], $0xffff  }
0x19c: {  	v28 =	vadd.s32 v44, v63;
	[tilespmem:$0x1F7B0] =	vst v17;
	v26 =	vld.idx.msk [tilespmem:v20+s4+$0x0], $0xffff  }
0x19d: {  	[tilespmem:$0x1F7C0] =	vst v19;
	v17 =	vadd.s32 v29, v63;
	v18 =	vld.idx.msk [tilespmem:v35+s4+$0x0], $0xffff  }
0x19e: {  	v19 =	vadd.s32 v30, v63;
	v16 =	vld.idx.msk [tilespmem:v21+s4+$0x0], $0xffff;
	[tilespmem:$0x1F7D0] =	vst v22;
	v22 =	vadd.s32 $0x5, v0  }
0x19f: {  	v21 =	vadd.s32 v31, v63;
	v53 =	vmul.u32 $0xC1, v53;
	v20 =	vld.idx.msk [tilespmem:v23+s4+$0x0], $0xffff;
	v63 =	vbroadcast v22, $0x0  }
0x1a0: {  	v23 =	vld.idx.msk [tilespmem:v25+s4+$0x0], $0xffff  }
0x1a1: {  	[tilespmem:$0x1F7E0] =	vst v24;
	v25 =	vld.idx.msk [tilespmem:v28+s4+$0x0], $0xffff;
	v28 =	vadd.s32 v37, v53  }
0x1a2: {  	[tilespmem:$0x1F7F0] =	vst v26;
	v26 =	vld.idx.msk [tilespmem:v17+s4+$0x0], $0xffff;
	v17 =	vadd.s32 v38, v53  }
0x1a3: {  	v24 =	vadd.s32 v4, v53;
	[tilespmem:$0x1F800] =	vst v16;
	v16 =	vld.idx.msk [tilespmem:v19+s4+$0x0], $0xffff  }
0x1a4: {  	[tilespmem:$0x1F810] =	vst v18;
	v18 =	vld.idx.msk [tilespmem:v21+s4+$0x0], $0xffff;
	v19 =	vadd.s32 v39, v53  }
0x1a5: {  	v22 =	vadd.s32 v41, v53;
	v63 =	vld.idx.msk [tilespmem:v63+s9+$0x0], $0xffff  }
0x1a6: {  	[tilespmem:$0x1F830] =	vst v23;
	v23 =	vld.idx.msk [tilespmem:v28+s4+$0x0], $0xffff;
	v28 =	vadd.s32 v43, v53  }
0x1a7: {  	[tilespmem:$0x1F850] =	vst v26;
	v26 =	vld.idx.msk [tilespmem:v17+s4+$0x0], $0xffff;
	v17 =	vadd.s32 v44, v53  }
0x1a8: {  	v21 =	vadd.s32 v40, v53;
	[tilespmem:$0x1F820] =	vst v20;
	v20 =	vld.idx.msk [tilespmem:v24+s4+$0x0], $0xffff  }
0x1a9: {  	v24 =	vadd.s32 v42, v53;
	[tilespmem:$0x1F860] =	vst v16;
	v16 =	vld.idx.msk [tilespmem:v19+s4+$0x0], $0xffff  }
0x1aa: {  	v61 =	vadd.s32 v43, v34;
	[tilespmem:$0x1F840] =	vst v25;
	v25 =	vld.idx.msk [tilespmem:v22+s4+$0x0], $0xffff;
	v63 =	vmul.u32 $0xC1, v63  }
0x1ab: {  	v19 =	vadd.s32 v29, v53;
	[tilespmem:$0x1F890] =	vst v23;
	v23 =	vld.idx.msk [tilespmem:v28+s4+$0x0], $0xffff  }
0x1ac: {  	[tilespmem:$0x1F870] =	vst v18;
	v28 =	vld.idx.msk [tilespmem:v17+s4+$0x0], $0xffff;
	v17 =	vadd.s32 v39, v63  }
0x1ad: {  	v18 =	vld.idx.msk [tilespmem:v21+s4+$0x0], $0xffff;
	[tilespmem:$0x1F8A0] =	vst v26;
	v26 =	vadd.s32 v30, v53  }
0x1ae: {  	v21 =	vadd.s32 v31, v53;
	[tilespmem:$0x1F880] =	vst v20;
	v20 =	vld.idx.msk [tilespmem:v24+s4+$0x0], $0xffff  }
0x1af: {  	v34 =	vld.idx.msk [tilespmem:v61+s4+$0x0], $0xffff;
	v22 =	vadd.s32 $0x6, v0;
	[tilespmem:$0x1F8B0] =	vst v16;
	v24 =	vadd.s32 v4, v63  }
0x1b0: {  	v53 =	vbroadcast v22, $0x0;
	v16 =	vld.idx.msk [tilespmem:v19+s4+$0x0], $0xffff;
	[tilespmem:$0x1F8D0] =	vst v25;
	v25 =	vadd.s32 v37, v63  }
0x1b1: {  	v33 =	vld.idx.msk [tilespmem:v17+s4+$0x0], $0xffff  }
0x1b2: {  	[tilespmem:$0x1F8C0] =	vst v18;
	v19 =	vld.idx.msk [tilespmem:v26+s4+$0x0], $0xffff;
	v26 =	vadd.s32 v38, v63  }
0x1b3: {  	v22 =	vld.idx.msk [tilespmem:v21+s4+$0x0], $0xffff;
	[tilespmem:$0x1F8E0] =	vst v20;
	v18 =	vadd.s32 v40, v63  }
0x1b4: {  	[tilespmem:$0x1F8F0] =	vst v23;
	v20 =	vadd.s32 v41, v63;
	v23 =	vld.idx.msk [tilespmem:v24+s4+$0x0], $0xffff  }
0x1b5: {  	v21 =	vld.idx.msk [tilespmem:v25+s4+$0x0], $0xffff;
	v24 =	vadd.s32 v42, v63  }
0x1b6: {  	v53 =	vld.idx.msk [tilespmem:v53+s9+$0x0], $0xffff;
	[tilespmem:$0x1F920] =	vst v33;
	v33 =	vadd.s32 v44, v63  }
0x1b7: {  	v59 =	vadd.s32 v41, v46;
	v0 =	vadd.s32 $0x7, v0;
	v25 =	vld.idx.msk [tilespmem:v26+s4+$0x0], $0xffff  }
0x1b8: {  	v0 =	vbroadcast v0, $0x0;
	v26 =	vadd.s32 v43, v63;
	v35 =	vld.idx.msk [tilespmem:v18+s4+$0x0], $0xffff  }
0x1b9: {  	v18 =	vld.idx.msk [tilespmem:v20+s4+$0x0], $0xffff  }
0x1ba: {  	v17 =	vadd.s32 v29, v63;
	[tilespmem:$0x1F900] =	vst v21;
	v21 =	vld.idx.msk [tilespmem:v24+s4+$0x0], $0xffff  }
0x1bb: {  	v53 =	vmul.u32 $0xC1, v53;
	v20 =	vadd.s32 v30, v63;
	v33 =	vld.idx.msk [tilespmem:v33+s4+$0x0], $0xffff  }
0x1bc: {  	v50 =	vld.idx.msk [tilespmem:v59+s4+$0x0], $0xffff;
	v24 =	vadd.s32 v31, v63  }
0x1bd: {  	[tilespmem:$0x1F910] =	vst v25;
	v25 =	vld.idx.msk [tilespmem:v26+s4+$0x0], $0xffff;
	v26 =	vadd.s32 v4, v53  }
0x1be: {  	v0 =	vld.idx.msk [tilespmem:v0+s9+$0x0], $0xffff;
	[tilespmem:$0x1F940] =	vst v18;
	v18 =	vadd.s32 v38, v53  }
0x1bf: {  	v63 =	vld.idx.msk [tilespmem:v17+s4+$0x0], $0xffff;
	[tilespmem:$0x1F950] =	vst v21;
	v21 =	vadd.s32 v39, v53  }
0x1c0: {  	v17 =	vld.idx.msk [tilespmem:v20+s4+$0x0], $0xffff;
	[tilespmem:$0x1F970] =	vst v33;
	v33 =	vadd.s32 v37, v53  }
0x1c1: {  	v20 =	vld.idx.msk [tilespmem:v24+s4+$0x0], $0xffff  }
0x1c2: {  	[tilespmem:$0x1F750] =	vst v62;
	v61 =	vadd.s32 v44, v46;
	v24 =	vld.idx.msk [tilespmem:v26+s4+$0x0], $0xffff  }
0x1c3: {  	v59 =	vadd.s32 v44, v53;
	[tilespmem:$0x1F960] =	vst v25;
	v18 =	vld.idx.msk [tilespmem:v18+s4+$0x0], $0xffff  }
0x1c4: {  	[tilespmem:$0x1F980] =	vst v63;
	v63 =	vadd.s32 v30, v53;
	v21 =	vld.idx.msk [tilespmem:v21+s4+$0x0], $0xffff  }
0x1c5: {  	[tilespmem:$0x1F990] =	vst v17;
	v17 =	vld.idx.msk [tilespmem:v33+s4+$0x0], $0xffff;
	v33 =	vadd.s32 v42, v53  }
0x1c6: {  	v60 =	vadd.s32 v43, v46;
	v25 =	vadd.s32 v40, v53;
	[tilespmem:$0x1F9A0] =	vst v20  }
0x1c7: {  	v62 =	vadd.s32 v29, v46;
	v46 =	vld.idx.msk [tilespmem:v61+s4+$0x0], $0xffff;
	v0 =	vmul.u32 $0xC1, v0;
	v26 =	vadd.s32 v41, v53;
	[tilespmem:$0x1F9B0] =	vst v24  }
0x1c8: {  	[tilespmem:$0x1F9D0] =	vst v18;
	v18 =	vld.idx.msk [tilespmem:v59+s4+$0x0], $0xffff  }
0x1c9: {  	v20 =	vadd.s32 v43, v53;
	v24 =	vadd.s32 v29, v53;
	v59 =	vadd.s32 v37, v0;
	v63 =	vld.idx.msk [tilespmem:v63+s4+$0x0], $0xffff  }
0x1ca: {  	s19 =	sadd.s32 $0x8, s18;
	[tilespmem:$0x1F9E0] =	vst v21;
	v15 =	vld.idx.msk [tilespmem:v33+s4+$0x0], $0xffff;
	v33 =	vadd.s32 v31, v53;
	v53 =	vadd.s32 v4, v0  }
0x1cb: {  	v21 =	vadd.s32 v38, v0;
	[tilespmem:$0x1F9C0] =	vst v17;
	v17 =	vld.idx.msk [tilespmem:v25+s4+$0x0], $0xffff;
	v25 =	vmov s19  }
0x1cc: {  	[tilespmem:$0x1F740] =	vst v14;
	v14 =	vld.idx.msk [tilespmem:v26+s4+$0x0], $0xffff;
	v26 =	vshrl.u32 v25, $0x3  }
0x1cd: {  	v61 =	vld.idx.msk [tilespmem:v62+s4+$0x0], $0xffff;
	v62 =	vshll.u32 v26, v36;
	v26 =	vadd.s32 v39, v0  }
0x1ce: {  	[tilespmem:$0x1F930] =	vst v35;
	v59 =	vld.idx.msk [tilespmem:v59+s4+$0x0], $0xffff;
	v35 =	vbroadcast v62, $0x0  }
0x1cf: {  	v53 =	vld.idx.msk [tilespmem:v53+s4+$0x0], $0xffff  }
0x1d0: {  	[tilespmem:$0x1FA00] =	vst v63;
	v63 =	vld.idx.msk [tilespmem:v21+s4+$0x0], $0xffff  }
0x1d1: {  	v25 =	vld.idx.msk [tilespmem:v33+s4+$0x0], $0xffff;
	v33 =	vadd.s32 v44, v0  }
0x1d2: {  	v62 =	vadd.s32 v41, v0;
	v21 =	vld.idx.msk [tilespmem:v26+s4+$0x0], $0xffff  }
0x1d3: {  	v13 =	vld.idx.msk [tilespmem:v45+s4+$0x0], $0xffff  }
0x1d4: {  	v35 =	vld.idx.msk [tilespmem:v35+s9+$0x0], $0xffff;
	[tilespmem:$0x1FA10] =	vst v53;
	v53 =	vadd.s32 v40, v0  }
0x1d5: {  	s25 =	sadd.s32 $0x9, s18;
	v45 =	vld.idx.msk [tilespmem:v60+s4+$0x0], $0xffff;
	v60 =	vadd.s32 v43, v0;
	[tilespmem:$0x1FA20] =	vst v59  }
0x1d6: {  	v59 =	vadd.s32 v42, v0;
	[tilespmem:$0x1FA30] =	vst v63;
	v63 =	vadd.s32 v29, v0;
	v26 =	vmov s25;
	v33 =	vld.idx.msk [tilespmem:v33+s4+$0x0], $0xffff  }
0x1d7: {  	[tilespmem:$0x1FA40] =	vst v21;
	v21 =	vshrl.u32 v26, $0x3;
	v26 =	vld.idx.msk [tilespmem:v62+s4+$0x0], $0xffff;
	v62 =	vadd.s32 v30, v0;
	v0 =	vadd.s32 v31, v0;
	_ =	sdelay $0x1  }
0x1d8: {  	v35 =	vmul.u32 $0xC1, v35;
	v53 =	vld.idx.msk [tilespmem:v53+s4+$0x0], $0xffff;
	_ =	sdelay $0x1  }
0x1d9: {  	[tilespmem:$0x1FA90] =	vst v33;
	v33 =	vadd.s32 v37, v35  }
0x1da: {  	v0 =	vld.idx.msk [tilespmem:v0+s4+$0x0], $0xffff;
	_ =	sdelay $0x1  }
0x1db: {  	[tilespmem:$0x1FA50] =	vst v53;
	v53 =	vshll.u32 v21, v36;
	v21 =	vld.idx.msk [tilespmem:v60+s4+$0x0], $0xffff  }
0x1dc: {  	[tilespmem:$0x1FA60] =	vst v26;
	v26 =	vadd.s32 v4, v35;
	v60 =	vld.idx.msk [tilespmem:v63+s4+$0x0], $0xffff  }
0x1dd: {  	v33 =	vld.idx.msk [tilespmem:v33+s4+$0x0], $0xffff  }
0x1de: {  	v53 =	vadd.s32 $0x1, v53;
	[tilespmem:$0x1FAC0] =	vst v0;
	v0 =	vadd.s32 v39, v35  }
0x1df: {  	v63 =	vld.idx.msk [tilespmem:v62+s4+$0x0], $0xffff;
	v62 =	vadd.s32 v41, v35;
	v53 =	vbroadcast v53, $0x0  }
0x1e0: {  	[tilespmem:$0x1FA80] =	vst v21  }
0x1e1: {  	[tilespmem:$0x1FAA0] =	vst v60;
	v60 =	vadd.s32 v38, v35;
	v21 =	vld.idx.msk [tilespmem:v26+s4+$0x0], $0xffff  }
0x1e2: {  	v59 =	vld.idx.msk [tilespmem:v59+s4+$0x0], $0xffff;
	[tilespmem:$0x1FAE0] =	vst v33;
	v33 =	vadd.s32 v42, v35  }
0x1e3: {  	[tilespmem:$0x1F9F0] =	vst v18;
	v18 =	vld.idx.msk [tilespmem:v0+s4+$0x0], $0xffff;
	v0 =	vadd.s32 v44, v35  }
0x1e4: {  	v62 =	vld.idx.msk [tilespmem:v62+s4+$0x0], $0xffff  }
0x1e5: {  	v53 =	vld.idx.msk [tilespmem:v53+s9+$0x0], $0xffff  }
0x1e6: {  	s26 =	sadd.s32 $0xA, s18;
	[tilespmem:$0x1FAD0] =	vst v21;
	v21 =	vld.idx.msk [tilespmem:v60+s4+$0x0], $0xffff  }
0x1e7: {  	[tilespmem:$0x1FAB0] =	vst v63;
	v63 =	vmov s26;
	v60 =	vadd.s32 v43, v35;
	v33 =	vld.idx.msk [tilespmem:v33+s4+$0x0], $0xffff  }
0x1e8: {  	[tilespmem:$0x1FA70] =	vst v59;
	v59 =	vshrl.u32 v63, $0x3;
	v63 =	vadd.s32 v29, v35;
	v0 =	vld.idx.msk [tilespmem:v0+s4+$0x0], $0xffff  }
0x1e9: {  	v34 =	vmax.bf16 v9, v34;
	v9 =	vld [tilespmem:$0x1FF60]  }
0x1ea: {  	v58 =	vmax.bf16 v7, v58;
	v56 =	vmax.bf16 v11, v56;
	v11 =	vld [tilespmem:$0x1FF70]  }
0x1eb: {  	v7 =	vld [tilespmem:$0x1F740];
	v26 =	vadd.s32 v40, v35;
	v59 =	vshll.u32 v59, v36;
	[tilespmem:$0x1FB00] =	vst v62;
	v53 =	vmul.u32 $0xC1, v53  }
0x1ec: {  	v62 =	vadd.s32 v30, v35;
	[tilespmem:$0x1FB10] =	vst v33;
	v33 =	vadd.s32 v31, v35;
	v35 =	vadd.s32 $0x2, v59;
	v59 =	vld.idx.msk [tilespmem:v60+s4+$0x0], $0xffff  }
0x1ed: {  	v60 =	vld.idx.msk [tilespmem:v63+s4+$0x0], $0xffff;
	[tilespmem:$0x1FB30] =	vst v0;
	v0 =	vadd.s32 v37, v53  }
0x1ee: {  	v55 =	vmax.bf16 v10, v55;
	v10 =	vld [tilespmem:$0x1F790]  }
0x1ef: {  	v20 =	vld.idx.msk [tilespmem:v20+s4+$0x0], $0xffff  }
0x1f0: {  	v24 =	vld.idx.msk [tilespmem:v24+s4+$0x0], $0xffff;
	v37 =	vadd.s32 v39, v53  }
0x1f1: {  	v63 =	vld.idx.msk [tilespmem:v62+s4+$0x0], $0xffff;
	[tilespmem:$0x1FB20] =	vst v59;
	v59 =	vadd.s32 v4, v53  }
0x1f2: {  	v35 =	vbroadcast v35, $0x0;
	[tilespmem:$0x1FB40] =	vst v60;
	v60 =	vadd.s32 v38, v53;
	v0 =	vld.idx.msk [tilespmem:v0+s4+$0x0], $0xffff  }
0x1f3: {  	v33 =	vld.idx.msk [tilespmem:v33+s4+$0x0], $0xffff  }
0x1f4: {  	v26 =	vld.idx.msk [tilespmem:v26+s4+$0x0], $0xffff  }
0x1f5: {  	v39 =	vadd.s32 v40, v53;
	v37 =	vld.idx.msk [tilespmem:v37+s4+$0x0], $0xffff  }
0x1f6: {  	v62 =	vadd.s32 v41, v53;
	[tilespmem:$0x1FB50] =	vst v63;
	v38 =	vld.idx.msk [tilespmem:v59+s4+$0x0], $0xffff  }
0x1f7: {  	v63 =	vld.idx.msk [tilespmem:v60+s4+$0x0], $0xffff;
	[tilespmem:$0x1FB80] =	vst v0;
	v0 =	vadd.s32 v42, v53  }
0x1f8: {  	v35 =	vld.idx.msk [tilespmem:v35+s9+$0x0], $0xffff;
	[tilespmem:$0x1FB60] =	vst v33;
	v33 =	vadd.s32 v44, v53  }
0x1f9: {  	[tilespmem:$0x1FAF0] =	vst v26;
	v26 =	vld [tilespmem:$0x1F770]  }
0x1fa: {  	v48 =	vmax.bf16 v13, v48;
	v13 =	vld.idx.msk [tilespmem:v39+s4+$0x0], $0xffff;
	v60 =	vadd.s32 v43, v53;
	[tilespmem:$0x1FBA0] =	vst v37  }
0x1fb: {  	s28 =	sadd.s32 $0xB, s18;
	v37 =	vld.idx.msk [tilespmem:v62+s4+$0x0], $0xffff;
	v62 =	vadd.s32 v30, v53;
	[tilespmem:$0x1FB70] =	vst v38  }
0x1fc: {  	[tilespmem:$0x1FB90] =	vst v63;
	v38 =	vmov s28;
	v63 =	vadd.s32 v29, v53;
	v0 =	vld.idx.msk [tilespmem:v0+s4+$0x0], $0xffff  }
0x1fd: {  	v35 =	vmul.u32 $0xC1, v35;
	v33 =	vld.idx.msk [tilespmem:v33+s4+$0x0], $0xffff;
	v39 =	vshrl.u32 v38, $0x3  }
0x1fe: {  	v59 =	vshll.u32 v39, v36;
	v39 =	vld [tilespmem:$0x1F760]  }
0x1ff: {  	v38 =	vadd.s32 $0x3, v59;
	v59 =	vmax.bf16 v3, v7;
	v3 =	vld.idx.msk [tilespmem:v60+s4+$0x0], $0xffff;
	v60 =	vadd.s32 v4, v35  }
0x200: {  	v62 =	vld.idx.msk [tilespmem:v62+s4+$0x0], $0xffff  }
0x201: {  	[tilespmem:$0x1FBC0] =	vst v0;
	v0 =	vadd.s32 v31, v53;
	v53 =	vbroadcast v38, $0x0;
	v38 =	vmax.bf16 v5, v26;
	v26 =	vld.idx.msk [tilespmem:v63+s4+$0x0], $0xffff  }
0x202: {  	v5 =	vld [tilespmem:$0x1FB10]  }
0x203: {  	[tilespmem:$0x1FBB0] =	vst v37;
	v37 =	vmax.bf16 v2, v39;
	v39 =	vld [tilespmem:$0x1F780]  }
0x204: {  	v47 =	vmax.bf16 v58, v47;
	v58 =	vld.idx.msk [tilespmem:v60+s4+$0x0], $0xffff;
	v60 =	vadd.s32 v41, v35  }
0x205: {  	[tilespmem:$0x1FBD0] =	vst v3;
	v3 =	vld [tilespmem:$0x1F750]  }
0x206: {  	v57 =	vmax.bf16 v12, v57;
	v12 =	vld.idx.msk [tilespmem:v0+s4+$0x0], $0xffff  }
0x207: {  	[tilespmem:$0x1FBF0] =	vst v26;
	v26 =	vld [tilespmem:$0x1F7A0]  }
0x208: {  	[tilespmem:$0x1FBE0] =	vst v33;
	v0 =	vadd.s32 v11, v35;
	v33 =	vmax.bf16 v6, v39;
	v39 =	vld [tilespmem:$0x1FF90]  }
0x209: {  	v54 =	vmax.bf16 v59, v54;
	[tilespmem:$0x1FC00] =	vst v62;
	v62 =	vadd.s32 v9, v35;
	v59 =	vld.idx.msk [tilespmem:v60+s4+$0x0], $0xffff  }
0x20a: {  	v60 =	vld [tilespmem:$0x1FF40]  }
0x20b: {  	v36 =	vmax.bf16 v1, v3;
	v3 =	vld [tilespmem:$0x1FAE0]  }
0x20c: {  	v37 =	vmax.bf16 v37, v52;
	v36 =	vmax.bf16 v36, v49;
	v49 =	vld.idx.msk [tilespmem:v53+s9+$0x0], $0xffff  }
0x20d: {  	v52 =	vmax.bf16 v56, v61;
	[tilespmem:$0x1FC10] =	vst v58;
	v58 =	vadd.s32 v40, v35;
	v0 =	vld.idx.msk [tilespmem:v0+s4+$0x0], $0xffff  }
0x20e: {  	s29 =	sadd.s32 $0xC, s18;
	v61 =	vadd.s32 v30, v35;
	v63 =	vadd.s32 v39, v35;
	v39 =	vmax.bf16 v8, v10;
	v10 =	vld.idx.msk [tilespmem:v62+s4+$0x0], $0xffff  }
0x20f: {  	v48 =	vmax.bf16 v48, v26;
	v26 =	vmov s29;
	v62 =	vld [tilespmem:$0x1F7B0]  }
0x210: {  	v33 =	vmax.bf16 v33, v51;
	v51 =	vshrl.u32 v26, $0x3;
	v26 =	vld [tilespmem:$0x1F7E0]  }
0x211: {  	v48 =	vmax.bf16 v48, v27;
	v27 =	vld [tilespmem:$0x1F7F0]  }
0x212: {  	v9 =	vadd.s32 v42, v35;
	v56 =	vld.idx.msk [tilespmem:v58+s4+$0x0], $0xffff  }
0x213: {  	[tilespmem:$0x1FC60] =	vst v59;
	v59 =	vld.idx.msk [tilespmem:v61+s4+$0x0], $0xffff  }
0x214: {  	v11 =	vadd.s32 v43, v35;
	v51 =	vshll.u32 v51, v60;
	v60 =	vld [tilespmem:$0x1FF60]  }
0x215: {  	v61 =	vld [tilespmem:$0x1F830]  }
0x216: {  	v8 =	vld.idx.msk [tilespmem:v63+s4+$0x0], $0xffff  }
0x217: {  	v58 =	vadd.s32 v29, v35;
	v63 =	vld.idx.msk [tilespmem:v9+s4+$0x0], $0xffff  }
0x218: {  	v9 =	vld [tilespmem:$0x1F7C0]  }
0x219: {  	[tilespmem:$0x1FC30] =	vst v10;
	v10 =	vld.idx.msk [tilespmem:v11+s4+$0x0], $0xffff  }
0x21a: {  	v11 =	vld [tilespmem:$0x1F7D0]  }
0x21b: {  	v49 =	vmul.u32 $0xC1, v49;
	v39 =	vmax.bf16 v39, v62;
	v62 =	vld [tilespmem:$0x1F840]  }
0x21c: {  	v46 =	vmax.bf16 v55, v46;
	[tilespmem:$0x1FC40] =	vst v0;
	v0 =	vadd.s32 v44, v35;
	v55 =	vld.idx.msk [tilespmem:v58+s4+$0x0], $0xffff  }
0x21d: {  	v38 =	vmax.bf16 v38, v50;
	v50 =	vadd.s32 v4, v49;
	[tilespmem:$0x1FC50] =	vst v56;
	v56 =	vld [tilespmem:$0x1FF90]  }
0x21e: {  	v58 =	vld [tilespmem:$0x1F820]  }
0x21f: {  	v34 =	vmax.bf16 v34, v45;
	v35 =	vadd.s32 v31, v35;
	v53 =	vadd.s32 v60, v49;
	v60 =	vld [tilespmem:$0x1F8B0]  }
0x220: {  	v34 =	vmax.bf16 v34, v61;
	v61 =	vld [tilespmem:$0x1F8C0]  }
0x221: {  	v0 =	vld.idx.msk [tilespmem:v0+s4+$0x0], $0xffff  }
0x222: {  	v54 =	vmax.bf16 v54, v26;
	v26 =	vld.idx.msk [tilespmem:v50+s4+$0x0], $0xffff  }
0x223: {  	[tilespmem:$0x1FC20] =	vst v8;
	v8 =	vadd.s32 $0x4, v51;
	v51 =	vmax.bf16 v57, v9;
	v57 =	vld [tilespmem:$0x1F810]  }
0x224: {  	[tilespmem:$0x1FC70] =	vst v63;
	v63 =	vld.idx.msk [tilespmem:v35+s4+$0x0], $0xffff  }
0x225: {  	[tilespmem:$0x1FC80] =	vst v10;
	v10 =	vld [tilespmem:$0x1F850]  }
0x226: {  	v47 =	vmax.bf16 v47, v11;
	v11 =	vld [tilespmem:$0x1F860]  }
0x227: {  	v45 =	vbroadcast v8, $0x0;
	v8 =	vld [tilespmem:$0x1FF70]  }
0x228: {  	[tilespmem:$0x1FCA0] =	vst v55;
	v55 =	vld [tilespmem:$0x1F870]  }
0x229: {  	v33 =	vmax.bf16 v33, v58;
	v58 =	vld [tilespmem:$0x1F8A0]  }
0x22a: {  	v46 =	vmax.bf16 v46, v62;
	v62 =	vld.idx.msk [tilespmem:v53+s4+$0x0], $0xffff;
	v53 =	vadd.s32 v43, v49  }
0x22b: {  	[tilespmem:$0x1FC90] =	vst v0;
	v0 =	vmax.bf16 v36, v27;
	v36 =	vld [tilespmem:$0x1F800]  }
0x22c: {  	v38 =	vmax.bf16 v38, v57;
	v57 =	vld [tilespmem:$0x1F890]  }
0x22d: {  	[tilespmem:$0x1FCC0] =	vst v63;
	v63 =	vld [tilespmem:$0x1F8D0]  }
0x22e: {  	v35 =	vadd.s32 v44, v49;
	v52 =	vmax.bf16 v52, v10;
	v10 =	vld [tilespmem:$0x1F8E0]  }
0x22f: {  	v54 =	vmax.bf16 v54, v58;
	v58 =	vld.idx.msk [tilespmem:v53+s4+$0x0], $0xffff  }
0x230: {  	v27 =	vadd.s32 v40, v49;
	v39 =	vmax.bf16 v39, v11;
	v52 =	vmax.bf16 v52, v16;
	v16 =	vld [tilespmem:$0x1F910]  }
0x231: {  	v39 =	vmax.bf16 v39, v19;
	v19 =	vld [tilespmem:$0x1F920]  }
0x232: {  	v51 =	vmax.bf16 v51, v55;
	v45 =	vld.idx.msk [tilespmem:v45+s9+$0x0], $0xffff  }
0x233: {  	v51 =	vmax.bf16 v51, v22;
	v22 =	vld.idx.msk [tilespmem:v35+s4+$0x0], $0xffff  }
0x234: {  	v9 =	vadd.s32 v8, v49;
	v36 =	vmax.bf16 v37, v36;
	v37 =	vadd.s32 v56, v49;
	v56 =	vld [tilespmem:$0x1F880]  }
0x235: {  	v55 =	vadd.s32 v41, v49;
	v11 =	vld.idx.msk [tilespmem:v27+s4+$0x0], $0xffff  }
0x236: {  	v36 =	vmax.bf16 v36, v61;
	v61 =	vld [tilespmem:$0x1FF40]  }
0x237: {  	v38 =	vmax.bf16 v38, v63;
	v63 =	vld [tilespmem:$0x1F8F0]  }
0x238: {  	v33 =	vmax.bf16 v33, v10;
	v10 =	vld [tilespmem:$0x1F900]  }
0x239: {  	v8 =	vld.idx.msk [tilespmem:v9+s4+$0x0], $0xffff  }
0x23a: {  	v0 =	vmax.bf16 v0, v60;
	[tilespmem:$0x1FCF0] =	vst v62;
	v27 =	vadd.s32 v29, v49;
	v60 =	vld.idx.msk [tilespmem:v55+s4+$0x0], $0xffff  }
0x23b: {  	v62 =	vadd.s32 v30, v49;
	[tilespmem:$0x1FD40] =	vst v58;
	v58 =	vld [tilespmem:$0x1F970]  }
0x23c: {  	v0 =	vmax.bf16 v0, v19;
	v19 =	vld [tilespmem:$0x1F9B0]  }
0x23d: {  	s30 =	sadd.s32 $0xD, s18;
	[tilespmem:$0x1FCB0] =	vst v59;
	v59 =	vld.idx.msk [tilespmem:v37+s4+$0x0], $0xffff  }
0x23e: {  	v9 =	vmov s30;
	v48 =	vmax.bf16 v48, v56;
	[tilespmem:$0x1FD10] =	vst v11;
	v11 =	vld [tilespmem:$0x1FF90]  }
0x23f: {  	[tilespmem:$0x1FCD0] =	vst v26;
	v26 =	vshrl.u32 v9, $0x3;
	v35 =	vmax.bf16 v48, v23;
	v23 =	vld.idx.msk [tilespmem:v27+s4+$0x0], $0xffff  }
0x240: {  	v50 =	vshll.u32 v26, v61;
	v26 =	vld.idx.msk [tilespmem:v62+s4+$0x0], $0xffff  }
0x241: {  	v9 =	vadd.s32 v31, v49;
	v27 =	vld [tilespmem:$0x1FF60]  }
0x242: {  	v37 =	vadd.s32 v42, v49;
	v61 =	vld [tilespmem:$0x1F930]  }
0x243: {  	v47 =	vmax.bf16 v47, v57;
	v62 =	vld [tilespmem:$0x1F940]  }
0x244: {  	v47 =	vmax.bf16 v47, v10;
	v10 =	vld [tilespmem:$0x1F990]  }
0x245: {  	[tilespmem:$0x1FD20] =	vst v60;
	v60 =	vld [tilespmem:$0x1F950]  }
0x246: {  	v45 =	vmul.u32 $0xC1, v45;
	v34 =	vmax.bf16 v34, v63;
	v57 =	vadd.s32 $0x5, v50;
	v63 =	vld.idx.msk [tilespmem:v9+s4+$0x0], $0xffff  }
0x247: {  	[tilespmem:$0x1FD00] =	vst v8;
	v49 =	vbroadcast v57, $0x0;
	v8 =	vld.idx.msk [tilespmem:v37+s4+$0x0], $0xffff  }
0x248: {  	v48 =	vadd.s32 v11, v45;
	v11 =	vld [tilespmem:$0x1F9A0]  }
0x249: {  	[tilespmem:$0x1FCE0] =	vst v59;
	v36 =	vmax.bf16 v36, v61;
	v61 =	vld [tilespmem:$0x1F960]  }
0x24a: {  	v59 =	vadd.s32 v4, v45;
	[tilespmem:$0x1FD50] =	vst v26;
	v38 =	vmax.bf16 v38, v62;
	v26 =	vld [tilespmem:$0x1F9C0]  }
0x24b: {  	v38 =	vmax.bf16 v38, v14;
	v14 =	vld [tilespmem:$0x1FA10]  }
0x24c: {  	v36 =	vmax.bf16 v36, v17;
	v17 =	vld [tilespmem:$0x1FA30]  }
0x24d: {  	v46 =	vmax.bf16 v46, v28;
	v28 =	vadd.s32 v27, v45;
	v49 =	vld.idx.msk [tilespmem:v49+s9+$0x0], $0xffff  }
0x24e: {  	v33 =	vmax.bf16 v33, v60;
	v60 =	vadd.s32 v41, v45;
	[tilespmem:$0x1FD30] =	vst v8;
	v8 =	vld [tilespmem:$0x1FF70]  }
0x24f: {  	v62 =	vld.idx.msk [tilespmem:v59+s4+$0x0], $0xffff  }
0x250: {  	[tilespmem:$0x1FD60] =	vst v63;
	v63 =	vadd.s32 v40, v45;
	v59 =	vld [tilespmem:$0x1F980]  }
0x251: {  	v53 =	vmax.bf16 v54, v16;
	v39 =	vmax.bf16 v39, v10;
	v10 =	vadd.s32 v44, v45;
	v16 =	vld.idx.msk [tilespmem:v48+s4+$0x0], $0xffff  }
0x252: {  	v27 =	vld.idx.msk [tilespmem:v28+s4+$0x0], $0xffff  }
0x253: {  	v35 =	vmax.bf16 v35, v19;
	v57 =	vmax.bf16 v51, v11;
	v11 =	vld.idx.msk [tilespmem:v60+s4+$0x0], $0xffff  }
0x254: {  	v35 =	vmax.bf16 v35, v14;
	v14 =	vld [tilespmem:$0x1FA90]  }
0x255: {  	v63 =	vld.idx.msk [tilespmem:v63+s4+$0x0], $0xffff  }
0x256: {  	v48 =	vadd.s32 v42, v45;
	v56 =	vmul.u32 $0xC1, v49;
	v49 =	vld.idx.msk [tilespmem:v10+s4+$0x0], $0xffff  }
0x257: {  	v10 =	vld [tilespmem:$0x1FA00]  }
0x258: {  	v28 =	vadd.s32 v43, v45;
	v9 =	vadd.s32 v8, v45;
	v8 =	vld [tilespmem:$0x1F9D0]  }
0x259: {  	[tilespmem:$0x1FD70] =	vst v62;
	v62 =	vld [tilespmem:$0x1F9E0]  }
0x25a: {  	[tilespmem:$0x1FD80] =	vst v16;
	v16 =	vld [tilespmem:$0x1FF40]  }
0x25b: {  	v51 =	vld.idx.msk [tilespmem:v48+s4+$0x0], $0xffff  }
0x25c: {  	v55 =	vmax.bf16 v52, v59;
	v52 =	vld [tilespmem:$0x1FA40]  }
0x25d: {  	v46 =	vmax.bf16 v46, v58;
	v50 =	vld.idx.msk [tilespmem:v28+s4+$0x0], $0xffff  }
0x25e: {  	v58 =	vmax.bf16 v47, v26;
	v26 =	vadd.s32 v31, v45;
	v28 =	vmax.bf16 v33, v15;
	v15 =	vld [tilespmem:$0x1FF60]  }
0x25f: {  	s31 =	sadd.s32 $0xE, s18;
	[tilespmem:$0x1FDC0] =	vst v11;
	v11 =	vld [tilespmem:$0x1FF90]  }
0x260: {  	v34 =	vmax.bf16 v34, v61;
	v61 =	vmov s31;
	v39 =	vmax.bf16 v39, v10;
	v10 =	vld [tilespmem:$0x1FA70]  }
0x261: {  	v54 =	vshrl.u32 v61, $0x3;
	v9 =	vld.idx.msk [tilespmem:v9+s4+$0x0], $0xffff  }
0x262: {  	v54 =	vshll.u32 v54, v16;
	v16 =	vld [tilespmem:$0x1FA20]  }
0x263: {  	v19 =	vadd.s32 v30, v45;
	v53 =	vmax.bf16 v53, v8;
	v8 =	vadd.s32 v29, v45;
	v45 =	vld.idx.msk [tilespmem:v26+s4+$0x0], $0xffff  }
0x264: {  	v0 =	vmax.bf16 v0, v62;
	v60 =	vadd.s32 v15, v56;
	v15 =	vld [tilespmem:$0x1FAA0]  }
0x265: {  	v57 =	vmax.bf16 v57, v25;
	v25 =	vmov v40;
	v40 =	vmax.bf16 v0, v52;
	v52 =	vld [tilespmem:$0x1FF70]  }
0x266: {  	v62 =	vadd.s32 v4, v56;
	v53 =	vmax.bf16 v53, v17;
	v59 =	vadd.s32 v11, v56;
	v11 =	vld [tilespmem:$0x1FA80]  }
0x267: {  	v55 =	vmax.bf16 v55, v24;
	v24 =	vmov v41;
	v53 =	vmax.bf16 v53, v21;
	v21 =	vld [tilespmem:$0x1FB60]  }
0x268: {  	v26 =	vmov v42;
	v42 =	vadd.s32 v24, v56;
	[tilespmem:$0x1FDA0] =	vst v9;
	v9 =	vld [tilespmem:$0x1F9F0]  }
0x269: {  	v48 =	vld.idx.msk [tilespmem:v8+s4+$0x0], $0xffff  }
0x26a: {  	v8 =	vld [tilespmem:$0x1FA50]  }
0x26b: {  	[tilespmem:$0x1FD90] =	vst v27;
	v27 =	vadd.s32 $0x6, v54;
	v37 =	vld.idx.msk [tilespmem:v62+s4+$0x0], $0xffff  }
0x26c: {  	v54 =	vbroadcast v27, $0x0;
	v58 =	vmax.bf16 v58, v16;
	v16 =	vld [tilespmem:$0x1FAB0]  }
0x26d: {  	v41 =	vmax.bf16 v28, v10;
	v42 =	vld.idx.msk [tilespmem:v42+s4+$0x0], $0xffff  }
0x26e: {  	v41 =	vmax.bf16 v41, v5;
	v5 =	vld [tilespmem:$0x1FB20]  }
0x26f: {  	v34 =	vmax.bf16 v34, v20;
	[tilespmem:$0x1FDB0] =	vst v63;
	v63 =	vld.idx.msk [tilespmem:v60+s4+$0x0], $0xffff  }
0x270: {  	v27 =	vmov v43;
	v43 =	vmax.bf16 v34, v11;
	v34 =	vld.idx.msk [tilespmem:v59+s4+$0x0], $0xffff  }
0x271: {  	v17 =	vadd.s32 v27, v56;
	v11 =	vld [tilespmem:$0x1FF40]  }
0x272: {  	v54 =	vld.idx.msk [tilespmem:v54+s9+$0x0], $0xffff  }
0x273: {  	v47 =	vmax.bf16 v46, v9;
	v46 =	vld.idx.msk [tilespmem:v19+s4+$0x0], $0xffff  }
0x274: {  	v59 =	vadd.s32 v26, v56;
	v19 =	vld [tilespmem:$0x1FF70]  }
0x275: {  	v55 =	vmax.bf16 v55, v15;
	v15 =	vadd.s32 v31, v56;
	v9 =	vld [tilespmem:$0x1FA60]  }
0x276: {  	s18 =	sadd.s32 $0xF, s18;
	v28 =	vmov v44;
	v44 =	vld.idx.msk [tilespmem:v17+s4+$0x0], $0xffff  }
0x277: {  	v36 =	vmax.bf16 v36, v8;
	v8 =	vmov s18;
	v43 =	vmax.bf16 v43, v5;
	v5 =	vld [tilespmem:$0x1FF90]  }
0x278: {  	v60 =	vshrl.u32 v8, $0x3;
	v8 =	vld [tilespmem:$0x1FB70]  }
0x279: {  	v3 =	vmax.bf16 v58, v3;
	v58 =	vld.idx.msk [tilespmem:v59+s4+$0x0], $0xffff  }
0x27a: {  	v59 =	vld.idx.msk [tilespmem:v15+s4+$0x0], $0xffff  }
0x27b: {  	v60 =	vshll.u32 v60, v11;
	v11 =	vld [tilespmem:$0x1FBA0]  }
0x27c: {  	v39 =	vmax.bf16 v39, v16;
	v15 =	vld [tilespmem:$0x1FBC0];
	v16 =	vadd.s32 $0x7, v60  }
0x27d: {  	v47 =	vmax.bf16 v47, v14;
	v60 =	vbroadcast v16, $0x0;
	v16 =	vld [tilespmem:$0x1FBD0]  }
0x27e: {  	v14 =	vadd.s32 v30, v56;
	v54 =	vmul.u32 $0xC1, v54;
	v20 =	vadd.s32 v19, v56;
	v19 =	vld [tilespmem:$0x1FAC0]  }
0x27f: {  	v38 =	vmax.bf16 v38, v9;
	v9 =	vld [tilespmem:$0x1FAD0]  }
0x280: {  	v17 =	vadd.s32 v4, v54;
	v4 =	vld [tilespmem:$0x1FAF0]  }
0x281: {  	v40 =	vmax.bf16 v40, v18;
	v18 =	vadd.s32 v5, v54;
	v5 =	vld [tilespmem:$0x1FB30]  }
0x282: {  	v6 =	vadd.s32 v52, v54;
	v52 =	vld [tilespmem:$0x1FC20]  }
0x283: {  	v62 =	vadd.s32 v25, v56;
	v33 =	vld.idx.msk [tilespmem:v14+s4+$0x0], $0xffff  }
0x284: {  	v14 =	vld [tilespmem:$0x1FBB0]  }
0x285: {  	v10 =	vadd.s32 v29, v56;
	v41 =	vmax.bf16 v41, v15;
	v15 =	vld [tilespmem:$0x1FC40]  }
0x286: {  	v43 =	vmax.bf16 v43, v16;
	v16 =	vld [tilespmem:$0x1FC50]  }
0x287: {  	v61 =	vld.idx.msk [tilespmem:v20+s4+$0x0], $0xffff  }
0x288: {  	v1 =	vmax.bf16 v35, v9;
	v35 =	vld.idx.msk [tilespmem:v62+s4+$0x0], $0xffff  }
0x289: {  	v36 =	vmax.bf16 v36, v4;
	v4 =	vld [tilespmem:$0x1FB00]  }
0x28a: {  	v0 =	vmax.bf16 v57, v19;
	v57 =	vld.idx.msk [tilespmem:v10+s4+$0x0], $0xffff  }
0x28b: {  	v47 =	vmax.bf16 v47, v5;
	v5 =	vld [tilespmem:$0x1FB40]  }
0x28c: {  	v19 =	vld [tilespmem:$0x1FF60]  }
0x28d: {  	v9 =	vld [tilespmem:$0x1FB80]  }
0x28e: {  	v20 =	vadd.s32 v28, v56;
	v56 =	vld.idx.msk [tilespmem:v17+s4+$0x0], $0xffff  }
0x28f: {  	v7 =	vadd.s32 v25, v54;
	v10 =	vld [tilespmem:$0x1FB90]  }
0x290: {  	v60 =	vld.idx.msk [tilespmem:v60+s9+$0x0], $0xffff  }
0x291: {  	v62 =	vld.idx.msk [tilespmem:v18+s4+$0x0], $0xffff  }
0x292: {  	v40 =	vmax.bf16 v40, v11;
	v11 =	vadd.s32 v28, v54;
	v18 =	vld [tilespmem:$0x1FBE0]  }
0x293: {  	v6 =	vld.idx.msk [tilespmem:v6+s4+$0x0], $0xffff  }
0x294: {  	v7 =	vld.idx.msk [tilespmem:v7+s4+$0x0], $0xffff;
	v3 =	vmax.bf16 v3, v9  }
0x295: {  	v3 =	vmax.bf16 v3, v52;
	v52 =	vld [tilespmem:$0x1FC90]  }
0x296: {  	v0 =	vmax.bf16 v0, v21;
	v21 =	vld [tilespmem:$0x1FC10]  }
0x297: {  	v11 =	vld.idx.msk [tilespmem:v11+s4+$0x0], $0xffff  }
0x298: {  	v4 =	vmax.bf16 v38, v4;
	v38 =	vld.idx.msk [tilespmem:v20+s4+$0x0], $0xffff  }
0x299: {  	v20 =	vld [tilespmem:$0x1FB50];
	v47 =	vmax.bf16 v47, v18  }
0x29a: {  	v36 =	vmax.bf16 v36, v13;
	v47 =	vmax.bf16 v47, v52;
	v52 =	vld [tilespmem:$0x1FCE0]  }
0x29b: {  	v17 =	vadd.s32 v27, v54;
	v1 =	vmax.bf16 v1, v8;
	v36 =	vmax.bf16 v36, v16;
	v16 =	vld [tilespmem:$0x1FF60]  }
0x29c: {  	v8 =	vadd.s32 v24, v54;
	v55 =	vmax.bf16 v55, v5;
	v5 =	vadd.s32 v19, v54;
	v19 =	vld [tilespmem:$0x1FBF0]  }
0x29d: {  	v18 =	vld [tilespmem:$0x1FC60]  }
0x29e: {  	v39 =	vmax.bf16 v39, v20;
	v20 =	vld [tilespmem:$0x1FC00]  }
0x29f: {  	v3 =	vmax.bf16 v3, v52;
	v52 =	vld [tilespmem:$0x1FD20]  }
0x2a0: {  	v53 =	vmax.bf16 v53, v10;
	v10 =	vld.idx.msk [tilespmem:v17+s4+$0x0], $0xffff  }
0x2a1: {  	v13 =	vadd.s32 v30, v54;
	v0 =	vmax.bf16 v0, v12;
	v8 =	vld.idx.msk [tilespmem:v8+s4+$0x0], $0xffff  }
0x2a2: {  	v12 =	vadd.s32 v29, v54;
	v4 =	vmax.bf16 v4, v14;
	v1 =	vmax.bf16 v1, v21;
	v21 =	vld [tilespmem:$0x1FC80]  }
0x2a3: {  	v4 =	vmax.bf16 v4, v18;
	v39 =	vmax.bf16 v39, v20;
	v20 =	vld [tilespmem:$0x1FF90]  }
0x2a4: {  	v4 =	vmax.bf16 v4, v52;
	v52 =	vld [tilespmem:$0x1FD40]  }
0x2a5: {  	v14 =	vld [tilespmem:$0x1FC30]  }
0x2a6: {  	v9 =	vadd.s32 v26, v54;
	v60 =	vmul.u32 $0xC1, v60;
	v13 =	vld.idx.msk [tilespmem:v13+s4+$0x0], $0xffff  }
0x2a7: {  	v12 =	vld.idx.msk [tilespmem:v12+s4+$0x0], $0xffff  }
0x2a8: {  	v40 =	vmax.bf16 v40, v15;
	v43 =	vmax.bf16 v43, v21;
	v15 =	vadd.s32 v20, v60;
	v20 =	vld [tilespmem:$0x1FCC0]  }
0x2a9: {  	v43 =	vmax.bf16 v43, v52;
	v52 =	vld [tilespmem:$0x1FD60]  }
0x2aa: {  	v5 =	vld.idx.msk [tilespmem:v5+s4+$0x0], $0xffff  }
0x2ab: {  	v54 =	vadd.s32 v31, v54;
	v9 =	vld.idx.msk [tilespmem:v9+s4+$0x0], $0xffff  }
0x2ac: {  	v55 =	vmax.bf16 v55, v19;
	v19 =	vld [tilespmem:$0x1FC70]  }
0x2ad: {  	v21 =	vld [tilespmem:$0x1FCD0];
	v0 =	vmax.bf16 v0, v20  }
0x2ae: {  	v0 =	vmax.bf16 v0, v52;
	v52 =	vld [tilespmem:$0x1FD70]  }
0x2af: {  	v2 =	vadd.s32 v30, v60;
	v18 =	vld [tilespmem:$0x1FCB0]  }
0x2b0: {  	v17 =	vlaneseq.u32;
	v54 =	vld.idx.msk [tilespmem:v54+s4+$0x0], $0xffff  }
0x2b1: {  	v16 =	vadd.s32 v16, v60;
	v53 =	vmax.bf16 v53, v14;
	v14 =	vadd.s32 v17, v60;
	v17 =	vld [tilespmem:$0x1FCA0]  }
0x2b2: {  	v41 =	vmax.bf16 v41, v19;
	v19 =	vld [tilespmem:$0x1FF70];
	v1 =	vmax.bf16 v1, v21  }
0x2b3: {  	v1 =	vmax.bf16 v1, v52;
	v52 =	vld [tilespmem:$0x1FD80]  }
0x2b4: {  	v2 =	vld.idx.msk [tilespmem:v2+s4+$0x0], $0xffff  }
0x2b5: {  	v21 =	vld [tilespmem:$0x1FD10]  }
0x2b6: {  	v16 =	vld.idx.msk [tilespmem:v16+s4+$0x0], $0xffff  }
0x2b7: {  	v55 =	vmax.bf16 v55, v17;
	v17 =	vadd.s32 v19, v60;
	v19 =	vld [tilespmem:$0x1FCF0]  }
0x2b8: {  	v3 =	vmax.bf16 v3, v52;
	v52 =	vld [tilespmem:$0x1FD90]  }
0x2b9: {  	v47 =	vmax.bf16 v47, v22;
	v22 =	vadd.s32 v28, v60;
	v55 =	vmax.bf16 v55, v23;
	v23 =	vld [tilespmem:$0x1FD50]  }
0x2ba: {  	v39 =	vmax.bf16 v39, v18;
	v18 =	vadd.s32 v25, v60;
	v36 =	vmax.bf16 v36, v21;
	v21 =	vld [tilespmem:$0x1FD30]  }
0x2bb: {  	v20 =	vld [tilespmem:$0x1FD00]  }
0x2bc: {  	v14 =	vld.idx.msk [tilespmem:v14+s4+$0x0], $0xffff;
	v53 =	vmax.bf16 v53, v19  }
0x2bd: {  	v53 =	vmax.bf16 v53, v52;
	v52 =	vld [tilespmem:$0x1FDA0]  }
0x2be: {  	v22 =	vld.idx.msk [tilespmem:v22+s4+$0x0], $0xffff;
	v39 =	vmax.bf16 v39, v23;
	v23 =	vadd.s32 v29, v60  }
0x2bf: {  	v18 =	vld.idx.msk [tilespmem:v18+s4+$0x0], $0xffff;
	v19 =	vadd.s32 v24, v60;
	v41 =	vmax.bf16 v41, v21;
	v21 =	vadd.s32 v27, v60  }
0x2c0: {  	v15 =	vld.idx.msk [tilespmem:v15+s4+$0x0], $0xffff;
	v40 =	vmax.bf16 v40, v20;
	v20 =	vadd.s32 v26, v60;
	v60 =	vadd.s32 v31, v60  }
0x2c1: {  	v17 =	vld.idx.msk [tilespmem:v17+s4+$0x0], $0xffff  }
0x2c2: {  	v40 =	vmax.bf16 v40, v52;
	v52 =	vld [tilespmem:$0x1FDB0]  }
0x2c3: {  	v23 =	vld.idx.msk [tilespmem:v23+s4+$0x0], $0xffff  }
0x2c4: {  	v47 =	vmax.bf16 v47, v49;
	v48 =	vmax.bf16 v55, v48;
	v19 =	vld.idx.msk [tilespmem:v19+s4+$0x0], $0xffff  }
0x2c5: {  	v39 =	vmax.bf16 v39, v46;
	v41 =	vmax.bf16 v41, v51;
	v0 =	vmax.bf16 v0, v45;
	v51 =	vld.idx.msk [tilespmem:v60+s4+$0x0], $0xffff  }
0x2c6: {  	v43 =	vmax.bf16 v43, v50;
	v0 =	vmax.bf16 v0, v59;
	v20 =	vld.idx.msk [tilespmem:v20+s4+$0x0], $0xffff;
	v1 =	vmax.bf16 v1, v37  }
0x2c7: {  	v1 =	vmax.bf16 v1, v56;
	v50 =	vmax.bf16 v53, v63;
	v36 =	vmax.bf16 v36, v52;
	v52 =	vld [tilespmem:$0x1FDC0]  }
0x2c8: {  	v21 =	vld.idx.msk [tilespmem:v21+s4+$0x0], $0xffff;
	v1 =	vmax.bf16 v1, v14;
	v3 =	vmax.bf16 v3, v34;
	v5 =	vmax.bf16 v50, v5  }
0x2c9: {  	v0 =	vmax.bf16 v0, v54;
	[tilespmem:s16+$0xFFFFFFA0] =	vst v1;
	v3 =	vmax.bf16 v3, v62;
	v5 =	vmax.bf16 v5, v16  }
0x2ca: {  	v0 =	vmax.bf16 v0, v51;
	v3 =	vmax.bf16 v3, v15;
	[tilespmem:s16+$0xFFFFFFC0] =	vst v5;
	v5 =	vmax.bf16 v41, v58  }
0x2cb: {  	[tilespmem:s16+$0x50] =	vst v0;
	v5 =	vmax.bf16 v5, v9;
	v60 =	vmax.bf16 v40, v61;
	v61 =	vmax.bf16 v36, v35  }
0x2cc: {  	[tilespmem:s16+$0xFFFFFFB0] =	vst v3;
	v5 =	vmax.bf16 v5, v20;
	v1 =	vmax.bf16 v61, v7;
	v4 =	vmax.bf16 v4, v52  }
0x2cd: {  	v6 =	vmax.bf16 v60, v6;
	[tilespmem:s16+$0x0] =	vst v5;
	v1 =	vmax.bf16 v1, v18;
	v3 =	vmax.bf16 v4, v42  }
0x2ce: {  	v62 =	vmax.bf16 v47, v38;
	[tilespmem:s16+$0xFFFFFFE0] =	vst v1;
	v4 =	vmax.bf16 v6, v17;
	v3 =	vmax.bf16 v3, v8  }
0x2cf: {  	p1 =	sne.s32 s17, $0x7F0;
	v1 =	vmax.bf16 v62, v11;
	[tilespmem:s16+$0xFFFFFFD0] =	vst v4;
	v4 =	vmax.bf16 v43, v44;
	v3 =	vmax.bf16 v3, v19  }
.Ltmp2:
0x2d0: {  	v1 =	vmax.bf16 v1, v22;
	v4 =	vmax.bf16 v4, v10;
	[tilespmem:s16+$0xFFFFFFF0] =	vst v3;
	v3 =	vmax.bf16 v48, v57;
	(pc) =	sbr.rel @p1 .LBB2_7-.Ltmp2, $4  }
0x2d1: {  	v37 =	vld [tilespmem:$0x1FF90];
	v5 =	vmax.bf16 v39, v33;
	[tilespmem:s16+$0x20] =	vst v1;
	v4 =	vmax.bf16 v4, v21;
	v3 =	vmax.bf16 v3, v12  }
0x2d2: {  	v38 =	vld [tilespmem:$0x1FF60];
	[tilespmem:s16+$0x10] =	vst v4;
	v4 =	vmax.bf16 v5, v13;
	v3 =	vmax.bf16 v3, v23  }
0x2d3: {  	v54 =	vmovc v31;
	v53 =	vmovc v30;
	v41 =	vmov v24;
	v39 =	vld [tilespmem:$0x1FF70];
	v40 =	vmov v25;
	v63 =	vmax.bf16 v4, v2;
	[tilespmem:s16+$0x30] =	vst v3  }
0x2d4: {  	s17 =	sadd.s32 $0x10, s17;
	v36 =	vld [tilespmem:$0x1FF40];
	v52 =	vmovc v29;
	v42 =	vmovc v26;
	v44 =	vmov v28;
	v43 =	vmov v27;
	v4 =	vlaneseq.u32;
	[tilespmem:s16+$0x40] =	vst v63;
	s16 =	sadd.s32 $0xC0, s16  }
0x2d5: {  	s14 =	sor.u32 s7, s14  }
0x2d6: {  	s14 =	smul.u32 $0x18, s14;
	_ =	sdelay $0x1  }
.Ltmp3:
0x2d7: {  	s14 =	sadd.s32 s1, s14;
	(pc) =	sbr.rel @p0 .LBB2_6-.Ltmp3, $4  }
0x2d8: {  	[hbm4b:s14+s4] =	stream.linear.scatter [tilespmem:s12], [sflag:$0x1], $0x6000, $0x38;
	[tilespmem:$0x17100] =	vst v63  }
0x2d9: {  	_ =	swait.ge [sflag:s10], $0x6000  }
0x2da: {  	[sflag:s10] =	ssyncset.done $0x0  }
0x2db: {  	p1 =	por $0x0, $0x0;
	s14 =	simm.s32 $0x80;
	[sflag:s10] =	ssyncadd.s32 $0xFFFFA000  }
0x2dc: {  	v1 =	vld [tilespmem:$0x1FDD0]  }
0x2dd: {  	v2 =	vld [tilespmem:$0x1FDE0]  }
0x2de: {  	v3 =	vld [tilespmem:$0x1FDF0]  }
0x2df: {  	v5 =	vld [tilespmem:$0x1FE00]  }
0x2e0: {  	v6 =	vld [tilespmem:$0x1FE10]  }
0x2e1: {  	v7 =	vld [tilespmem:$0x1FE20]  }
0x2e2: {  	v8 =	vld [tilespmem:$0x1FE30]  }
0x2e3: {  	v9 =	vld [tilespmem:$0x1FE40]  }
0x2e4: {  	v10 =	vld [tilespmem:$0x1FE50]  }
0x2e5: {  	v11 =	vld [tilespmem:$0x1FE60]  }
0x2e6: {  	v12 =	vld [tilespmem:$0x1FE70]  }
0x2e7: {  	v13 =	vld [tilespmem:$0x1FE80]  }
0x2e8: {  	v14 =	vld [tilespmem:$0x1FE90]  }
0x2e9: {  	v15 =	vld [tilespmem:$0x1FEA0]  }
0x2ea: {  	v16 =	vld [tilespmem:$0x1FEB0]  }
0x2eb: {  	v17 =	vld [tilespmem:$0x1FEC0]  }
0x2ec: {  	v18 =	vld [tilespmem:$0x1FED0]  }
0x2ed: {  	v19 =	vld [tilespmem:$0x1FEE0]  }
0x2ee: {  	v20 =	vld [tilespmem:$0x1FEF0]  }
0x2ef: {  	v21 =	vld [tilespmem:$0x1FF00]  }
0x2f0: {  	v22 =	vld [tilespmem:$0x1FF10]  }
0x2f1: {  	v23 =	vld [tilespmem:$0x1FF20]  }
0x2f2: {  	v35 =	vld [tilespmem:$0x1FF30]  }
0x2f3: {  	v24 =	vld [tilespmem:$0x1FF50]  }
0x2f4: {  	s13 =	sadd.s32 $0x1, s13;
	v25 =	vld [tilespmem:$0x1FF80]  }
0x2f5: {  	v26 =	vld [tilespmem:$0x1FFA0];
	p0 =	sne.s32 s13, s8  }
.Ltmp4:
0x2f6: {  	v27 =	vld [tilespmem:$0x1FFB0];
	(pc) =	sbr.rel @p0 .LBB2_1-.Ltmp4, $4  }
0x2f7: {  	v28 =	vld [tilespmem:$0x1FFC0]  }
0x2f8: {  	v29 =	vld [tilespmem:$0x1FFD0]  }
0x2f9: {  	v30 =	vld [tilespmem:$0x1FFE0]  }
0x2fa: {  	v31 =	vld [tilespmem:$0x1FFF0]  }
0x2fb: {  	_ =	sfence.sel $0x180000  }
0x2fc: {  	[bflag:$0x0] =	sbarrier.arrive $0xFFFF  }
0x2fd: {  	p0 =	sne.s32 s2, $0x0;
	_ =	strace $0x90000047  }
0x2fe: {  	s0 =	sadd.s32 @!p0 $0x100000, s3;
	[bflag:$0x2] =	sbarrier.arrive $0xFFFF  }
0x2ff: {  	[sflag:s0] =	ssyncadd.tile.s32 @!p0 $0x1;
	_ =	shalt  }
.Lfunc_end2:
_tile_overlayer_lowered:
.L_overlay_start_2:
0x300: {  	(tag) =	ssettag $0x2  }
0x301: {  	s0 =	rddreg [dreg:$0x0];
	s2 =	stileid.u32  }
0x302: {  	s1 =	rddreg [dreg:$0x1];
	p0 =	sne.s32 s2, $0x0  }
0x303: {  	s3 =	rddreg [dreg:$0x2];
	[bflag:$0x3] =	sbarrier.arrive $0xFFFF;
	s2 =	simm.s32 @!p0 $0x1C01  }
0x304: {  	[timem:s3], [sflag:s2] =	dma.local @!p0 [hbm:s0], s1  }
0x305: {  	s0 =	simm.s32 @!p0 $0x1  }
0x306: {  	_ =	swait.ge @!p0 [sflag:s0], s1  }
0x307: {  	s1 =	ssub.s32 @!p0 $0x0, s1;
	[sflag:s0] =	ssyncset.done @!p0 $0x0  }
0x308: {  	[sflag:s0] =	ssyncadd.s32 @!p0 s1  }
0x309: {  	[bflag:$0x3] =	sbarrier.arrive $0xFFFF  }
0x30a: {  	_ =	shalt  }

</sc_bundles>
